<compile_context>
chip_gen: v7x
topology: tpu7x:2x2x1
jax: 0.10.2.dev20260603
libtpu: 0.0.44.dev20260713+nightly
codegen_flags: <defaults>
</compile_context>

<pallas_src>
import functools

import jax
import jax.numpy as jnp
from jax import lax
from jax.experimental import pallas as pl
from jax.experimental.pallas import tpu as pltpu
from jax.experimental.pallas import tpu_sc as plsc

N_NODES = 50000
N_PAD = 50176
TRASH = N_NODES
STRIPE = N_PAD // 16
E_EDGES = 800000
CHUNK = 128
NCHUNK_TOT = E_EDGES // CHUNK
NC, NS = 2, 16
NW = NC * NS
NCH_BASE = NCHUNK_TOT // NW
NCH_XTRA = NCHUNK_TOT - NCH_BASE * NW
MAXCH = NCH_BASE + 1
F_IN = 64
F_OUT = 16

_mesh = plsc.VectorSubcoreMesh(core_axis_name="c", subcore_axis_name="s")


def _tile_work():
    wid = lax.axis_index("s") * NC + lax.axis_index("c")
    base = wid * NCH_BASE + jnp.minimum(wid, NCH_XTRA)
    nch = NCH_BASE + jnp.where(wid < NCH_XTRA, 1, 0)
    return wid, base, nch



@functools.partial(
    pl.kernel,
    out_type=[
        jax.ShapeDtypeStruct((N_PAD,), jnp.float32),
        jax.ShapeDtypeStruct((N_PAD,), jnp.float32),
        jax.ShapeDtypeStruct((NCHUNK_TOT, CHUNK), jnp.int32),
    ],
    mesh=_mesh,
    compiler_params=pltpu.CompilerParams(use_tc_tiling_on_sc=False),
    scratch_types=[
        pltpu.VMEM((MAXCH * CHUNK,), jnp.int32),
        pltpu.VMEM((MAXCH * CHUNK,), jnp.int32),
        pltpu.VMEM((MAXCH, CHUNK), jnp.int32),
        pltpu.VMEM((CHUNK,), jnp.float32),
        pltpu.VMEM((112,), jnp.float32),
        pltpu.VMEM_SHARED((N_PAD,), jnp.float32),
        pltpu.SemaphoreType.DMA,
    ],
)
def _sc_degree(ei_hbm, deg0_out, deg1_out, rowp_out,
               row_v, col_v, rowp_v, ones_v, stage_v, acc, sem):
    c = lax.axis_index("c")
    s = lax.axis_index("s")
    wid, cbase, nch = _tile_work()
    ebase = cbase * CHUNK
    pltpu.sync_copy(ei_hbm.at[0, pl.ds(ebase, NCH_BASE * CHUNK)],
                    row_v.at[pl.ds(0, NCH_BASE * CHUNK)])
    pltpu.sync_copy(ei_hbm.at[1, pl.ds(ebase, NCH_BASE * CHUNK)],
                    col_v.at[pl.ds(0, NCH_BASE * CHUNK)])

    @pl.when(wid < NCH_XTRA)
    def _():
        off = NCH_BASE * CHUNK
        pltpu.sync_copy(ei_hbm.at[0, pl.ds(ebase + off, CHUNK)],
                        row_v.at[pl.ds(off, CHUNK)])
        pltpu.sync_copy(ei_hbm.at[1, pl.ds(ebase + off, CHUNK)],
                        col_v.at[pl.ds(off, CHUNK)])

    def zfill(i, carry):
        stage_v[pl.ds(i * 16, 16)] = jnp.zeros((16,), jnp.float32)
        return carry

    lax.fori_loop(0, 7, zfill, 0)

    def zcopy(i, carry):
        pltpu.sync_copy(stage_v, acc.at[pl.ds(s * STRIPE + i * 112, 112)])
        return carry

    lax.fori_loop(0, STRIPE // 112, zcopy, 0)
    for i in range(CHUNK // 16):
        ones_v[pl.ds(i * 16, 16)] = jnp.full((16,), 1.0, jnp.float32)

    def redirect(j, carry):
        for v in range(CHUNK // 16):
            off = j * CHUNK + v * 16
            r = row_v[pl.ds(off, 16)]
            cc = col_v[pl.ds(off, 16)]
            rowp_v[j, pl.ds(v * 16, 16)] = jnp.where(r == cc, TRASH, r)
        return carry

    lax.fori_loop(0, nch, redirect, 0)
    plsc.subcore_barrier()

    W = 8

    def scatter(j, carry):
        @pl.when(j >= W)
        def _():
            pltpu.make_async_copy(ones_v, acc.at[rowp_v.at[j - W]], sem).wait()

        pltpu.async_copy(ones_v, acc.at[rowp_v.at[j]], sem, add=True)
        return carry

    lax.fori_loop(0, nch, scatter, 0)

    def drain(k, carry):
        pltpu.make_async_copy(ones_v, acc.at[rowp_v.at[nch - W + k]],
                              sem).wait()
        return carry

    lax.fori_loop(0, W, drain, 0)

    pltpu.sync_copy(rowp_v.at[pl.ds(0, NCH_BASE), :],
                    rowp_out.at[pl.ds(cbase, NCH_BASE), :])

    @pl.when(wid < NCH_XTRA)
    def _():
        pltpu.sync_copy(rowp_v.at[pl.ds(NCH_BASE, 1), :],
                        rowp_out.at[pl.ds(cbase + NCH_BASE, 1), :])

    plsc.subcore_barrier()

    @pl.when(c == 0)
    def _():
        def dump0(i, carry):
            pltpu.sync_copy(acc.at[pl.ds(s * STRIPE + i * 112, 112)], stage_v)
            pltpu.sync_copy(stage_v,
                            deg0_out.at[pl.ds(s * STRIPE + i * 112, 112)])
            return carry

        lax.fori_loop(0, STRIPE // 112, dump0, 0)

    @pl.when(c == 1)
    def _():
        def dump1(i, carry):
            pltpu.sync_copy(acc.at[pl.ds(s * STRIPE + i * 112, 112)], stage_v)
            pltpu.sync_copy(stage_v,
                            deg1_out.at[pl.ds(s * STRIPE + i * 112, 112)])
            return carry

        lax.fori_loop(0, STRIPE // 112, dump1, 0)



@functools.partial(
    pl.kernel,
    out_type=[
        jax.ShapeDtypeStruct((N_PAD, F_OUT), jnp.float32),
        jax.ShapeDtypeStruct((N_PAD, F_OUT), jnp.float32),
    ],
    mesh=_mesh,
    compiler_params=pltpu.CompilerParams(use_tc_tiling_on_sc=False),
    scratch_types=[
        pltpu.VMEM((MAXCH * CHUNK,), jnp.int32),
        pltpu.VMEM((MAXCH, CHUNK), jnp.int32),
        pltpu.VMEM((12, CHUNK, F_OUT), jnp.float32),
        pltpu.VMEM((112, F_OUT), jnp.float32),
        pltpu.VMEM_SHARED((N_PAD, F_OUT), jnp.float32),
        pltpu.SemaphoreType.DMA,
        pltpu.SemaphoreType.DMA,
    ],
)
def _sc_spmm(tab_hbm, ei_hbm, rowp_hbm, acc0_out, acc1_out,
             col_v, rowp_v, buf, stage_v, acc, semg, sems):
    c = lax.axis_index("c")
    s = lax.axis_index("s")
    wid, cbase, nch = _tile_work()
    ebase = cbase * CHUNK
    pltpu.sync_copy(ei_hbm.at[1, pl.ds(ebase, NCH_BASE * CHUNK)],
                    col_v.at[pl.ds(0, NCH_BASE * CHUNK)])
    pltpu.sync_copy(rowp_hbm.at[pl.ds(cbase, NCH_BASE), :],
                    rowp_v.at[pl.ds(0, NCH_BASE), :])

    @pl.when(wid < NCH_XTRA)
    def _():
        pltpu.sync_copy(ei_hbm.at[1, pl.ds(ebase + NCH_BASE * CHUNK, CHUNK)],
                        col_v.at[pl.ds(NCH_BASE * CHUNK, CHUNK)])
        pltpu.sync_copy(rowp_hbm.at[pl.ds(cbase + NCH_BASE, 1), :],
                        rowp_v.at[pl.ds(NCH_BASE, 1), :])

    def zfill(i, carry):
        stage_v[i, pl.ds(0, 16)] = jnp.zeros((16,), jnp.float32)
        return carry

    lax.fori_loop(0, 112, zfill, 0)

    def zcopy(i, carry):
        pltpu.sync_copy(stage_v, acc.at[pl.ds(s * STRIPE + i * 112, 112), :])
        return carry

    lax.fori_loop(0, STRIPE // 112, zcopy, 0)
    plsc.subcore_barrier()

    def _gather(j, slot):
        pltpu.async_copy(tab_hbm.at[col_v.at[pl.ds(j * CHUNK, CHUNK)]],
                         buf.at[slot], semg)

    def _wait_gather(j, slot):
        pltpu.make_async_copy(tab_hbm.at[col_v.at[pl.ds(j * CHUNK, CHUNK)]],
                              buf.at[slot], semg).wait()

    def _wait_scatter(j, slot):
        pltpu.make_async_copy(buf.at[slot], acc.at[rowp_v.at[j]], sems).wait()

    for k in range(9):
        _gather(k, k)

    def body(j, carry):
        @pl.when(j >= 3)
        def _():
            _wait_scatter(j - 3, (j - 3) % 12)

        @pl.when(j + 9 < nch)
        def _():
            _gather(j + 9, (j + 9) % 12)

        _wait_gather(j, j % 12)
        pltpu.async_copy(buf.at[j % 12], acc.at[rowp_v.at[j]], sems, add=True)
        return carry

    lax.fori_loop(0, nch, body, 0)
    for k in range(3):
        _wait_scatter(nch - 3 + k, (nch - 3 + k) % 12)
    plsc.subcore_barrier()

    @pl.when(c == 0)
    def _():
        def dump0(i, carry):
            pltpu.sync_copy(acc.at[pl.ds(s * STRIPE + i * 112, 112), :],
                            stage_v)
            pltpu.sync_copy(stage_v,
                            acc0_out.at[pl.ds(s * STRIPE + i * 112, 112), :])
            return carry

        lax.fori_loop(0, STRIPE // 112, dump0, 0)

    @pl.when(c == 1)
    def _():
        def dump1(i, carry):
            pltpu.sync_copy(acc.at[pl.ds(s * STRIPE + i * 112, 112), :],
                            stage_v)
            pltpu.sync_copy(stage_v,
                            acc1_out.at[pl.ds(s * STRIPE + i * 112, 112), :])
            return carry

        lax.fori_loop(0, STRIPE // 112, dump1, 0)



_BN = 5000



NR = N_PAD // 8
NRX = N_NODES // 8
_RB = NR // 8
_GRID = 8


def _rep_mat():
    return jnp.repeat(jnp.eye(8, dtype=jnp.float32), F_OUT, axis=1)


def _dis128(d0_ref, d1_ref):
    deg = d0_ref[...] + d1_ref[...]
    dis8 = jnp.where(deg > 0, lax.rsqrt(deg), 0.0)
    return jnp.dot(dis8, _rep_mat(), preferred_element_type=jnp.float32)


def _tc_m_body(x_ref, w_ref, y0_ref, y1_ref, y2_ref):
    xb = x_ref[...]
    w = w_ref[...]
    y0_ref[...] = jnp.dot(xb, w[0], preferred_element_type=jnp.float32)
    y1_ref[...] = jnp.dot(xb, w[1], preferred_element_type=jnp.float32)
    y2_ref[...] = jnp.dot(xb, w[2], preferred_element_type=jnp.float32)


def _tc_s_body(d0_ref, d1_ref, y2_ref, g1_ref):
    g1_ref[...] = _dis128(d0_ref, d1_ref) * y2_ref[...]


def _tc_b_body(y1_ref, u0_ref, u1_ref, d0_ref, d1_ref, z_ref):
    dis = _dis128(d0_ref, d1_ref)
    u = u0_ref[...] + u1_ref[...]
    z_ref[...] = dis * y1_ref[...] - 2.0 * (dis * dis) * u


def _tc_c_body(y0_ref, v0_ref, v1_ref, d0_ref, d1_ref, b_ref, o_ref):
    dis = _dis128(d0_ref, d1_ref)
    v = v0_ref[...] + v1_ref[...]
    o_ref[...] = y0_ref[...] - dis * v + b_ref[...]


def _p_spec(width):
    return pl.BlockSpec((_RB, width), lambda i: (i, 0))


_PK = jax.ShapeDtypeStruct((NR, 128), jnp.float32)

_tc_m = pl.pallas_call(
    _tc_m_body,
    grid=(_GRID,),
    in_specs=[
        _p_spec(8 * F_IN),
        pl.BlockSpec((3, 8 * F_IN, 128), lambda i: (0, 0, 0)),
    ],
    out_specs=[_p_spec(128), _p_spec(128), _p_spec(128)],
    out_shape=[_PK, _PK, _PK],
)

_tc_s = pl.pallas_call(
    _tc_s_body,
    grid=(_GRID,),
    in_specs=[_p_spec(8), _p_spec(8), _p_spec(128)],
    out_specs=_p_spec(128),
    out_shape=_PK,
)

_tc_b = pl.pallas_call(
    _tc_b_body,
    grid=(_GRID,),
    in_specs=[_p_spec(128), _p_spec(128), _p_spec(128), _p_spec(8),
              _p_spec(8)],
    out_specs=_p_spec(128),
    out_shape=_PK,
)

_tc_c = pl.pallas_call(
    _tc_c_body,
    grid=(_GRID,),
    in_specs=[_p_spec(128), _p_spec(128), _p_spec(128), _p_spec(8),
              _p_spec(8), pl.BlockSpec((1, 128), lambda i: (0, 0))],
    out_specs=_p_spec(128),
    out_shape=_PK,
)



@jax.jit
def kernel(x, edge_index, weight, bias):
    n = x.shape[0]
    x_p = x.reshape(NRX, 8 * F_IN)
    w = weight.reshape(weight.shape[0], F_IN, F_OUT)
    eye8 = jnp.eye(8, dtype=jnp.float32)
    wbd = jnp.stack([jnp.kron(eye8, w[0] - w[2]),
                     jnp.kron(eye8, w[1]),
                     jnp.kron(eye8, w[2])])

    deg0, deg1, rowp = _sc_degree(edge_index)
    d0_8 = deg0.reshape(NR, 8)
    d1_8 = deg1.reshape(NR, 8)

    y0, y1, y2 = _tc_m(x_p, wbd)
    g1 = _tc_s(d0_8, d1_8, y2)

    u0, u1 = _sc_spmm(g1.reshape(N_PAD, F_OUT), edge_index, rowp)
    z = _tc_b(y1, u0.reshape(NR, 128), u1.reshape(NR, 128), d0_8, d1_8)

    v0, v1 = _sc_spmm(z.reshape(N_PAD, F_OUT), edge_index, rowp)
    out_p = _tc_c(y0, v0.reshape(NR, 128), v1.reshape(NR, 128), d0_8, d1_8,
                  jnp.tile(bias, 8).reshape(1, 128))

    return out_p.reshape(N_PAD, F_OUT)[:n].reshape(n, 1, F_OUT, 1)

# --- scband reference (transcript-rebuilt; emitter-appended) ---
"""Pipeline reference for scband-cheb-time-conv-13288628814254 (READ-ONLY COPY).

The authoritative reference and input builder live on the scoring server;
editing this copy changes nothing except your own understanding.
"""

import jax, jax.numpy as jnp
import numpy as np

N = 50000
E = 800000
H = 4
F = 16
G = 16
K = 3
Q = 1


def setup_inputs(seed: int = 0) -> dict:
    key = jax.random.key(seed)
    k1, k2, k3, k4 = jax.random.split(key, 4)
    x = jax.random.normal(k1, (N, H, F, Q), dtype=jnp.float32)
    edge_index = jax.random.randint(k2, (2, E), 0, N, dtype=jnp.int32)
    stdv = 1.0 / np.sqrt(F * K)
    weight = jax.random.uniform(k3, (K, H, F, G), dtype=jnp.float32, minval=-stdv, maxval=stdv)
    bias = jax.random.uniform(k4, (G,), dtype=jnp.float32, minval=-stdv, maxval=stdv)
    return {"x": x, "edge_index": edge_index, "weight": weight, "bias": bias}


def reference(x, edge_index, weight, bias):
    row = edge_index[0]
    col = edge_index[1]
    num_nodes = x.shape[0]
    # remove_self_loops: mask self-loop edges (equivalent to dropping them)
    mask = (row != col).astype(x.dtype)
    edge_weight = mask  # new_ones, with removed self-loops zeroed
    # degree over remaining edges, indexed by row
    deg = jax.ops.segment_sum(mask, row, num_segments=num_nodes)
    deg_inv_sqrt = jnp.where(deg > 0, deg ** -0.5, 0.0)
    lap = -deg_inv_sqrt[row] * edge_weight * deg_inv_sqrt[col]

    def spmm(vals, xx):
        msg = vals[:, None, None, None] * xx[col]
        return jax.ops.segment_sum(msg, row, num_segments=num_nodes)

    Kk = weight.shape[0]
    Tx_0 = x
    out = jnp.einsum('nhfq,hfg->ngq', Tx_0, weight[0])
    Tx_1 = Tx_0
    if Kk > 1:
        Tx_1 = spmm(lap, Tx_0)
        out = out + jnp.einsum('nhfq,hfg->ngq', Tx_1, weight[1])
    for k in range(2, Kk):
        temp = spmm(lap, Tx_1)
        Tx_2 = 2 * temp - Tx_0
        out = out + jnp.einsum('nhfq,hfg->ngq', Tx_2, weight[k])
        Tx_0, Tx_1 = Tx_1, Tx_2
    out = out[:, None, :, :]  # unsqueeze(1)
    out = out + bias.reshape(1, 1, -1, 1)
    return out

if __name__ == "__main__":
    import jax
    _d = setup_inputs()
    print(jax.jit(kernel)(*tuple(_d.values())))

</pallas_src>

<mosaic_0001>
#map = affine_map<(d0, d1) -> (0, 0)>
module attributes {stable_mosaic.version = 14 : i64} {
  func.func @_sc_spmm(%arg0: i32, %arg1: i32, %arg2: memref<50176x16xf32, #tpu.memory_space<hbm>>, %arg3: memref<2x800000xi32, #tpu.memory_space<hbm>>, %arg4: memref<6250x128xi32, #tpu.memory_space<hbm>>, %arg5: memref<50176x16xf32, #tpu.memory_space<hbm>>, %arg6: memref<50176x16xf32, #tpu.memory_space<hbm>>, %arg7: memref<25088xi32, #tpu.memory_space<vmem>>, %arg8: memref<196x128xi32, #tpu.memory_space<vmem>>, %arg9: memref<12x128x16xf32, #tpu.memory_space<vmem>>, %arg10: memref<112x16xf32, #tpu.memory_space<vmem>>, %arg11: memref<50176x16xf32, #tpu.memory_space<vmem_shared>>, %arg12: memref<!tpu.dma_semaphore, #tpu.memory_space<semaphore_mem>>, %arg13: memref<!tpu.dma_semaphore, #tpu.memory_space<semaphore_mem>>) attributes {dimension_semantics = [#tpu.dimension_semantics<core_parallel>, #tpu.dimension_semantics<subcore_parallel>], iteration_bounds = array<i64: 2, 16>, scalar_prefetch = 0 : i64, scratch_operands = 7 : i64, tpu.core_type = #tpu.core_type<sc_vector_subcore>, window_params = [{transform_indices = #map}, {transform_indices = #map}, {transform_indices = #map}, {transform_indices = #map}, {transform_indices = #map}]} {
    %mul3A = arith.constant 2 : i32
    %mul3A_0 = arith.muli %arg1, %mul3A : i32
    %add3A = arith.addi %mul3A_0, %arg0 : i32
    %mul3A_1 = arith.constant 195 : i32
    %mul3A_2 = arith.muli %add3A, %mul3A_1 : i32
    %min3A = arith.constant 10 : i32
    %min3A_3 = arith.minsi %add3A, %min3A : i32
    %add3A_4 = arith.addi %mul3A_2, %min3A_3 : i32
    %lt3A = arith.constant 10 : i32
    %lt3A_5 = arith.cmpi slt, %add3A, %lt3A : i32
    %jit3A = arith.constant 1 : i32
    %jit3A_6 = arith.constant 0 : i32
    %select_n3A = arith.select %lt3A_5, %jit3A, %jit3A_6 : i32
    %add3A_7 = arith.constant 195 : i32
    %add3A_8 = arith.addi %add3A_7, %select_n3A : i32
    %mul3A_9 = arith.constant 128 : i32
    %mul3A_10 = arith.muli %add3A_4, %mul3A_9 : i32
    %run_scoped3A = arith.constant 1 : i32
    "tpu.region"() ({
      %run_scoped3A_230 = tpu.sem_alloc : memref<!tpu.dma_semaphore, #tpu.memory_space<semaphore_mem>>
      %dma_start3A_231 = arith.constant 0 : i32
      %dma_start3A_232 = tpu.memref_slice %arg7[%dma_start3A_231] : memref<25088xi32, #tpu.memory_space<vmem>> -> memref<24960xi32, #tpu.memory_space<vmem>>
      %dma_start3A_233 = tpu.memref_slice %arg3[%run_scoped3A, %mul3A_10] : memref<2x800000xi32, #tpu.memory_space<hbm>> -> memref<1x24960xi32, #tpu.memory_space<hbm>>
      %dma_start3A_234 = tpu.memref_squeeze %dma_start3A_233 : memref<1x24960xi32, #tpu.memory_space<hbm>> -> memref<24960xi32, #tpu.memory_space<hbm>>
      %dma_start3A_235 = arith.constant 0 : i32
      %dma_start3A_236 = tpu.memref_slice %arg7[%dma_start3A_235] : memref<25088xi32, #tpu.memory_space<vmem>> -> memref<24960xi32, #tpu.memory_space<vmem>>
      %dma_start3A_237 = tpu.memref_slice %arg3[%run_scoped3A, %mul3A_10] : memref<2x800000xi32, #tpu.memory_space<hbm>> -> memref<1x24960xi32, #tpu.memory_space<hbm>>
      %dma_start3A_238 = tpu.memref_squeeze %dma_start3A_237 : memref<1x24960xi32, #tpu.memory_space<hbm>> -> memref<24960xi32, #tpu.memory_space<hbm>>
      tpu.enqueue_dma source(%dma_start3A_238 : memref<24960xi32, #tpu.memory_space<hbm>>) target(%dma_start3A_236 : memref<24960xi32, #tpu.memory_space<vmem>>) target_semaphore(%run_scoped3A_230 : memref<!tpu.dma_semaphore, #tpu.memory_space<semaphore_mem>>)
      %dma_wait3A_239 = arith.constant 0 : i32
      %dma_wait3A_240 = tpu.memref_slice %arg7[%dma_wait3A_239] : memref<25088xi32, #tpu.memory_space<vmem>> -> memref<24960xi32, #tpu.memory_space<vmem>>
      %dma_wait3A_241 = tpu.memref_slice %arg3[%run_scoped3A, %mul3A_10] : memref<2x800000xi32, #tpu.memory_space<hbm>> -> memref<1x24960xi32, #tpu.memory_space<hbm>>
      %dma_wait3A_242 = tpu.memref_squeeze %dma_wait3A_241 : memref<1x24960xi32, #tpu.memory_space<hbm>> -> memref<24960xi32, #tpu.memory_space<hbm>>
      %dma_wait3A_243 = arith.constant 0 : i32
      %dma_wait3A_244 = tpu.memref_slice %arg7[%dma_wait3A_243] : memref<25088xi32, #tpu.memory_space<vmem>> -> memref<24960xi32, #tpu.memory_space<vmem>>
      %dma_wait3A_245 = tpu.memref_slice %arg3[%run_scoped3A, %mul3A_10] : memref<2x800000xi32, #tpu.memory_space<hbm>> -> memref<1x24960xi32, #tpu.memory_space<hbm>>
      %dma_wait3A_246 = tpu.memref_squeeze %dma_wait3A_245 : memref<1x24960xi32, #tpu.memory_space<hbm>> -> memref<24960xi32, #tpu.memory_space<hbm>>
      tpu.wait_dma2 semaphore(%run_scoped3A_230 : memref<!tpu.dma_semaphore, #tpu.memory_space<semaphore_mem>>) src(%dma_wait3A_246 : memref<24960xi32, #tpu.memory_space<hbm>>) dst(%dma_wait3A_244 : memref<24960xi32, #tpu.memory_space<vmem>>)
      tpu.yield
    }) : () -> ()
    "tpu.region"() ({
      %run_scoped3A_230 = tpu.sem_alloc : memref<!tpu.dma_semaphore, #tpu.memory_space<semaphore_mem>>
      %dma_start3A_231 = arith.constant 0 : i32
      %dma_start3A_232 = arith.constant 0 : i32
      %dma_start3A_233 = tpu.memref_slice %arg8[%dma_start3A_231, %dma_start3A_232] : memref<196x128xi32, #tpu.memory_space<vmem>> -> memref<195x128xi32, #tpu.memory_space<vmem>>
      %dma_start3A_234 = arith.constant 0 : i32
      %dma_start3A_235 = tpu.memref_slice %arg4[%add3A_4, %dma_start3A_234] : memref<6250x128xi32, #tpu.memory_space<hbm>> -> memref<195x128xi32, #tpu.memory_space<hbm>>
      %dma_start3A_236 = arith.constant 0 : i32
      %dma_start3A_237 = arith.constant 0 : i32
      %dma_start3A_238 = tpu.memref_slice %arg8[%dma_start3A_236, %dma_start3A_237] : memref<196x128xi32, #tpu.memory_space<vmem>> -> memref<195x128xi32, #tpu.memory_space<vmem>>
      %dma_start3A_239 = arith.constant 0 : i32
      %dma_start3A_240 = tpu.memref_slice %arg4[%add3A_4, %dma_start3A_239] : memref<6250x128xi32, #tpu.memory_space<hbm>> -> memref<195x128xi32, #tpu.memory_space<hbm>>
      tpu.enqueue_dma source(%dma_start3A_240 : memref<195x128xi32, #tpu.memory_space<hbm>>) target(%dma_start3A_238 : memref<195x128xi32, #tpu.memory_space<vmem>>) target_semaphore(%run_scoped3A_230 : memref<!tpu.dma_semaphore, #tpu.memory_space<semaphore_mem>>)
      %dma_wait3A_241 = arith.constant 0 : i32
      %dma_wait3A_242 = arith.constant 0 : i32
      %dma_wait3A_243 = tpu.memref_slice %arg8[%dma_wait3A_241, %dma_wait3A_242] : memref<196x128xi32, #tpu.memory_space<vmem>> -> memref<195x128xi32, #tpu.memory_space<vmem>>
      %dma_wait3A_244 = arith.constant 0 : i32
      %dma_wait3A_245 = tpu.memref_slice %arg4[%add3A_4, %dma_wait3A_244] : memref<6250x128xi32, #tpu.memory_space<hbm>> -> memref<195x128xi32, #tpu.memory_space<hbm>>
      %dma_wait3A_246 = arith.constant 0 : i32
      %dma_wait3A_247 = arith.constant 0 : i32
      %dma_wait3A_248 = tpu.memref_slice %arg8[%dma_wait3A_246, %dma_wait3A_247] : memref<196x128xi32, #tpu.memory_space<vmem>> -> memref<195x128xi32, #tpu.memory_space<vmem>>
      %dma_wait3A_249 = arith.constant 0 : i32
      %dma_wait3A_250 = tpu.memref_slice %arg4[%add3A_4, %dma_wait3A_249] : memref<6250x128xi32, #tpu.memory_space<hbm>> -> memref<195x128xi32, #tpu.memory_space<hbm>>
      tpu.wait_dma2 semaphore(%run_scoped3A_230 : memref<!tpu.dma_semaphore, #tpu.memory_space<semaphore_mem>>) src(%dma_wait3A_250 : memref<195x128xi32, #tpu.memory_space<hbm>>) dst(%dma_wait3A_248 : memref<195x128xi32, #tpu.memory_space<vmem>>)
      tpu.yield
    }) : () -> ()
    %lt3A_11 = arith.constant 10 : i32
    %lt3A_12 = arith.cmpi slt, %add3A, %lt3A_11 : i32
    %convert_element_type3A = arith.extui %lt3A_12 : i1 to i32
    %cond3A = arith.constant 0 : i32
    %cond3A_13 = arith.cmpi ne, %convert_element_type3A, %cond3A : i32
    scf.if %cond3A_13 {
      %add3A_230 = arith.constant 24960 : i32
      %add3A_231 = arith.addi %mul3A_10, %add3A_230 : i32
      %run_scoped3A_232 = arith.constant 1 : i32
      "tpu.region"() ({
        %run_scoped3A_235 = tpu.sem_alloc : memref<!tpu.dma_semaphore, #tpu.memory_space<semaphore_mem>>
        %dma_start3A_236 = arith.constant 24960 : i32
        %dma_start3A_237 = tpu.memref_slice %arg7[%dma_start3A_236] : memref<25088xi32, #tpu.memory_space<vmem>> -> memref<128xi32, #tpu.memory_space<vmem>>
        %dma_start3A_238 = tpu.memref_slice %arg3[%run_scoped3A_232, %add3A_231] : memref<2x800000xi32, #tpu.memory_space<hbm>> -> memref<1x128xi32, #tpu.memory_space<hbm>>
        %dma_start3A_239 = tpu.memref_squeeze %dma_start3A_238 : memref<1x128xi32, #tpu.memory_space<hbm>> -> memref<128xi32, #tpu.memory_space<hbm>>
        %dma_start3A_240 = arith.constant 24960 : i32
        %dma_start3A_241 = tpu.memref_slice %arg7[%dma_start3A_240] : memref<25088xi32, #tpu.memory_space<vmem>> -> memref<128xi32, #tpu.memory_space<vmem>>
        %dma_start3A_242 = tpu.memref_slice %arg3[%run_scoped3A_232, %add3A_231] : memref<2x800000xi32, #tpu.memory_space<hbm>> -> memref<1x128xi32, #tpu.memory_space<hbm>>
        %dma_start3A_243 = tpu.memref_squeeze %dma_start3A_242 : memref<1x128xi32, #tpu.memory_space<hbm>> -> memref<128xi32, #tpu.memory_space<hbm>>
        tpu.enqueue_dma source(%dma_start3A_243 : memref<128xi32, #tpu.memory_space<hbm>>) target(%dma_start3A_241 : memref<128xi32, #tpu.memory_space<vmem>>) target_semaphore(%run_scoped3A_235 : memref<!tpu.dma_semaphore, #tpu.memory_space<semaphore_mem>>)
        %dma_wait3A_244 = arith.constant 24960 : i32
        %dma_wait3A_245 = tpu.memref_slice %arg7[%dma_wait3A_244] : memref<25088xi32, #tpu.memory_space<vmem>> -> memref<128xi32, #tpu.memory_space<vmem>>
        %dma_wait3A_246 = tpu.memref_slice %arg3[%run_scoped3A_232, %add3A_231] : memref<2x800000xi32, #tpu.memory_space<hbm>> -> memref<1x128xi32, #tpu.memory_space<hbm>>
        %dma_wait3A_247 = tpu.memref_squeeze %dma_wait3A_246 : memref<1x128xi32, #tpu.memory_space<hbm>> -> memref<128xi32, #tpu.memory_space<hbm>>
        %dma_wait3A_248 = arith.constant 24960 : i32
        %dma_wait3A_249 = tpu.memref_slice %arg7[%dma_wait3A_248] : memref<25088xi32, #tpu.memory_space<vmem>> -> memref<128xi32, #tpu.memory_space<vmem>>
        %dma_wait3A_250 = tpu.memref_slice %arg3[%run_scoped3A_232, %add3A_231] : memref<2x800000xi32, #tpu.memory_space<hbm>> -> memref<1x128xi32, #tpu.memory_space<hbm>>
        %dma_wait3A_251 = tpu.memref_squeeze %dma_wait3A_250 : memref<1x128xi32, #tpu.memory_space<hbm>> -> memref<128xi32, #tpu.memory_space<hbm>>
        tpu.wait_dma2 semaphore(%run_scoped3A_235 : memref<!tpu.dma_semaphore, #tpu.memory_space<semaphore_mem>>) src(%dma_wait3A_251 : memref<128xi32, #tpu.memory_space<hbm>>) dst(%dma_wait3A_249 : memref<128xi32, #tpu.memory_space<vmem>>)
        tpu.yield
      }) : () -> ()
      %add3A_233 = arith.constant 195 : i32
      %add3A_234 = arith.addi %add3A_4, %add3A_233 : i32
      "tpu.region"() ({
        %run_scoped3A_235 = tpu.sem_alloc : memref<!tpu.dma_semaphore, #tpu.memory_space<semaphore_mem>>
        %dma_start3A_236 = arith.constant 195 : i32
        %dma_start3A_237 = arith.constant 0 : i32
        %dma_start3A_238 = tpu.memref_slice %arg8[%dma_start3A_236, %dma_start3A_237] : memref<196x128xi32, #tpu.memory_space<vmem>> -> memref<1x128xi32, #tpu.memory_space<vmem>>
        %dma_start3A_239 = arith.constant 0 : i32
        %dma_start3A_240 = tpu.memref_slice %arg4[%add3A_234, %dma_start3A_239] : memref<6250x128xi32, #tpu.memory_space<hbm>> -> memref<1x128xi32, #tpu.memory_space<hbm>>
        %dma_start3A_241 = arith.constant 195 : i32
        %dma_start3A_242 = arith.constant 0 : i32
        %dma_start3A_243 = tpu.memref_slice %arg8[%dma_start3A_241, %dma_start3A_242] : memref<196x128xi32, #tpu.memory_space<vmem>> -> memref<1x128xi32, #tpu.memory_space<vmem>>
        %dma_start3A_244 = arith.constant 0 : i32
        %dma_start3A_245 = tpu.memref_slice %arg4[%add3A_234, %dma_start3A_244] : memref<6250x128xi32, #tpu.memory_space<hbm>> -> memref<1x128xi32, #tpu.memory_space<hbm>>
        tpu.enqueue_dma source(%dma_start3A_245 : memref<1x128xi32, #tpu.memory_space<hbm>>) target(%dma_start3A_243 : memref<1x128xi32, #tpu.memory_space<vmem>>) target_semaphore(%run_scoped3A_235 : memref<!tpu.dma_semaphore, #tpu.memory_space<semaphore_mem>>)
        %dma_wait3A_246 = arith.constant 195 : i32
        %dma_wait3A_247 = arith.constant 0 : i32
        %dma_wait3A_248 = tpu.memref_slice %arg8[%dma_wait3A_246, %dma_wait3A_247] : memref<196x128xi32, #tpu.memory_space<vmem>> -> memref<1x128xi32, #tpu.memory_space<vmem>>
        %dma_wait3A_249 = arith.constant 0 : i32
        %dma_wait3A_250 = tpu.memref_slice %arg4[%add3A_234, %dma_wait3A_249] : memref<6250x128xi32, #tpu.memory_space<hbm>> -> memref<1x128xi32, #tpu.memory_space<hbm>>
        %dma_wait3A_251 = arith.constant 195 : i32
        %dma_wait3A_252 = arith.constant 0 : i32
        %dma_wait3A_253 = tpu.memref_slice %arg8[%dma_wait3A_251, %dma_wait3A_252] : memref<196x128xi32, #tpu.memory_space<vmem>> -> memref<1x128xi32, #tpu.memory_space<vmem>>
        %dma_wait3A_254 = arith.constant 0 : i32
        %dma_wait3A_255 = tpu.memref_slice %arg4[%add3A_234, %dma_wait3A_254] : memref<6250x128xi32, #tpu.memory_space<hbm>> -> memref<1x128xi32, #tpu.memory_space<hbm>>
        tpu.wait_dma2 semaphore(%run_scoped3A_235 : memref<!tpu.dma_semaphore, #tpu.memory_space<semaphore_mem>>) src(%dma_wait3A_255 : memref<1x128xi32, #tpu.memory_space<hbm>>) dst(%dma_wait3A_253 : memref<1x128xi32, #tpu.memory_space<vmem>>)
        tpu.yield
      }) : () -> ()
    } else {
    }
    %scan3A = arith.constant 0 : i32
    %scan3A_14 = arith.constant 0 : i32
    %scan3A_15 = arith.constant 112 : i32
    %scan3A_16 = arith.addi %scan3A_14, %scan3A_15 : i32
    %scan3A_17 = arith.constant 1 : i32
    scf.for %scan3A_230 = %scan3A_14 to %scan3A_16 step %scan3A_17  : i32 {
      %broadcast_in_dim3A = arith.constant 0.000000e+00 : f32
      %broadcast_in_dim3A_231 = vector.broadcast %broadcast_in_dim3A : f32 to vector<16xf32>
      %swap3A = arith.index_cast %scan3A_230 : i32 to index
      %swap3A_232 = arith.constant 0 : index
      %swap3A_233 = tpu.vector_load %arg10[%swap3A, %swap3A_232] {strides = array<i32>} : memref<112x16xf32, #tpu.memory_space<vmem>>, vector<1x16xf32>,
      %swap3A_234 = vector.shape_cast %swap3A_233 : vector<1x16xf32> to vector<16xf32>
      %swap3A_235 = vector.shape_cast %broadcast_in_dim3A_231 : vector<16xf32> to vector<1x16xf32>
      tpu.vector_store %arg10[%swap3A, %swap3A_232], %swap3A_235 {strides = array<i32>} : memref<112x16xf32, #tpu.memory_space<vmem>>, vector<1x16xf32>,
    }
    %scan3A_18 = arith.constant 112 : i32
    %scan3A_19 = arith.constant 0 : i32
    %scan3A_20 = arith.constant 0 : i32
    %scan3A_21 = arith.constant 28 : i32
    %scan3A_22 = arith.addi %scan3A_20, %scan3A_21 : i32
    %scan3A_23 = arith.constant 1 : i32
    scf.for %scan3A_230 = %scan3A_20 to %scan3A_22 step %scan3A_23  : i32 {
      %mul3A_231 = arith.constant 3136 : i32
      %mul3A_232 = arith.muli %arg1, %mul3A_231 : i32
      %mul3A_233 = arith.constant 112 : i32
      %mul3A_234 = arith.muli %scan3A_230, %mul3A_233 : i32
      %add3A_235 = arith.addi %mul3A_232, %mul3A_234 : i32
      "tpu.region"() ({
        %run_scoped3A_236 = tpu.sem_alloc : memref<!tpu.dma_semaphore, #tpu.memory_space<semaphore_mem>>
        %dma_start3A_237 = arith.constant 0 : i32
        %dma_start3A_238 = tpu.memref_slice %arg11[%add3A_235, %dma_start3A_237] : memref<50176x16xf32, #tpu.memory_space<vmem_shared>> -> memref<112x16xf32, #tpu.memory_space<vmem_shared>>
        %dma_start3A_239 = arith.constant 0 : i32
        %dma_start3A_240 = tpu.memref_slice %arg11[%add3A_235, %dma_start3A_239] : memref<50176x16xf32, #tpu.memory_space<vmem_shared>> -> memref<112x16xf32, #tpu.memory_space<vmem_shared>>
        tpu.enqueue_dma source(%arg10 : memref<112x16xf32, #tpu.memory_space<vmem>>) target(%dma_start3A_240 : memref<112x16xf32, #tpu.memory_space<vmem_shared>>) target_semaphore(%run_scoped3A_236 : memref<!tpu.dma_semaphore, #tpu.memory_space<semaphore_mem>>)
        %dma_wait3A_241 = arith.constant 0 : i32
        %dma_wait3A_242 = tpu.memref_slice %arg11[%add3A_235, %dma_wait3A_241] : memref<50176x16xf32, #tpu.memory_space<vmem_shared>> -> memref<112x16xf32, #tpu.memory_space<vmem_shared>>
        %dma_wait3A_243 = arith.constant 0 : i32
        %dma_wait3A_244 = tpu.memref_slice %arg11[%add3A_235, %dma_wait3A_243] : memref<50176x16xf32, #tpu.memory_space<vmem_shared>> -> memref<112x16xf32, #tpu.memory_space<vmem_shared>>
        tpu.wait_dma2 semaphore(%run_scoped3A_236 : memref<!tpu.dma_semaphore, #tpu.memory_space<semaphore_mem>>) src(%arg10 : memref<112x16xf32, #tpu.memory_space<vmem>>) dst(%dma_wait3A_244 : memref<112x16xf32, #tpu.memory_space<vmem_shared>>)
        tpu.yield
      }) : () -> ()
    }
    %scan3A_24 = arith.constant 28 : i32
    %barrier3A = arith.constant 0 : index
    tpu.barrier barrier_id(%barrier3A)
    %dma_start3A = arith.constant 0 : i32
    %dma_start3A_25 = arith.constant 0 : i32
    %dma_start3A_26 = arith.constant 0 : i32
    %dma_start3A_27 = tpu.memref_slice %arg9[%dma_start3A, %dma_start3A_25, %dma_start3A_26] : memref<12x128x16xf32, #tpu.memory_space<vmem>> -> memref<1x128x16xf32, #tpu.memory_space<vmem>>
    %dma_start3A_28 = tpu.memref_squeeze %dma_start3A_27 : memref<1x128x16xf32, #tpu.memory_space<vmem>> -> memref<128x16xf32, #tpu.memory_space<vmem>>
    %dma_start3A_29 = arith.constant 0 : i32
    %dma_start3A_30 = tpu.memref_slice %arg7[%dma_start3A_29] : memref<25088xi32, #tpu.memory_space<vmem>> -> memref<128xi32, #tpu.memory_space<vmem>>
    %dma_start3A_31 = arith.constant 0 : i32
    %dma_start3A_32 = arith.constant 0 : i32
    %dma_start3A_33 = tpu.memref_slice %arg2[%dma_start3A_31, %dma_start3A_32] : memref<50176x16xf32, #tpu.memory_space<hbm>> -> memref<50176x16xf32, #tpu.memory_space<hbm>>
    tpu.enqueue_indirect_dma source(%dma_start3A_33 : memref<50176x16xf32, #tpu.memory_space<hbm>>) target(%dma_start3A_28 : memref<128x16xf32, #tpu.memory_space<vmem>>) offsets(%dma_start3A_30 : memref<128xi32, #tpu.memory_space<vmem>>) semaphore(%arg12 : memref<!tpu.dma_semaphore, #tpu.memory_space<semaphore_mem>>)
    %dma_start3A_34 = arith.constant 1 : i32
    %dma_start3A_35 = arith.constant 0 : i32
    %dma_start3A_36 = arith.constant 0 : i32
    %dma_start3A_37 = tpu.memref_slice %arg9[%dma_start3A_34, %dma_start3A_35, %dma_start3A_36] : memref<12x128x16xf32, #tpu.memory_space<vmem>> -> memref<1x128x16xf32, #tpu.memory_space<vmem>>
    %dma_start3A_38 = tpu.memref_squeeze %dma_start3A_37 : memref<1x128x16xf32, #tpu.memory_space<vmem>> -> memref<128x16xf32, #tpu.memory_space<vmem>>
    %dma_start3A_39 = arith.constant 128 : i32
    %dma_start3A_40 = tpu.memref_slice %arg7[%dma_start3A_39] : memref<25088xi32, #tpu.memory_space<vmem>> -> memref<128xi32, #tpu.memory_space<vmem>>
    %dma_start3A_41 = arith.constant 0 : i32
    %dma_start3A_42 = arith.constant 0 : i32
    %dma_start3A_43 = tpu.memref_slice %arg2[%dma_start3A_41, %dma_start3A_42] : memref<50176x16xf32, #tpu.memory_space<hbm>> -> memref<50176x16xf32, #tpu.memory_space<hbm>>
    tpu.enqueue_indirect_dma source(%dma_start3A_43 : memref<50176x16xf32, #tpu.memory_space<hbm>>) target(%dma_start3A_38 : memref<128x16xf32, #tpu.memory_space<vmem>>) offsets(%dma_start3A_40 : memref<128xi32, #tpu.memory_space<vmem>>) semaphore(%arg12 : memref<!tpu.dma_semaphore, #tpu.memory_space<semaphore_mem>>)
    %dma_start3A_44 = arith.constant 2 : i32
    %dma_start3A_45 = arith.constant 0 : i32
    %dma_start3A_46 = arith.constant 0 : i32
    %dma_start3A_47 = tpu.memref_slice %arg9[%dma_start3A_44, %dma_start3A_45, %dma_start3A_46] : memref<12x128x16xf32, #tpu.memory_space<vmem>> -> memref<1x128x16xf32, #tpu.memory_space<vmem>>
    %dma_start3A_48 = tpu.memref_squeeze %dma_start3A_47 : memref<1x128x16xf32, #tpu.memory_space<vmem>> -> memref<128x16xf32, #tpu.memory_space<vmem>>
    %dma_start3A_49 = arith.constant 256 : i32
    %dma_start3A_50 = tpu.memref_slice %arg7[%dma_start3A_49] : memref<25088xi32, #tpu.memory_space<vmem>> -> memref<128xi32, #tpu.memory_space<vmem>>
    %dma_start3A_51 = arith.constant 0 : i32
    %dma_start3A_52 = arith.constant 0 : i32
    %dma_start3A_53 = tpu.memref_slice %arg2[%dma_start3A_51, %dma_start3A_52] : memref<50176x16xf32, #tpu.memory_space<hbm>> -> memref<50176x16xf32, #tpu.memory_space<hbm>>
    tpu.enqueue_indirect_dma source(%dma_start3A_53 : memref<50176x16xf32, #tpu.memory_space<hbm>>) target(%dma_start3A_48 : memref<128x16xf32, #tpu.memory_space<vmem>>) offsets(%dma_start3A_50 : memref<128xi32, #tpu.memory_space<vmem>>) semaphore(%arg12 : memref<!tpu.dma_semaphore, #tpu.memory_space<semaphore_mem>>)
    %dma_start3A_54 = arith.constant 3 : i32
    %dma_start3A_55 = arith.constant 0 : i32
    %dma_start3A_56 = arith.constant 0 : i32
    %dma_start3A_57 = tpu.memref_slice %arg9[%dma_start3A_54, %dma_start3A_55, %dma_start3A_56] : memref<12x128x16xf32, #tpu.memory_space<vmem>> -> memref<1x128x16xf32, #tpu.memory_space<vmem>>
    %dma_start3A_58 = tpu.memref_squeeze %dma_start3A_57 : memref<1x128x16xf32, #tpu.memory_space<vmem>> -> memref<128x16xf32, #tpu.memory_space<vmem>>
    %dma_start3A_59 = arith.constant 384 : i32
    %dma_start3A_60 = tpu.memref_slice %arg7[%dma_start3A_59] : memref<25088xi32, #tpu.memory_space<vmem>> -> memref<128xi32, #tpu.memory_space<vmem>>
    %dma_start3A_61 = arith.constant 0 : i32
    %dma_start3A_62 = arith.constant 0 : i32
    %dma_start3A_63 = tpu.memref_slice %arg2[%dma_start3A_61, %dma_start3A_62] : memref<50176x16xf32, #tpu.memory_space<hbm>> -> memref<50176x16xf32, #tpu.memory_space<hbm>>
    tpu.enqueue_indirect_dma source(%dma_start3A_63 : memref<50176x16xf32, #tpu.memory_space<hbm>>) target(%dma_start3A_58 : memref<128x16xf32, #tpu.memory_space<vmem>>) offsets(%dma_start3A_60 : memref<128xi32, #tpu.memory_space<vmem>>) semaphore(%arg12 : memref<!tpu.dma_semaphore, #tpu.memory_space<semaphore_mem>>)
    %dma_start3A_64 = arith.constant 4 : i32
    %dma_start3A_65 = arith.constant 0 : i32
    %dma_start3A_66 = arith.constant 0 : i32
    %dma_start3A_67 = tpu.memref_slice %arg9[%dma_start3A_64, %dma_start3A_65, %dma_start3A_66] : memref<12x128x16xf32, #tpu.memory_space<vmem>> -> memref<1x128x16xf32, #tpu.memory_space<vmem>>
    %dma_start3A_68 = tpu.memref_squeeze %dma_start3A_67 : memref<1x128x16xf32, #tpu.memory_space<vmem>> -> memref<128x16xf32, #tpu.memory_space<vmem>>
    %dma_start3A_69 = arith.constant 512 : i32
    %dma_start3A_70 = tpu.memref_slice %arg7[%dma_start3A_69] : memref<25088xi32, #tpu.memory_space<vmem>> -> memref<128xi32, #tpu.memory_space<vmem>>
    %dma_start3A_71 = arith.constant 0 : i32
    %dma_start3A_72 = arith.constant 0 : i32
    %dma_start3A_73 = tpu.memref_slice %arg2[%dma_start3A_71, %dma_start3A_72] : memref<50176x16xf32, #tpu.memory_space<hbm>> -> memref<50176x16xf32, #tpu.memory_space<hbm>>
    tpu.enqueue_indirect_dma source(%dma_start3A_73 : memref<50176x16xf32, #tpu.memory_space<hbm>>) target(%dma_start3A_68 : memref<128x16xf32, #tpu.memory_space<vmem>>) offsets(%dma_start3A_70 : memref<128xi32, #tpu.memory_space<vmem>>) semaphore(%arg12 : memref<!tpu.dma_semaphore, #tpu.memory_space<semaphore_mem>>)
    %dma_start3A_74 = arith.constant 5 : i32
    %dma_start3A_75 = arith.constant 0 : i32
    %dma_start3A_76 = arith.constant 0 : i32
    %dma_start3A_77 = tpu.memref_slice %arg9[%dma_start3A_74, %dma_start3A_75, %dma_start3A_76] : memref<12x128x16xf32, #tpu.memory_space<vmem>> -> memref<1x128x16xf32, #tpu.memory_space<vmem>>
    %dma_start3A_78 = tpu.memref_squeeze %dma_start3A_77 : memref<1x128x16xf32, #tpu.memory_space<vmem>> -> memref<128x16xf32, #tpu.memory_space<vmem>>
    %dma_start3A_79 = arith.constant 640 : i32
    %dma_start3A_80 = tpu.memref_slice %arg7[%dma_start3A_79] : memref<25088xi32, #tpu.memory_space<vmem>> -> memref<128xi32, #tpu.memory_space<vmem>>
    %dma_start3A_81 = arith.constant 0 : i32
    %dma_start3A_82 = arith.constant 0 : i32
    %dma_start3A_83 = tpu.memref_slice %arg2[%dma_start3A_81, %dma_start3A_82] : memref<50176x16xf32, #tpu.memory_space<hbm>> -> memref<50176x16xf32, #tpu.memory_space<hbm>>
    tpu.enqueue_indirect_dma source(%dma_start3A_83 : memref<50176x16xf32, #tpu.memory_space<hbm>>) target(%dma_start3A_78 : memref<128x16xf32, #tpu.memory_space<vmem>>) offsets(%dma_start3A_80 : memref<128xi32, #tpu.memory_space<vmem>>) semaphore(%arg12 : memref<!tpu.dma_semaphore, #tpu.memory_space<semaphore_mem>>)
    %dma_start3A_84 = arith.constant 6 : i32
    %dma_start3A_85 = arith.constant 0 : i32
    %dma_start3A_86 = arith.constant 0 : i32
    %dma_start3A_87 = tpu.memref_slice %arg9[%dma_start3A_84, %dma_start3A_85, %dma_start3A_86] : memref<12x128x16xf32, #tpu.memory_space<vmem>> -> memref<1x128x16xf32, #tpu.memory_space<vmem>>
    %dma_start3A_88 = tpu.memref_squeeze %dma_start3A_87 : memref<1x128x16xf32, #tpu.memory_space<vmem>> -> memref<128x16xf32, #tpu.memory_space<vmem>>
    %dma_start3A_89 = arith.constant 768 : i32
    %dma_start3A_90 = tpu.memref_slice %arg7[%dma_start3A_89] : memref<25088xi32, #tpu.memory_space<vmem>> -> memref<128xi32, #tpu.memory_space<vmem>>
    %dma_start3A_91 = arith.constant 0 : i32
    %dma_start3A_92 = arith.constant 0 : i32
    %dma_start3A_93 = tpu.memref_slice %arg2[%dma_start3A_91, %dma_start3A_92] : memref<50176x16xf32, #tpu.memory_space<hbm>> -> memref<50176x16xf32, #tpu.memory_space<hbm>>
    tpu.enqueue_indirect_dma source(%dma_start3A_93 : memref<50176x16xf32, #tpu.memory_space<hbm>>) target(%dma_start3A_88 : memref<128x16xf32, #tpu.memory_space<vmem>>) offsets(%dma_start3A_90 : memref<128xi32, #tpu.memory_space<vmem>>) semaphore(%arg12 : memref<!tpu.dma_semaphore, #tpu.memory_space<semaphore_mem>>)
    %dma_start3A_94 = arith.constant 7 : i32
    %dma_start3A_95 = arith.constant 0 : i32
    %dma_start3A_96 = arith.constant 0 : i32
    %dma_start3A_97 = tpu.memref_slice %arg9[%dma_start3A_94, %dma_start3A_95, %dma_start3A_96] : memref<12x128x16xf32, #tpu.memory_space<vmem>> -> memref<1x128x16xf32, #tpu.memory_space<vmem>>
    %dma_start3A_98 = tpu.memref_squeeze %dma_start3A_97 : memref<1x128x16xf32, #tpu.memory_space<vmem>> -> memref<128x16xf32, #tpu.memory_space<vmem>>
    %dma_start3A_99 = arith.constant 896 : i32
    %dma_start3A_100 = tpu.memref_slice %arg7[%dma_start3A_99] : memref<25088xi32, #tpu.memory_space<vmem>> -> memref<128xi32, #tpu.memory_space<vmem>>
    %dma_start3A_101 = arith.constant 0 : i32
    %dma_start3A_102 = arith.constant 0 : i32
    %dma_start3A_103 = tpu.memref_slice %arg2[%dma_start3A_101, %dma_start3A_102] : memref<50176x16xf32, #tpu.memory_space<hbm>> -> memref<50176x16xf32, #tpu.memory_space<hbm>>
    tpu.enqueue_indirect_dma source(%dma_start3A_103 : memref<50176x16xf32, #tpu.memory_space<hbm>>) target(%dma_start3A_98 : memref<128x16xf32, #tpu.memory_space<vmem>>) offsets(%dma_start3A_100 : memref<128xi32, #tpu.memory_space<vmem>>) semaphore(%arg12 : memref<!tpu.dma_semaphore, #tpu.memory_space<semaphore_mem>>)
    %dma_start3A_104 = arith.constant 8 : i32
    %dma_start3A_105 = arith.constant 0 : i32
    %dma_start3A_106 = arith.constant 0 : i32
    %dma_start3A_107 = tpu.memref_slice %arg9[%dma_start3A_104, %dma_start3A_105, %dma_start3A_106] : memref<12x128x16xf32, #tpu.memory_space<vmem>> -> memref<1x128x16xf32, #tpu.memory_space<vmem>>
    %dma_start3A_108 = tpu.memref_squeeze %dma_start3A_107 : memref<1x128x16xf32, #tpu.memory_space<vmem>> -> memref<128x16xf32, #tpu.memory_space<vmem>>
    %dma_start3A_109 = arith.constant 1024 : i32
    %dma_start3A_110 = tpu.memref_slice %arg7[%dma_start3A_109] : memref<25088xi32, #tpu.memory_space<vmem>> -> memref<128xi32, #tpu.memory_space<vmem>>
    %dma_start3A_111 = arith.constant 0 : i32
    %dma_start3A_112 = arith.constant 0 : i32
    %dma_start3A_113 = tpu.memref_slice %arg2[%dma_start3A_111, %dma_start3A_112] : memref<50176x16xf32, #tpu.memory_space<hbm>> -> memref<50176x16xf32, #tpu.memory_space<hbm>>
    tpu.enqueue_indirect_dma source(%dma_start3A_113 : memref<50176x16xf32, #tpu.memory_space<hbm>>) target(%dma_start3A_108 : memref<128x16xf32, #tpu.memory_space<vmem>>) offsets(%dma_start3A_110 : memref<128xi32, #tpu.memory_space<vmem>>) semaphore(%arg12 : memref<!tpu.dma_semaphore, #tpu.memory_space<semaphore_mem>>)
    %while3A = arith.constant 0 : i32
    %while3A_114 = arith.constant 0 : i32
    %while3A_115 = arith.subi %add3A_8, %while3A_114 : i32
    %while3A_116 = arith.addi %while3A_114, %while3A_115 : i32
    %while3A_117 = arith.constant 1 : i32
    %while3A_118 = arith.divsi %while3A_115, %while3A_117 : i32
    %while3A_119 = arith.muli %while3A_118, %while3A_117 : i32
    %while3A_120 = arith.addi %while3A_114, %while3A_119 : i32
    %while3A_121 = arith.constant 1 : i32
    scf.for %while3A_230 = %while3A_114 to %while3A_120 step %while3A_121  : i32 {
      %ge3A = arith.constant 3 : i32
      %ge3A_231 = arith.cmpi sge, %while3A_230, %ge3A : i32
      %convert_element_type3A_232 = arith.extui %ge3A_231 : i1 to i32
      %cond3A_233 = arith.constant 0 : i32
      %cond3A_234 = arith.cmpi ne, %convert_element_type3A_232, %cond3A_233 : i32
      scf.if %cond3A_234 {
        %sub3A_293 = arith.constant 3 : i32
        %sub3A_294 = arith.subi %while3A_230, %sub3A_293 : i32
        %sub3A_295 = arith.constant 3 : i32
        %sub3A_296 = arith.subi %while3A_230, %sub3A_295 : i32
        %jit3A_297 = arith.constant 12 : i32
        %eq3A_298 = arith.constant 0 : i32
        %eq3A_299 = arith.cmpi eq, %jit3A_297, %eq3A_298 : i32
        %jit3A_300 = arith.constant 1 : i32
        %select_n3A_301 = arith.select %eq3A_299, %jit3A_300, %jit3A_297 : i32
        %rem3A_302 = arith.remsi %sub3A_296, %select_n3A_301 : i32
        %ne3A_303 = arith.constant 0 : i32
        %ne3A_304 = arith.cmpi ne, %rem3A_302, %ne3A_303 : i32
        %lt3A_305 = arith.constant 0 : i32
        %lt3A_306 = arith.cmpi slt, %rem3A_302, %lt3A_305 : i32
        %lt3A_307 = arith.constant 0 : i32
        %lt3A_308 = arith.cmpi slt, %select_n3A_301, %lt3A_307 : i32
        %ne3A_309 = arith.xori %lt3A_306, %lt3A_308 : i1
        %and3A_310 = arith.andi %ne3A_309, %ne3A_304 : i1
        %add3A_311 = arith.addi %rem3A_302, %select_n3A_301 : i32
        %select_n3A_312 = arith.select %and3A_310, %add3A_311, %rem3A_302 : i32
        %dma_wait3A_313 = arith.constant 0 : i32
        %dma_wait3A_314 = arith.constant 0 : i32
        %dma_wait3A_315 = tpu.memref_slice %arg9[%select_n3A_312, %dma_wait3A_313, %dma_wait3A_314] : memref<12x128x16xf32, #tpu.memory_space<vmem>> -> memref<1x128x16xf32, #tpu.memory_space<vmem>>
        %dma_wait3A_316 = tpu.memref_squeeze %dma_wait3A_315 : memref<1x128x16xf32, #tpu.memory_space<vmem>> -> memref<128x16xf32, #tpu.memory_space<vmem>>
        %dma_wait3A_317 = arith.constant 0 : i32
        %dma_wait3A_318 = tpu.memref_slice %arg8[%sub3A_294, %dma_wait3A_317] : memref<196x128xi32, #tpu.memory_space<vmem>> -> memref<1x128xi32, #tpu.memory_space<vmem>>
        %dma_wait3A_319 = tpu.memref_squeeze %dma_wait3A_318 : memref<1x128xi32, #tpu.memory_space<vmem>> -> memref<128xi32, #tpu.memory_space<vmem>>
        %dma_wait3A_320 = arith.constant 0 : i32
        %dma_wait3A_321 = arith.constant 0 : i32
        %dma_wait3A_322 = tpu.memref_slice %arg11[%dma_wait3A_320, %dma_wait3A_321] : memref<50176x16xf32, #tpu.memory_space<vmem_shared>> -> memref<50176x16xf32, #tpu.memory_space<vmem_shared>>
        tpu.wait_indirect_dma semaphore(%arg13 : memref<!tpu.dma_semaphore, #tpu.memory_space<semaphore_mem>>) src(%dma_wait3A_316 : memref<128x16xf32, #tpu.memory_space<vmem>>) dst(%dma_wait3A_322 : memref<50176x16xf32, #tpu.memory_space<vmem_shared>>)
      } else {
      }
      %add3A_235 = arith.constant 9 : i32
      %add3A_236 = arith.addi %while3A_230, %add3A_235 : i32
      %lt3A_237 = arith.cmpi slt, %add3A_236, %add3A_8 : i32
      %convert_element_type3A_238 = arith.extui %lt3A_237 : i1 to i32
      %cond3A_239 = arith.constant 0 : i32
      %cond3A_240 = arith.cmpi ne, %convert_element_type3A_238, %cond3A_239 : i32
      scf.if %cond3A_240 {
        %add3A_293 = arith.constant 9 : i32
        %add3A_294 = arith.addi %while3A_230, %add3A_293 : i32
        %add3A_295 = arith.constant 9 : i32
        %add3A_296 = arith.addi %while3A_230, %add3A_295 : i32
        %jit3A_297 = arith.constant 12 : i32
        %eq3A_298 = arith.constant 0 : i32
        %eq3A_299 = arith.cmpi eq, %jit3A_297, %eq3A_298 : i32
        %jit3A_300 = arith.constant 1 : i32
        %select_n3A_301 = arith.select %eq3A_299, %jit3A_300, %jit3A_297 : i32
        %rem3A_302 = arith.remsi %add3A_296, %select_n3A_301 : i32
        %ne3A_303 = arith.constant 0 : i32
        %ne3A_304 = arith.cmpi ne, %rem3A_302, %ne3A_303 : i32
        %lt3A_305 = arith.constant 0 : i32
        %lt3A_306 = arith.cmpi slt, %rem3A_302, %lt3A_305 : i32
        %lt3A_307 = arith.constant 0 : i32
        %lt3A_308 = arith.cmpi slt, %select_n3A_301, %lt3A_307 : i32
        %ne3A_309 = arith.xori %lt3A_306, %lt3A_308 : i1
        %and3A_310 = arith.andi %ne3A_309, %ne3A_304 : i1
        %add3A_311 = arith.addi %rem3A_302, %select_n3A_301 : i32
        %select_n3A_312 = arith.select %and3A_310, %add3A_311, %rem3A_302 : i32
        %mul3A_313 = arith.constant 128 : i32
        %mul3A_314 = arith.muli %add3A_294, %mul3A_313 : i32
        %dma_start3A_315 = arith.constant 0 : i32
        %dma_start3A_316 = arith.constant 0 : i32
        %dma_start3A_317 = tpu.memref_slice %arg9[%select_n3A_312, %dma_start3A_315, %dma_start3A_316] : memref<12x128x16xf32, #tpu.memory_space<vmem>> -> memref<1x128x16xf32, #tpu.memory_space<vmem>>
        %dma_start3A_318 = tpu.memref_squeeze %dma_start3A_317 : memref<1x128x16xf32, #tpu.memory_space<vmem>> -> memref<128x16xf32, #tpu.memory_space<vmem>>
        %dma_start3A_319 = tpu.memref_slice %arg7[%mul3A_314] : memref<25088xi32, #tpu.memory_space<vmem>> -> memref<128xi32, #tpu.memory_space<vmem>>
        %dma_start3A_320 = arith.constant 0 : i32
        %dma_start3A_321 = arith.constant 0 : i32
        %dma_start3A_322 = tpu.memref_slice %arg2[%dma_start3A_320, %dma_start3A_321] : memref<50176x16xf32, #tpu.memory_space<hbm>> -> memref<50176x16xf32, #tpu.memory_space<hbm>>
        tpu.enqueue_indirect_dma source(%dma_start3A_322 : memref<50176x16xf32, #tpu.memory_space<hbm>>) target(%dma_start3A_318 : memref<128x16xf32, #tpu.memory_space<vmem>>) offsets(%dma_start3A_319 : memref<128xi32, #tpu.memory_space<vmem>>) semaphore(%arg12 : memref<!tpu.dma_semaphore, #tpu.memory_space<semaphore_mem>>)
      } else {
      }
      %jit3A_241 = arith.constant 12 : i32
      %eq3A_242 = arith.constant 0 : i32
      %eq3A_243 = arith.cmpi eq, %jit3A_241, %eq3A_242 : i32
      %jit3A_244 = arith.constant 1 : i32
      %select_n3A_245 = arith.select %eq3A_243, %jit3A_244, %jit3A_241 : i32
      %rem3A_246 = arith.remsi %while3A_230, %select_n3A_245 : i32
      %ne3A_247 = arith.constant 0 : i32
      %ne3A_248 = arith.cmpi ne, %rem3A_246, %ne3A_247 : i32
      %lt3A_249 = arith.constant 0 : i32
      %lt3A_250 = arith.cmpi slt, %rem3A_246, %lt3A_249 : i32
      %lt3A_251 = arith.constant 0 : i32
      %lt3A_252 = arith.cmpi slt, %select_n3A_245, %lt3A_251 : i32
      %ne3A_253 = arith.xori %lt3A_250, %lt3A_252 : i1
      %and3A_254 = arith.andi %ne3A_253, %ne3A_248 : i1
      %add3A_255 = arith.addi %rem3A_246, %select_n3A_245 : i32
      %select_n3A_256 = arith.select %and3A_254, %add3A_255, %rem3A_246 : i32
      %mul3A_257 = arith.constant 128 : i32
      %mul3A_258 = arith.muli %while3A_230, %mul3A_257 : i32
      %dma_wait3A_259 = arith.constant 0 : i32
      %dma_wait3A_260 = arith.constant 0 : i32
      %dma_wait3A_261 = tpu.memref_slice %arg9[%select_n3A_256, %dma_wait3A_259, %dma_wait3A_260] : memref<12x128x16xf32, #tpu.memory_space<vmem>> -> memref<1x128x16xf32, #tpu.memory_space<vmem>>
      %dma_wait3A_262 = tpu.memref_squeeze %dma_wait3A_261 : memref<1x128x16xf32, #tpu.memory_space<vmem>> -> memref<128x16xf32, #tpu.memory_space<vmem>>
      %dma_wait3A_263 = tpu.memref_slice %arg7[%mul3A_258] : memref<25088xi32, #tpu.memory_space<vmem>> -> memref<128xi32, #tpu.memory_space<vmem>>
      %dma_wait3A_264 = arith.constant 0 : i32
      %dma_wait3A_265 = arith.constant 0 : i32
      %dma_wait3A_266 = tpu.memref_slice %arg2[%dma_wait3A_264, %dma_wait3A_265] : memref<50176x16xf32, #tpu.memory_space<hbm>> -> memref<50176x16xf32, #tpu.memory_space<hbm>>
      tpu.wait_indirect_dma semaphore(%arg12 : memref<!tpu.dma_semaphore, #tpu.memory_space<semaphore_mem>>) src(%dma_wait3A_266 : memref<50176x16xf32, #tpu.memory_space<hbm>>) dst(%dma_wait3A_262 : memref<128x16xf32, #tpu.memory_space<vmem>>)
      %jit3A_267 = arith.constant 12 : i32
      %eq3A_268 = arith.constant 0 : i32
      %eq3A_269 = arith.cmpi eq, %jit3A_267, %eq3A_268 : i32
      %jit3A_270 = arith.constant 1 : i32
      %select_n3A_271 = arith.select %eq3A_269, %jit3A_270, %jit3A_267 : i32
      %rem3A_272 = arith.remsi %while3A_230, %select_n3A_271 : i32
      %ne3A_273 = arith.constant 0 : i32
      %ne3A_274 = arith.cmpi ne, %rem3A_272, %ne3A_273 : i32
      %lt3A_275 = arith.constant 0 : i32
      %lt3A_276 = arith.cmpi slt, %rem3A_272, %lt3A_275 : i32
      %lt3A_277 = arith.constant 0 : i32
      %lt3A_278 = arith.cmpi slt, %select_n3A_271, %lt3A_277 : i32
      %ne3A_279 = arith.xori %lt3A_276, %lt3A_278 : i1
      %and3A_280 = arith.andi %ne3A_279, %ne3A_274 : i1
      %add3A_281 = arith.addi %rem3A_272, %select_n3A_271 : i32
      %select_n3A_282 = arith.select %and3A_280, %add3A_281, %rem3A_272 : i32
      %dma_start3A_283 = arith.constant 0 : i32
      %dma_start3A_284 = arith.constant 0 : i32
      %dma_start3A_285 = tpu.memref_slice %arg9[%select_n3A_282, %dma_start3A_283, %dma_start3A_284] : memref<12x128x16xf32, #tpu.memory_space<vmem>> -> memref<1x128x16xf32, #tpu.memory_space<vmem>>
      %dma_start3A_286 = tpu.memref_squeeze %dma_start3A_285 : memref<1x128x16xf32, #tpu.memory_space<vmem>> -> memref<128x16xf32, #tpu.memory_space<vmem>>
      %dma_start3A_287 = arith.constant 0 : i32
      %dma_start3A_288 = tpu.memref_slice %arg8[%while3A_230, %dma_start3A_287] : memref<196x128xi32, #tpu.memory_space<vmem>> -> memref<1x128xi32, #tpu.memory_space<vmem>>
      %dma_start3A_289 = tpu.memref_squeeze %dma_start3A_288 : memref<1x128xi32, #tpu.memory_space<vmem>> -> memref<128xi32, #tpu.memory_space<vmem>>
      %dma_start3A_290 = arith.constant 0 : i32
      %dma_start3A_291 = arith.constant 0 : i32
      %dma_start3A_292 = tpu.memref_slice %arg11[%dma_start3A_290, %dma_start3A_291] : memref<50176x16xf32, #tpu.memory_space<vmem_shared>> -> memref<50176x16xf32, #tpu.memory_space<vmem_shared>>
      tpu.enqueue_indirect_dma source(%dma_start3A_286 : memref<128x16xf32, #tpu.memory_space<vmem>>) target(%dma_start3A_292 : memref<50176x16xf32, #tpu.memory_space<vmem_shared>>) offsets(%dma_start3A_289 : memref<128xi32, #tpu.memory_space<vmem>>) semaphore(%arg13 : memref<!tpu.dma_semaphore, #tpu.memory_space<semaphore_mem>>) {add = true}
    }
    %while3A_122 = arith.constant 1 : i32
    scf.for %while3A_230 = %while3A_120 to %while3A_116 step %while3A_122  : i32 {
      %ge3A = arith.constant 3 : i32
      %ge3A_231 = arith.cmpi sge, %while3A_230, %ge3A : i32
      %convert_element_type3A_232 = arith.extui %ge3A_231 : i1 to i32
      %cond3A_233 = arith.constant 0 : i32
      %cond3A_234 = arith.cmpi ne, %convert_element_type3A_232, %cond3A_233 : i32
      scf.if %cond3A_234 {
        %sub3A_293 = arith.constant 3 : i32
        %sub3A_294 = arith.subi %while3A_230, %sub3A_293 : i32
        %sub3A_295 = arith.constant 3 : i32
        %sub3A_296 = arith.subi %while3A_230, %sub3A_295 : i32
        %jit3A_297 = arith.constant 12 : i32
        %eq3A_298 = arith.constant 0 : i32
        %eq3A_299 = arith.cmpi eq, %jit3A_297, %eq3A_298 : i32
        %jit3A_300 = arith.constant 1 : i32
        %select_n3A_301 = arith.select %eq3A_299, %jit3A_300, %jit3A_297 : i32
        %rem3A_302 = arith.remsi %sub3A_296, %select_n3A_301 : i32
        %ne3A_303 = arith.constant 0 : i32
        %ne3A_304 = arith.cmpi ne, %rem3A_302, %ne3A_303 : i32
        %lt3A_305 = arith.constant 0 : i32
        %lt3A_306 = arith.cmpi slt, %rem3A_302, %lt3A_305 : i32
        %lt3A_307 = arith.constant 0 : i32
        %lt3A_308 = arith.cmpi slt, %select_n3A_301, %lt3A_307 : i32
        %ne3A_309 = arith.xori %lt3A_306, %lt3A_308 : i1
        %and3A_310 = arith.andi %ne3A_309, %ne3A_304 : i1
        %add3A_311 = arith.addi %rem3A_302, %select_n3A_301 : i32
        %select_n3A_312 = arith.select %and3A_310, %add3A_311, %rem3A_302 : i32
        %dma_wait3A_313 = arith.constant 0 : i32
        %dma_wait3A_314 = arith.constant 0 : i32
        %dma_wait3A_315 = tpu.memref_slice %arg9[%select_n3A_312, %dma_wait3A_313, %dma_wait3A_314] : memref<12x128x16xf32, #tpu.memory_space<vmem>> -> memref<1x128x16xf32, #tpu.memory_space<vmem>>
        %dma_wait3A_316 = tpu.memref_squeeze %dma_wait3A_315 : memref<1x128x16xf32, #tpu.memory_space<vmem>> -> memref<128x16xf32, #tpu.memory_space<vmem>>
        %dma_wait3A_317 = arith.constant 0 : i32
        %dma_wait3A_318 = tpu.memref_slice %arg8[%sub3A_294, %dma_wait3A_317] : memref<196x128xi32, #tpu.memory_space<vmem>> -> memref<1x128xi32, #tpu.memory_space<vmem>>
        %dma_wait3A_319 = tpu.memref_squeeze %dma_wait3A_318 : memref<1x128xi32, #tpu.memory_space<vmem>> -> memref<128xi32, #tpu.memory_space<vmem>>
        %dma_wait3A_320 = arith.constant 0 : i32
        %dma_wait3A_321 = arith.constant 0 : i32
        %dma_wait3A_322 = tpu.memref_slice %arg11[%dma_wait3A_320, %dma_wait3A_321] : memref<50176x16xf32, #tpu.memory_space<vmem_shared>> -> memref<50176x16xf32, #tpu.memory_space<vmem_shared>>
        tpu.wait_indirect_dma semaphore(%arg13 : memref<!tpu.dma_semaphore, #tpu.memory_space<semaphore_mem>>) src(%dma_wait3A_316 : memref<128x16xf32, #tpu.memory_space<vmem>>) dst(%dma_wait3A_322 : memref<50176x16xf32, #tpu.memory_space<vmem_shared>>)
      } else {
      }
      %add3A_235 = arith.constant 9 : i32
      %add3A_236 = arith.addi %while3A_230, %add3A_235 : i32
      %lt3A_237 = arith.cmpi slt, %add3A_236, %add3A_8 : i32
      %convert_element_type3A_238 = arith.extui %lt3A_237 : i1 to i32
      %cond3A_239 = arith.constant 0 : i32
      %cond3A_240 = arith.cmpi ne, %convert_element_type3A_238, %cond3A_239 : i32
      scf.if %cond3A_240 {
        %add3A_293 = arith.constant 9 : i32
        %add3A_294 = arith.addi %while3A_230, %add3A_293 : i32
        %add3A_295 = arith.constant 9 : i32
        %add3A_296 = arith.addi %while3A_230, %add3A_295 : i32
        %jit3A_297 = arith.constant 12 : i32
        %eq3A_298 = arith.constant 0 : i32
        %eq3A_299 = arith.cmpi eq, %jit3A_297, %eq3A_298 : i32
        %jit3A_300 = arith.constant 1 : i32
        %select_n3A_301 = arith.select %eq3A_299, %jit3A_300, %jit3A_297 : i32
        %rem3A_302 = arith.remsi %add3A_296, %select_n3A_301 : i32
        %ne3A_303 = arith.constant 0 : i32
        %ne3A_304 = arith.cmpi ne, %rem3A_302, %ne3A_303 : i32
        %lt3A_305 = arith.constant 0 : i32
        %lt3A_306 = arith.cmpi slt, %rem3A_302, %lt3A_305 : i32
        %lt3A_307 = arith.constant 0 : i32
        %lt3A_308 = arith.cmpi slt, %select_n3A_301, %lt3A_307 : i32
        %ne3A_309 = arith.xori %lt3A_306, %lt3A_308 : i1
        %and3A_310 = arith.andi %ne3A_309, %ne3A_304 : i1
        %add3A_311 = arith.addi %rem3A_302, %select_n3A_301 : i32
        %select_n3A_312 = arith.select %and3A_310, %add3A_311, %rem3A_302 : i32
        %mul3A_313 = arith.constant 128 : i32
        %mul3A_314 = arith.muli %add3A_294, %mul3A_313 : i32
        %dma_start3A_315 = arith.constant 0 : i32
        %dma_start3A_316 = arith.constant 0 : i32
        %dma_start3A_317 = tpu.memref_slice %arg9[%select_n3A_312, %dma_start3A_315, %dma_start3A_316] : memref<12x128x16xf32, #tpu.memory_space<vmem>> -> memref<1x128x16xf32, #tpu.memory_space<vmem>>
        %dma_start3A_318 = tpu.memref_squeeze %dma_start3A_317 : memref<1x128x16xf32, #tpu.memory_space<vmem>> -> memref<128x16xf32, #tpu.memory_space<vmem>>
        %dma_start3A_319 = tpu.memref_slice %arg7[%mul3A_314] : memref<25088xi32, #tpu.memory_space<vmem>> -> memref<128xi32, #tpu.memory_space<vmem>>
        %dma_start3A_320 = arith.constant 0 : i32
        %dma_start3A_321 = arith.constant 0 : i32
        %dma_start3A_322 = tpu.memref_slice %arg2[%dma_start3A_320, %dma_start3A_321] : memref<50176x16xf32, #tpu.memory_space<hbm>> -> memref<50176x16xf32, #tpu.memory_space<hbm>>
        tpu.enqueue_indirect_dma source(%dma_start3A_322 : memref<50176x16xf32, #tpu.memory_space<hbm>>) target(%dma_start3A_318 : memref<128x16xf32, #tpu.memory_space<vmem>>) offsets(%dma_start3A_319 : memref<128xi32, #tpu.memory_space<vmem>>) semaphore(%arg12 : memref<!tpu.dma_semaphore, #tpu.memory_space<semaphore_mem>>)
      } else {
      }
      %jit3A_241 = arith.constant 12 : i32
      %eq3A_242 = arith.constant 0 : i32
      %eq3A_243 = arith.cmpi eq, %jit3A_241, %eq3A_242 : i32
      %jit3A_244 = arith.constant 1 : i32
      %select_n3A_245 = arith.select %eq3A_243, %jit3A_244, %jit3A_241 : i32
      %rem3A_246 = arith.remsi %while3A_230, %select_n3A_245 : i32
      %ne3A_247 = arith.constant 0 : i32
      %ne3A_248 = arith.cmpi ne, %rem3A_246, %ne3A_247 : i32
      %lt3A_249 = arith.constant 0 : i32
      %lt3A_250 = arith.cmpi slt, %rem3A_246, %lt3A_249 : i32
      %lt3A_251 = arith.constant 0 : i32
      %lt3A_252 = arith.cmpi slt, %select_n3A_245, %lt3A_251 : i32
      %ne3A_253 = arith.xori %lt3A_250, %lt3A_252 : i1
      %and3A_254 = arith.andi %ne3A_253, %ne3A_248 : i1
      %add3A_255 = arith.addi %rem3A_246, %select_n3A_245 : i32
      %select_n3A_256 = arith.select %and3A_254, %add3A_255, %rem3A_246 : i32
      %mul3A_257 = arith.constant 128 : i32
      %mul3A_258 = arith.muli %while3A_230, %mul3A_257 : i32
      %dma_wait3A_259 = arith.constant 0 : i32
      %dma_wait3A_260 = arith.constant 0 : i32
      %dma_wait3A_261 = tpu.memref_slice %arg9[%select_n3A_256, %dma_wait3A_259, %dma_wait3A_260] : memref<12x128x16xf32, #tpu.memory_space<vmem>> -> memref<1x128x16xf32, #tpu.memory_space<vmem>>
      %dma_wait3A_262 = tpu.memref_squeeze %dma_wait3A_261 : memref<1x128x16xf32, #tpu.memory_space<vmem>> -> memref<128x16xf32, #tpu.memory_space<vmem>>
      %dma_wait3A_263 = tpu.memref_slice %arg7[%mul3A_258] : memref<25088xi32, #tpu.memory_space<vmem>> -> memref<128xi32, #tpu.memory_space<vmem>>
      %dma_wait3A_264 = arith.constant 0 : i32
      %dma_wait3A_265 = arith.constant 0 : i32
      %dma_wait3A_266 = tpu.memref_slice %arg2[%dma_wait3A_264, %dma_wait3A_265] : memref<50176x16xf32, #tpu.memory_space<hbm>> -> memref<50176x16xf32, #tpu.memory_space<hbm>>
      tpu.wait_indirect_dma semaphore(%arg12 : memref<!tpu.dma_semaphore, #tpu.memory_space<semaphore_mem>>) src(%dma_wait3A_266 : memref<50176x16xf32, #tpu.memory_space<hbm>>) dst(%dma_wait3A_262 : memref<128x16xf32, #tpu.memory_space<vmem>>)
      %jit3A_267 = arith.constant 12 : i32
      %eq3A_268 = arith.constant 0 : i32
      %eq3A_269 = arith.cmpi eq, %jit3A_267, %eq3A_268 : i32
      %jit3A_270 = arith.constant 1 : i32
      %select_n3A_271 = arith.select %eq3A_269, %jit3A_270, %jit3A_267 : i32
      %rem3A_272 = arith.remsi %while3A_230, %select_n3A_271 : i32
      %ne3A_273 = arith.constant 0 : i32
      %ne3A_274 = arith.cmpi ne, %rem3A_272, %ne3A_273 : i32
      %lt3A_275 = arith.constant 0 : i32
      %lt3A_276 = arith.cmpi slt, %rem3A_272, %lt3A_275 : i32
      %lt3A_277 = arith.constant 0 : i32
      %lt3A_278 = arith.cmpi slt, %select_n3A_271, %lt3A_277 : i32
      %ne3A_279 = arith.xori %lt3A_276, %lt3A_278 : i1
      %and3A_280 = arith.andi %ne3A_279, %ne3A_274 : i1
      %add3A_281 = arith.addi %rem3A_272, %select_n3A_271 : i32
      %select_n3A_282 = arith.select %and3A_280, %add3A_281, %rem3A_272 : i32
      %dma_start3A_283 = arith.constant 0 : i32
      %dma_start3A_284 = arith.constant 0 : i32
      %dma_start3A_285 = tpu.memref_slice %arg9[%select_n3A_282, %dma_start3A_283, %dma_start3A_284] : memref<12x128x16xf32, #tpu.memory_space<vmem>> -> memref<1x128x16xf32, #tpu.memory_space<vmem>>
      %dma_start3A_286 = tpu.memref_squeeze %dma_start3A_285 : memref<1x128x16xf32, #tpu.memory_space<vmem>> -> memref<128x16xf32, #tpu.memory_space<vmem>>
      %dma_start3A_287 = arith.constant 0 : i32
      %dma_start3A_288 = tpu.memref_slice %arg8[%while3A_230, %dma_start3A_287] : memref<196x128xi32, #tpu.memory_space<vmem>> -> memref<1x128xi32, #tpu.memory_space<vmem>>
      %dma_start3A_289 = tpu.memref_squeeze %dma_start3A_288 : memref<1x128xi32, #tpu.memory_space<vmem>> -> memref<128xi32, #tpu.memory_space<vmem>>
      %dma_start3A_290 = arith.constant 0 : i32
      %dma_start3A_291 = arith.constant 0 : i32
      %dma_start3A_292 = tpu.memref_slice %arg11[%dma_start3A_290, %dma_start3A_291] : memref<50176x16xf32, #tpu.memory_space<vmem_shared>> -> memref<50176x16xf32, #tpu.memory_space<vmem_shared>>
      tpu.enqueue_indirect_dma source(%dma_start3A_286 : memref<128x16xf32, #tpu.memory_space<vmem>>) target(%dma_start3A_292 : memref<50176x16xf32, #tpu.memory_space<vmem_shared>>) offsets(%dma_start3A_289 : memref<128xi32, #tpu.memory_space<vmem>>) semaphore(%arg13 : memref<!tpu.dma_semaphore, #tpu.memory_space<semaphore_mem>>) {add = true}
    }
    %sub3A = arith.constant 3 : i32
    %sub3A_123 = arith.subi %add3A_8, %sub3A : i32
    %add3A_124 = arith.constant 0 : i32
    %add3A_125 = arith.addi %sub3A_123, %add3A_124 : i32
    %sub3A_126 = arith.constant 3 : i32
    %sub3A_127 = arith.subi %add3A_8, %sub3A_126 : i32
    %add3A_128 = arith.constant 0 : i32
    %add3A_129 = arith.addi %sub3A_127, %add3A_128 : i32
    %jit3A_130 = arith.constant 12 : i32
    %eq3A = arith.constant 0 : i32
    %eq3A_131 = arith.cmpi eq, %jit3A_130, %eq3A : i32
    %jit3A_132 = arith.constant 1 : i32
    %select_n3A_133 = arith.select %eq3A_131, %jit3A_132, %jit3A_130 : i32
    %rem3A = arith.remsi %add3A_129, %select_n3A_133 : i32
    %ne3A = arith.constant 0 : i32
    %ne3A_134 = arith.cmpi ne, %rem3A, %ne3A : i32
    %lt3A_135 = arith.constant 0 : i32
    %lt3A_136 = arith.cmpi slt, %rem3A, %lt3A_135 : i32
    %lt3A_137 = arith.constant 0 : i32
    %lt3A_138 = arith.cmpi slt, %select_n3A_133, %lt3A_137 : i32
    %ne3A_139 = arith.xori %lt3A_136, %lt3A_138 : i1
    %and3A = arith.andi %ne3A_139, %ne3A_134 : i1
    %add3A_140 = arith.addi %rem3A, %select_n3A_133 : i32
    %select_n3A_141 = arith.select %and3A, %add3A_140, %rem3A : i32
    %dma_wait3A = arith.constant 0 : i32
    %dma_wait3A_142 = arith.constant 0 : i32
    %dma_wait3A_143 = tpu.memref_slice %arg9[%select_n3A_141, %dma_wait3A, %dma_wait3A_142] : memref<12x128x16xf32, #tpu.memory_space<vmem>> -> memref<1x128x16xf32, #tpu.memory_space<vmem>>
    %dma_wait3A_144 = tpu.memref_squeeze %dma_wait3A_143 : memref<1x128x16xf32, #tpu.memory_space<vmem>> -> memref<128x16xf32, #tpu.memory_space<vmem>>
    %dma_wait3A_145 = arith.constant 0 : i32
    %dma_wait3A_146 = tpu.memref_slice %arg8[%add3A_125, %dma_wait3A_145] : memref<196x128xi32, #tpu.memory_space<vmem>> -> memref<1x128xi32, #tpu.memory_space<vmem>>
    %dma_wait3A_147 = tpu.memref_squeeze %dma_wait3A_146 : memref<1x128xi32, #tpu.memory_space<vmem>> -> memref<128xi32, #tpu.memory_space<vmem>>
    %dma_wait3A_148 = arith.constant 0 : i32
    %dma_wait3A_149 = arith.constant 0 : i32
    %dma_wait3A_150 = tpu.memref_slice %arg11[%dma_wait3A_148, %dma_wait3A_149] : memref<50176x16xf32, #tpu.memory_space<vmem_shared>> -> memref<50176x16xf32, #tpu.memory_space<vmem_shared>>
    tpu.wait_indirect_dma semaphore(%arg13 : memref<!tpu.dma_semaphore, #tpu.memory_space<semaphore_mem>>) src(%dma_wait3A_144 : memref<128x16xf32, #tpu.memory_space<vmem>>) dst(%dma_wait3A_150 : memref<50176x16xf32, #tpu.memory_space<vmem_shared>>)
    %sub3A_151 = arith.constant 3 : i32
    %sub3A_152 = arith.subi %add3A_8, %sub3A_151 : i32
    %add3A_153 = arith.constant 1 : i32
    %add3A_154 = arith.addi %sub3A_152, %add3A_153 : i32
    %sub3A_155 = arith.constant 3 : i32
    %sub3A_156 = arith.subi %add3A_8, %sub3A_155 : i32
    %add3A_157 = arith.constant 1 : i32
    %add3A_158 = arith.addi %sub3A_156, %add3A_157 : i32
    %jit3A_159 = arith.constant 12 : i32
    %eq3A_160 = arith.constant 0 : i32
    %eq3A_161 = arith.cmpi eq, %jit3A_159, %eq3A_160 : i32
    %jit3A_162 = arith.constant 1 : i32
    %select_n3A_163 = arith.select %eq3A_161, %jit3A_162, %jit3A_159 : i32
    %rem3A_164 = arith.remsi %add3A_158, %select_n3A_163 : i32
    %ne3A_165 = arith.constant 0 : i32
    %ne3A_166 = arith.cmpi ne, %rem3A_164, %ne3A_165 : i32
    %lt3A_167 = arith.constant 0 : i32
    %lt3A_168 = arith.cmpi slt, %rem3A_164, %lt3A_167 : i32
    %lt3A_169 = arith.constant 0 : i32
    %lt3A_170 = arith.cmpi slt, %select_n3A_163, %lt3A_169 : i32
    %ne3A_171 = arith.xori %lt3A_168, %lt3A_170 : i1
    %and3A_172 = arith.andi %ne3A_171, %ne3A_166 : i1
    %add3A_173 = arith.addi %rem3A_164, %select_n3A_163 : i32
    %select_n3A_174 = arith.select %and3A_172, %add3A_173, %rem3A_164 : i32
    %dma_wait3A_175 = arith.constant 0 : i32
    %dma_wait3A_176 = arith.constant 0 : i32
    %dma_wait3A_177 = tpu.memref_slice %arg9[%select_n3A_174, %dma_wait3A_175, %dma_wait3A_176] : memref<12x128x16xf32, #tpu.memory_space<vmem>> -> memref<1x128x16xf32, #tpu.memory_space<vmem>>
    %dma_wait3A_178 = tpu.memref_squeeze %dma_wait3A_177 : memref<1x128x16xf32, #tpu.memory_space<vmem>> -> memref<128x16xf32, #tpu.memory_space<vmem>>
    %dma_wait3A_179 = arith.constant 0 : i32
    %dma_wait3A_180 = tpu.memref_slice %arg8[%add3A_154, %dma_wait3A_179] : memref<196x128xi32, #tpu.memory_space<vmem>> -> memref<1x128xi32, #tpu.memory_space<vmem>>
    %dma_wait3A_181 = tpu.memref_squeeze %dma_wait3A_180 : memref<1x128xi32, #tpu.memory_space<vmem>> -> memref<128xi32, #tpu.memory_space<vmem>>
    %dma_wait3A_182 = arith.constant 0 : i32
    %dma_wait3A_183 = arith.constant 0 : i32
    %dma_wait3A_184 = tpu.memref_slice %arg11[%dma_wait3A_182, %dma_wait3A_183] : memref<50176x16xf32, #tpu.memory_space<vmem_shared>> -> memref<50176x16xf32, #tpu.memory_space<vmem_shared>>
    tpu.wait_indirect_dma semaphore(%arg13 : memref<!tpu.dma_semaphore, #tpu.memory_space<semaphore_mem>>) src(%dma_wait3A_178 : memref<128x16xf32, #tpu.memory_space<vmem>>) dst(%dma_wait3A_184 : memref<50176x16xf32, #tpu.memory_space<vmem_shared>>)
    %sub3A_185 = arith.constant 3 : i32
    %sub3A_186 = arith.subi %add3A_8, %sub3A_185 : i32
    %add3A_187 = arith.constant 2 : i32
    %add3A_188 = arith.addi %sub3A_186, %add3A_187 : i32
    %sub3A_189 = arith.constant 3 : i32
    %sub3A_190 = arith.subi %add3A_8, %sub3A_189 : i32
    %add3A_191 = arith.constant 2 : i32
    %add3A_192 = arith.addi %sub3A_190, %add3A_191 : i32
    %jit3A_193 = arith.constant 12 : i32
    %eq3A_194 = arith.constant 0 : i32
    %eq3A_195 = arith.cmpi eq, %jit3A_193, %eq3A_194 : i32
    %jit3A_196 = arith.constant 1 : i32
    %select_n3A_197 = arith.select %eq3A_195, %jit3A_196, %jit3A_193 : i32
    %rem3A_198 = arith.remsi %add3A_192, %select_n3A_197 : i32
    %ne3A_199 = arith.constant 0 : i32
    %ne3A_200 = arith.cmpi ne, %rem3A_198, %ne3A_199 : i32
    %lt3A_201 = arith.constant 0 : i32
    %lt3A_202 = arith.cmpi slt, %rem3A_198, %lt3A_201 : i32
    %lt3A_203 = arith.constant 0 : i32
    %lt3A_204 = arith.cmpi slt, %select_n3A_197, %lt3A_203 : i32
    %ne3A_205 = arith.xori %lt3A_202, %lt3A_204 : i1
    %and3A_206 = arith.andi %ne3A_205, %ne3A_200 : i1
    %add3A_207 = arith.addi %rem3A_198, %select_n3A_197 : i32
    %select_n3A_208 = arith.select %and3A_206, %add3A_207, %rem3A_198 : i32
    %dma_wait3A_209 = arith.constant 0 : i32
    %dma_wait3A_210 = arith.constant 0 : i32
    %dma_wait3A_211 = tpu.memref_slice %arg9[%select_n3A_208, %dma_wait3A_209, %dma_wait3A_210] : memref<12x128x16xf32, #tpu.memory_space<vmem>> -> memref<1x128x16xf32, #tpu.memory_space<vmem>>
    %dma_wait3A_212 = tpu.memref_squeeze %dma_wait3A_211 : memref<1x128x16xf32, #tpu.memory_space<vmem>> -> memref<128x16xf32, #tpu.memory_space<vmem>>
    %dma_wait3A_213 = arith.constant 0 : i32
    %dma_wait3A_214 = tpu.memref_slice %arg8[%add3A_188, %dma_wait3A_213] : memref<196x128xi32, #tpu.memory_space<vmem>> -> memref<1x128xi32, #tpu.memory_space<vmem>>
    %dma_wait3A_215 = tpu.memref_squeeze %dma_wait3A_214 : memref<1x128xi32, #tpu.memory_space<vmem>> -> memref<128xi32, #tpu.memory_space<vmem>>
    %dma_wait3A_216 = arith.constant 0 : i32
    %dma_wait3A_217 = arith.constant 0 : i32
    %dma_wait3A_218 = tpu.memref_slice %arg11[%dma_wait3A_216, %dma_wait3A_217] : memref<50176x16xf32, #tpu.memory_space<vmem_shared>> -> memref<50176x16xf32, #tpu.memory_space<vmem_shared>>
    tpu.wait_indirect_dma semaphore(%arg13 : memref<!tpu.dma_semaphore, #tpu.memory_space<semaphore_mem>>) src(%dma_wait3A_212 : memref<128x16xf32, #tpu.memory_space<vmem>>) dst(%dma_wait3A_218 : memref<50176x16xf32, #tpu.memory_space<vmem_shared>>)
    %barrier3A_219 = arith.constant 0 : index
    tpu.barrier barrier_id(%barrier3A_219)
    %eq3A_220 = arith.constant 0 : i32
    %eq3A_221 = arith.cmpi eq, %arg0, %eq3A_220 : i32
    %convert_element_type3A_222 = arith.extui %eq3A_221 : i1 to i32
    %cond3A_223 = arith.constant 0 : i32
    %cond3A_224 = arith.cmpi ne, %convert_element_type3A_222, %cond3A_223 : i32
    scf.if %cond3A_224 {
      %scan3A_230 = arith.constant 0 : i32
      %scan3A_231 = arith.constant 0 : i32
      %scan3A_232 = arith.constant 28 : i32
      %scan3A_233 = arith.addi %scan3A_231, %scan3A_232 : i32
      %scan3A_234 = arith.constant 1 : i32
      scf.for %scan3A_236 = %scan3A_231 to %scan3A_233 step %scan3A_234  : i32 {
        %mul3A_237 = arith.constant 3136 : i32
        %mul3A_238 = arith.muli %arg1, %mul3A_237 : i32
        %mul3A_239 = arith.constant 112 : i32
        %mul3A_240 = arith.muli %scan3A_236, %mul3A_239 : i32
        %add3A_241 = arith.addi %mul3A_238, %mul3A_240 : i32
        "tpu.region"() ({
          %run_scoped3A_247 = tpu.sem_alloc : memref<!tpu.dma_semaphore, #tpu.memory_space<semaphore_mem>>
          %dma_start3A_248 = arith.constant 0 : i32
          %dma_start3A_249 = tpu.memref_slice %arg11[%add3A_241, %dma_start3A_248] : memref<50176x16xf32, #tpu.memory_space<vmem_shared>> -> memref<112x16xf32, #tpu.memory_space<vmem_shared>>
          %dma_start3A_250 = arith.constant 0 : i32
          %dma_start3A_251 = tpu.memref_slice %arg11[%add3A_241, %dma_start3A_250] : memref<50176x16xf32, #tpu.memory_space<vmem_shared>> -> memref<112x16xf32, #tpu.memory_space<vmem_shared>>
          tpu.enqueue_dma source(%dma_start3A_251 : memref<112x16xf32, #tpu.memory_space<vmem_shared>>) target(%arg10 : memref<112x16xf32, #tpu.memory_space<vmem>>) target_semaphore(%run_scoped3A_247 : memref<!tpu.dma_semaphore, #tpu.memory_space<semaphore_mem>>)
          %dma_wait3A_252 = arith.constant 0 : i32
          %dma_wait3A_253 = tpu.memref_slice %arg11[%add3A_241, %dma_wait3A_252] : memref<50176x16xf32, #tpu.memory_space<vmem_shared>> -> memref<112x16xf32, #tpu.memory_space<vmem_shared>>
          %dma_wait3A_254 = arith.constant 0 : i32
          %dma_wait3A_255 = tpu.memref_slice %arg11[%add3A_241, %dma_wait3A_254] : memref<50176x16xf32, #tpu.memory_space<vmem_shared>> -> memref<112x16xf32, #tpu.memory_space<vmem_shared>>
          tpu.wait_dma2 semaphore(%run_scoped3A_247 : memref<!tpu.dma_semaphore, #tpu.memory_space<semaphore_mem>>) src(%dma_wait3A_255 : memref<112x16xf32, #tpu.memory_space<vmem_shared>>) dst(%arg10 : memref<112x16xf32, #tpu.memory_space<vmem>>)
          tpu.yield
        }) : () -> ()
        %mul3A_242 = arith.constant 3136 : i32
        %mul3A_243 = arith.muli %arg1, %mul3A_242 : i32
        %mul3A_244 = arith.constant 112 : i32
        %mul3A_245 = arith.muli %scan3A_236, %mul3A_244 : i32
        %add3A_246 = arith.addi %mul3A_243, %mul3A_245 : i32
        "tpu.region"() ({
          %run_scoped3A_247 = tpu.sem_alloc : memref<!tpu.dma_semaphore, #tpu.memory_space<semaphore_mem>>
          %dma_start3A_248 = arith.constant 0 : i32
          %dma_start3A_249 = tpu.memref_slice %arg5[%add3A_246, %dma_start3A_248] : memref<50176x16xf32, #tpu.memory_space<hbm>> -> memref<112x16xf32, #tpu.memory_space<hbm>>
          %dma_start3A_250 = arith.constant 0 : i32
          %dma_start3A_251 = tpu.memref_slice %arg5[%add3A_246, %dma_start3A_250] : memref<50176x16xf32, #tpu.memory_space<hbm>> -> memref<112x16xf32, #tpu.memory_space<hbm>>
          tpu.enqueue_dma source(%arg10 : memref<112x16xf32, #tpu.memory_space<vmem>>) target(%dma_start3A_251 : memref<112x16xf32, #tpu.memory_space<hbm>>) target_semaphore(%run_scoped3A_247 : memref<!tpu.dma_semaphore, #tpu.memory_space<semaphore_mem>>)
          %dma_wait3A_252 = arith.constant 0 : i32
          %dma_wait3A_253 = tpu.memref_slice %arg5[%add3A_246, %dma_wait3A_252] : memref<50176x16xf32, #tpu.memory_space<hbm>> -> memref<112x16xf32, #tpu.memory_space<hbm>>
          %dma_wait3A_254 = arith.constant 0 : i32
          %dma_wait3A_255 = tpu.memref_slice %arg5[%add3A_246, %dma_wait3A_254] : memref<50176x16xf32, #tpu.memory_space<hbm>> -> memref<112x16xf32, #tpu.memory_space<hbm>>
          tpu.wait_dma2 semaphore(%run_scoped3A_247 : memref<!tpu.dma_semaphore, #tpu.memory_space<semaphore_mem>>) src(%arg10 : memref<112x16xf32, #tpu.memory_space<vmem>>) dst(%dma_wait3A_255 : memref<112x16xf32, #tpu.memory_space<hbm>>)
          tpu.yield
        }) : () -> ()
      }
      %scan3A_235 = arith.constant 28 : i32
    } else {
    }
    %eq3A_225 = arith.constant 1 : i32
    %eq3A_226 = arith.cmpi eq, %arg0, %eq3A_225 : i32
    %convert_element_type3A_227 = arith.extui %eq3A_226 : i1 to i32
    %cond3A_228 = arith.constant 0 : i32
    %cond3A_229 = arith.cmpi ne, %convert_element_type3A_227, %cond3A_228 : i32
    scf.if %cond3A_229 {
      %scan3A_230 = arith.constant 0 : i32
      %scan3A_231 = arith.constant 0 : i32
      %scan3A_232 = arith.constant 28 : i32
      %scan3A_233 = arith.addi %scan3A_231, %scan3A_232 : i32
      %scan3A_234 = arith.constant 1 : i32
      scf.for %scan3A_236 = %scan3A_231 to %scan3A_233 step %scan3A_234  : i32 {
        %mul3A_237 = arith.constant 3136 : i32
        %mul3A_238 = arith.muli %arg1, %mul3A_237 : i32
        %mul3A_239 = arith.constant 112 : i32
        %mul3A_240 = arith.muli %scan3A_236, %mul3A_239 : i32
        %add3A_241 = arith.addi %mul3A_238, %mul3A_240 : i32
        "tpu.region"() ({
          %run_scoped3A_247 = tpu.sem_alloc : memref<!tpu.dma_semaphore, #tpu.memory_space<semaphore_mem>>
          %dma_start3A_248 = arith.constant 0 : i32
          %dma_start3A_249 = tpu.memref_slice %arg11[%add3A_241, %dma_start3A_248] : memref<50176x16xf32, #tpu.memory_space<vmem_shared>> -> memref<112x16xf32, #tpu.memory_space<vmem_shared>>
          %dma_start3A_250 = arith.constant 0 : i32
          %dma_start3A_251 = tpu.memref_slice %arg11[%add3A_241, %dma_start3A_250] : memref<50176x16xf32, #tpu.memory_space<vmem_shared>> -> memref<112x16xf32, #tpu.memory_space<vmem_shared>>
          tpu.enqueue_dma source(%dma_start3A_251 : memref<112x16xf32, #tpu.memory_space<vmem_shared>>) target(%arg10 : memref<112x16xf32, #tpu.memory_space<vmem>>) target_semaphore(%run_scoped3A_247 : memref<!tpu.dma_semaphore, #tpu.memory_space<semaphore_mem>>)
          %dma_wait3A_252 = arith.constant 0 : i32
          %dma_wait3A_253 = tpu.memref_slice %arg11[%add3A_241, %dma_wait3A_252] : memref<50176x16xf32, #tpu.memory_space<vmem_shared>> -> memref<112x16xf32, #tpu.memory_space<vmem_shared>>
          %dma_wait3A_254 = arith.constant 0 : i32
          %dma_wait3A_255 = tpu.memref_slice %arg11[%add3A_241, %dma_wait3A_254] : memref<50176x16xf32, #tpu.memory_space<vmem_shared>> -> memref<112x16xf32, #tpu.memory_space<vmem_shared>>
          tpu.wait_dma2 semaphore(%run_scoped3A_247 : memref<!tpu.dma_semaphore, #tpu.memory_space<semaphore_mem>>) src(%dma_wait3A_255 : memref<112x16xf32, #tpu.memory_space<vmem_shared>>) dst(%arg10 : memref<112x16xf32, #tpu.memory_space<vmem>>)
          tpu.yield
        }) : () -> ()
        %mul3A_242 = arith.constant 3136 : i32
        %mul3A_243 = arith.muli %arg1, %mul3A_242 : i32
        %mul3A_244 = arith.constant 112 : i32
        %mul3A_245 = arith.muli %scan3A_236, %mul3A_244 : i32
        %add3A_246 = arith.addi %mul3A_243, %mul3A_245 : i32
        "tpu.region"() ({
          %run_scoped3A_247 = tpu.sem_alloc : memref<!tpu.dma_semaphore, #tpu.memory_space<semaphore_mem>>
          %dma_start3A_248 = arith.constant 0 : i32
          %dma_start3A_249 = tpu.memref_slice %arg6[%add3A_246, %dma_start3A_248] : memref<50176x16xf32, #tpu.memory_space<hbm>> -> memref<112x16xf32, #tpu.memory_space<hbm>>
          %dma_start3A_250 = arith.constant 0 : i32
          %dma_start3A_251 = tpu.memref_slice %arg6[%add3A_246, %dma_start3A_250] : memref<50176x16xf32, #tpu.memory_space<hbm>> -> memref<112x16xf32, #tpu.memory_space<hbm>>
          tpu.enqueue_dma source(%arg10 : memref<112x16xf32, #tpu.memory_space<vmem>>) target(%dma_start3A_251 : memref<112x16xf32, #tpu.memory_space<hbm>>) target_semaphore(%run_scoped3A_247 : memref<!tpu.dma_semaphore, #tpu.memory_space<semaphore_mem>>)
          %dma_wait3A_252 = arith.constant 0 : i32
          %dma_wait3A_253 = tpu.memref_slice %arg6[%add3A_246, %dma_wait3A_252] : memref<50176x16xf32, #tpu.memory_space<hbm>> -> memref<112x16xf32, #tpu.memory_space<hbm>>
          %dma_wait3A_254 = arith.constant 0 : i32
          %dma_wait3A_255 = tpu.memref_slice %arg6[%add3A_246, %dma_wait3A_254] : memref<50176x16xf32, #tpu.memory_space<hbm>> -> memref<112x16xf32, #tpu.memory_space<hbm>>
          tpu.wait_dma2 semaphore(%run_scoped3A_247 : memref<!tpu.dma_semaphore, #tpu.memory_space<semaphore_mem>>) src(%arg10 : memref<112x16xf32, #tpu.memory_space<vmem>>) dst(%dma_wait3A_255 : memref<112x16xf32, #tpu.memory_space<hbm>>)
          tpu.yield
        }) : () -> ()
      }
      %scan3A_235 = arith.constant 28 : i32
    } else {
    }
    return
  }
}

#map = affine_map<(d0, d1) -> (0, 0)>
#map1 = affine_map<(d0, d1) -> (0)>
module attributes {stable_mosaic.version = 14 : i64} {
  func.func @_sc_degree(%arg0: i32, %arg1: i32, %arg2: memref<2x800000xi32, #tpu.memory_space<hbm>>, %arg3: memref<50176xf32, #tpu.memory_space<hbm>>, %arg4: memref<50176xf32, #tpu.memory_space<hbm>>, %arg5: memref<6250x128xi32, #tpu.memory_space<hbm>>, %arg6: memref<25088xi32, #tpu.memory_space<vmem>>, %arg7: memref<25088xi32, #tpu.memory_space<vmem>>, %arg8: memref<196x128xi32, #tpu.memory_space<vmem>>, %arg9: memref<128xf32, #tpu.memory_space<vmem>>, %arg10: memref<112xf32, #tpu.memory_space<vmem>>, %arg11: memref<50176xf32, #tpu.memory_space<vmem_shared>>, %arg12: memref<!tpu.dma_semaphore, #tpu.memory_space<semaphore_mem>>) attributes {dimension_semantics = [#tpu.dimension_semantics<core_parallel>, #tpu.dimension_semantics<subcore_parallel>], iteration_bounds = array<i64: 2, 16>, scalar_prefetch = 0 : i64, scratch_operands = 7 : i64, tpu.core_type = #tpu.core_type<sc_vector_subcore>, window_params = [{transform_indices = #map}, {transform_indices = #map1}, {transform_indices = #map1}, {transform_indices = #map}]} {
    %mul3A = arith.constant 2 : i32
    %mul3A_0 = arith.muli %arg1, %mul3A : i32
    %add3A = arith.addi %mul3A_0, %arg0 : i32
    %mul3A_1 = arith.constant 195 : i32
    %mul3A_2 = arith.muli %add3A, %mul3A_1 : i32
    %min3A = arith.constant 10 : i32
    %min3A_3 = arith.minsi %add3A, %min3A : i32
    %add3A_4 = arith.addi %mul3A_2, %min3A_3 : i32
    %lt3A = arith.constant 10 : i32
    %lt3A_5 = arith.cmpi slt, %add3A, %lt3A : i32
    %jit3A = arith.constant 1 : i32
    %jit3A_6 = arith.constant 0 : i32
    %select_n3A = arith.select %lt3A_5, %jit3A, %jit3A_6 : i32
    %add3A_7 = arith.constant 195 : i32
    %add3A_8 = arith.addi %add3A_7, %select_n3A : i32
    %mul3A_9 = arith.constant 128 : i32
    %mul3A_10 = arith.muli %add3A_4, %mul3A_9 : i32
    %run_scoped3A = arith.constant 0 : i32
    "tpu.region"() ({
      %run_scoped3A_112 = tpu.sem_alloc : memref<!tpu.dma_semaphore, #tpu.memory_space<semaphore_mem>>
      %dma_start3A = arith.constant 0 : i32
      %dma_start3A_113 = tpu.memref_slice %arg6[%dma_start3A] : memref<25088xi32, #tpu.memory_space<vmem>> -> memref<24960xi32, #tpu.memory_space<vmem>>
      %dma_start3A_114 = tpu.memref_slice %arg2[%run_scoped3A, %mul3A_10] : memref<2x800000xi32, #tpu.memory_space<hbm>> -> memref<1x24960xi32, #tpu.memory_space<hbm>>
      %dma_start3A_115 = tpu.memref_squeeze %dma_start3A_114 : memref<1x24960xi32, #tpu.memory_space<hbm>> -> memref<24960xi32, #tpu.memory_space<hbm>>
      %dma_start3A_116 = arith.constant 0 : i32
      %dma_start3A_117 = tpu.memref_slice %arg6[%dma_start3A_116] : memref<25088xi32, #tpu.memory_space<vmem>> -> memref<24960xi32, #tpu.memory_space<vmem>>
      %dma_start3A_118 = tpu.memref_slice %arg2[%run_scoped3A, %mul3A_10] : memref<2x800000xi32, #tpu.memory_space<hbm>> -> memref<1x24960xi32, #tpu.memory_space<hbm>>
      %dma_start3A_119 = tpu.memref_squeeze %dma_start3A_118 : memref<1x24960xi32, #tpu.memory_space<hbm>> -> memref<24960xi32, #tpu.memory_space<hbm>>
      tpu.enqueue_dma source(%dma_start3A_119 : memref<24960xi32, #tpu.memory_space<hbm>>) target(%dma_start3A_117 : memref<24960xi32, #tpu.memory_space<vmem>>) target_semaphore(%run_scoped3A_112 : memref<!tpu.dma_semaphore, #tpu.memory_space<semaphore_mem>>)
      %dma_wait3A = arith.constant 0 : i32
      %dma_wait3A_120 = tpu.memref_slice %arg6[%dma_wait3A] : memref<25088xi32, #tpu.memory_space<vmem>> -> memref<24960xi32, #tpu.memory_space<vmem>>
      %dma_wait3A_121 = tpu.memref_slice %arg2[%run_scoped3A, %mul3A_10] : memref<2x800000xi32, #tpu.memory_space<hbm>> -> memref<1x24960xi32, #tpu.memory_space<hbm>>
      %dma_wait3A_122 = tpu.memref_squeeze %dma_wait3A_121 : memref<1x24960xi32, #tpu.memory_space<hbm>> -> memref<24960xi32, #tpu.memory_space<hbm>>
      %dma_wait3A_123 = arith.constant 0 : i32
      %dma_wait3A_124 = tpu.memref_slice %arg6[%dma_wait3A_123] : memref<25088xi32, #tpu.memory_space<vmem>> -> memref<24960xi32, #tpu.memory_space<vmem>>
      %dma_wait3A_125 = tpu.memref_slice %arg2[%run_scoped3A, %mul3A_10] : memref<2x800000xi32, #tpu.memory_space<hbm>> -> memref<1x24960xi32, #tpu.memory_space<hbm>>
      %dma_wait3A_126 = tpu.memref_squeeze %dma_wait3A_125 : memref<1x24960xi32, #tpu.memory_space<hbm>> -> memref<24960xi32, #tpu.memory_space<hbm>>
      tpu.wait_dma2 semaphore(%run_scoped3A_112 : memref<!tpu.dma_semaphore, #tpu.memory_space<semaphore_mem>>) src(%dma_wait3A_126 : memref<24960xi32, #tpu.memory_space<hbm>>) dst(%dma_wait3A_124 : memref<24960xi32, #tpu.memory_space<vmem>>)
      tpu.yield
    }) : () -> ()
    %run_scoped3A_11 = arith.constant 1 : i32
    "tpu.region"() ({
      %run_scoped3A_112 = tpu.sem_alloc : memref<!tpu.dma_semaphore, #tpu.memory_space<semaphore_mem>>
      %dma_start3A = arith.constant 0 : i32
      %dma_start3A_113 = tpu.memref_slice %arg7[%dma_start3A] : memref<25088xi32, #tpu.memory_space<vmem>> -> memref<24960xi32, #tpu.memory_space<vmem>>
      %dma_start3A_114 = tpu.memref_slice %arg2[%run_scoped3A_11, %mul3A_10] : memref<2x800000xi32, #tpu.memory_space<hbm>> -> memref<1x24960xi32, #tpu.memory_space<hbm>>
      %dma_start3A_115 = tpu.memref_squeeze %dma_start3A_114 : memref<1x24960xi32, #tpu.memory_space<hbm>> -> memref<24960xi32, #tpu.memory_space<hbm>>
      %dma_start3A_116 = arith.constant 0 : i32
      %dma_start3A_117 = tpu.memref_slice %arg7[%dma_start3A_116] : memref<25088xi32, #tpu.memory_space<vmem>> -> memref<24960xi32, #tpu.memory_space<vmem>>
      %dma_start3A_118 = tpu.memref_slice %arg2[%run_scoped3A_11, %mul3A_10] : memref<2x800000xi32, #tpu.memory_space<hbm>> -> memref<1x24960xi32, #tpu.memory_space<hbm>>
      %dma_start3A_119 = tpu.memref_squeeze %dma_start3A_118 : memref<1x24960xi32, #tpu.memory_space<hbm>> -> memref<24960xi32, #tpu.memory_space<hbm>>
      tpu.enqueue_dma source(%dma_start3A_119 : memref<24960xi32, #tpu.memory_space<hbm>>) target(%dma_start3A_117 : memref<24960xi32, #tpu.memory_space<vmem>>) target_semaphore(%run_scoped3A_112 : memref<!tpu.dma_semaphore, #tpu.memory_space<semaphore_mem>>)
      %dma_wait3A = arith.constant 0 : i32
      %dma_wait3A_120 = tpu.memref_slice %arg7[%dma_wait3A] : memref<25088xi32, #tpu.memory_space<vmem>> -> memref<24960xi32, #tpu.memory_space<vmem>>
      %dma_wait3A_121 = tpu.memref_slice %arg2[%run_scoped3A_11, %mul3A_10] : memref<2x800000xi32, #tpu.memory_space<hbm>> -> memref<1x24960xi32, #tpu.memory_space<hbm>>
      %dma_wait3A_122 = tpu.memref_squeeze %dma_wait3A_121 : memref<1x24960xi32, #tpu.memory_space<hbm>> -> memref<24960xi32, #tpu.memory_space<hbm>>
      %dma_wait3A_123 = arith.constant 0 : i32
      %dma_wait3A_124 = tpu.memref_slice %arg7[%dma_wait3A_123] : memref<25088xi32, #tpu.memory_space<vmem>> -> memref<24960xi32, #tpu.memory_space<vmem>>
      %dma_wait3A_125 = tpu.memref_slice %arg2[%run_scoped3A_11, %mul3A_10] : memref<2x800000xi32, #tpu.memory_space<hbm>> -> memref<1x24960xi32, #tpu.memory_space<hbm>>
      %dma_wait3A_126 = tpu.memref_squeeze %dma_wait3A_125 : memref<1x24960xi32, #tpu.memory_space<hbm>> -> memref<24960xi32, #tpu.memory_space<hbm>>
      tpu.wait_dma2 semaphore(%run_scoped3A_112 : memref<!tpu.dma_semaphore, #tpu.memory_space<semaphore_mem>>) src(%dma_wait3A_126 : memref<24960xi32, #tpu.memory_space<hbm>>) dst(%dma_wait3A_124 : memref<24960xi32, #tpu.memory_space<vmem>>)
      tpu.yield
    }) : () -> ()
    %lt3A_12 = arith.constant 10 : i32
    %lt3A_13 = arith.cmpi slt, %add3A, %lt3A_12 : i32
    %convert_element_type3A = arith.extui %lt3A_13 : i1 to i32
    %cond3A = arith.constant 0 : i32
    %cond3A_14 = arith.cmpi ne, %convert_element_type3A, %cond3A : i32
    scf.if %cond3A_14 {
      %add3A_112 = arith.constant 24960 : i32
      %add3A_113 = arith.addi %mul3A_10, %add3A_112 : i32
      %run_scoped3A_114 = arith.constant 0 : i32
      "tpu.region"() ({
        %run_scoped3A_118 = tpu.sem_alloc : memref<!tpu.dma_semaphore, #tpu.memory_space<semaphore_mem>>
        %dma_start3A = arith.constant 24960 : i32
        %dma_start3A_119 = tpu.memref_slice %arg6[%dma_start3A] : memref<25088xi32, #tpu.memory_space<vmem>> -> memref<128xi32, #tpu.memory_space<vmem>>
        %dma_start3A_120 = tpu.memref_slice %arg2[%run_scoped3A_114, %add3A_113] : memref<2x800000xi32, #tpu.memory_space<hbm>> -> memref<1x128xi32, #tpu.memory_space<hbm>>
        %dma_start3A_121 = tpu.memref_squeeze %dma_start3A_120 : memref<1x128xi32, #tpu.memory_space<hbm>> -> memref<128xi32, #tpu.memory_space<hbm>>
        %dma_start3A_122 = arith.constant 24960 : i32
        %dma_start3A_123 = tpu.memref_slice %arg6[%dma_start3A_122] : memref<25088xi32, #tpu.memory_space<vmem>> -> memref<128xi32, #tpu.memory_space<vmem>>
        %dma_start3A_124 = tpu.memref_slice %arg2[%run_scoped3A_114, %add3A_113] : memref<2x800000xi32, #tpu.memory_space<hbm>> -> memref<1x128xi32, #tpu.memory_space<hbm>>
        %dma_start3A_125 = tpu.memref_squeeze %dma_start3A_124 : memref<1x128xi32, #tpu.memory_space<hbm>> -> memref<128xi32, #tpu.memory_space<hbm>>
        tpu.enqueue_dma source(%dma_start3A_125 : memref<128xi32, #tpu.memory_space<hbm>>) target(%dma_start3A_123 : memref<128xi32, #tpu.memory_space<vmem>>) target_semaphore(%run_scoped3A_118 : memref<!tpu.dma_semaphore, #tpu.memory_space<semaphore_mem>>)
        %dma_wait3A = arith.constant 24960 : i32
        %dma_wait3A_126 = tpu.memref_slice %arg6[%dma_wait3A] : memref<25088xi32, #tpu.memory_space<vmem>> -> memref<128xi32, #tpu.memory_space<vmem>>
        %dma_wait3A_127 = tpu.memref_slice %arg2[%run_scoped3A_114, %add3A_113] : memref<2x800000xi32, #tpu.memory_space<hbm>> -> memref<1x128xi32, #tpu.memory_space<hbm>>
        %dma_wait3A_128 = tpu.memref_squeeze %dma_wait3A_127 : memref<1x128xi32, #tpu.memory_space<hbm>> -> memref<128xi32, #tpu.memory_space<hbm>>
        %dma_wait3A_129 = arith.constant 24960 : i32
        %dma_wait3A_130 = tpu.memref_slice %arg6[%dma_wait3A_129] : memref<25088xi32, #tpu.memory_space<vmem>> -> memref<128xi32, #tpu.memory_space<vmem>>
        %dma_wait3A_131 = tpu.memref_slice %arg2[%run_scoped3A_114, %add3A_113] : memref<2x800000xi32, #tpu.memory_space<hbm>> -> memref<1x128xi32, #tpu.memory_space<hbm>>
        %dma_wait3A_132 = tpu.memref_squeeze %dma_wait3A_131 : memref<1x128xi32, #tpu.memory_space<hbm>> -> memref<128xi32, #tpu.memory_space<hbm>>
        tpu.wait_dma2 semaphore(%run_scoped3A_118 : memref<!tpu.dma_semaphore, #tpu.memory_space<semaphore_mem>>) src(%dma_wait3A_132 : memref<128xi32, #tpu.memory_space<hbm>>) dst(%dma_wait3A_130 : memref<128xi32, #tpu.memory_space<vmem>>)
        tpu.yield
      }) : () -> ()
      %add3A_115 = arith.constant 24960 : i32
      %add3A_116 = arith.addi %mul3A_10, %add3A_115 : i32
      %run_scoped3A_117 = arith.constant 1 : i32
      "tpu.region"() ({
        %run_scoped3A_118 = tpu.sem_alloc : memref<!tpu.dma_semaphore, #tpu.memory_space<semaphore_mem>>
        %dma_start3A = arith.constant 24960 : i32
        %dma_start3A_119 = tpu.memref_slice %arg7[%dma_start3A] : memref<25088xi32, #tpu.memory_space<vmem>> -> memref<128xi32, #tpu.memory_space<vmem>>
        %dma_start3A_120 = tpu.memref_slice %arg2[%run_scoped3A_117, %add3A_116] : memref<2x800000xi32, #tpu.memory_space<hbm>> -> memref<1x128xi32, #tpu.memory_space<hbm>>
        %dma_start3A_121 = tpu.memref_squeeze %dma_start3A_120 : memref<1x128xi32, #tpu.memory_space<hbm>> -> memref<128xi32, #tpu.memory_space<hbm>>
        %dma_start3A_122 = arith.constant 24960 : i32
        %dma_start3A_123 = tpu.memref_slice %arg7[%dma_start3A_122] : memref<25088xi32, #tpu.memory_space<vmem>> -> memref<128xi32, #tpu.memory_space<vmem>>
        %dma_start3A_124 = tpu.memref_slice %arg2[%run_scoped3A_117, %add3A_116] : memref<2x800000xi32, #tpu.memory_space<hbm>> -> memref<1x128xi32, #tpu.memory_space<hbm>>
        %dma_start3A_125 = tpu.memref_squeeze %dma_start3A_124 : memref<1x128xi32, #tpu.memory_space<hbm>> -> memref<128xi32, #tpu.memory_space<hbm>>
        tpu.enqueue_dma source(%dma_start3A_125 : memref<128xi32, #tpu.memory_space<hbm>>) target(%dma_start3A_123 : memref<128xi32, #tpu.memory_space<vmem>>) target_semaphore(%run_scoped3A_118 : memref<!tpu.dma_semaphore, #tpu.memory_space<semaphore_mem>>)
        %dma_wait3A = arith.constant 24960 : i32
        %dma_wait3A_126 = tpu.memref_slice %arg7[%dma_wait3A] : memref<25088xi32, #tpu.memory_space<vmem>> -> memref<128xi32, #tpu.memory_space<vmem>>
        %dma_wait3A_127 = tpu.memref_slice %arg2[%run_scoped3A_117, %add3A_116] : memref<2x800000xi32, #tpu.memory_space<hbm>> -> memref<1x128xi32, #tpu.memory_space<hbm>>
        %dma_wait3A_128 = tpu.memref_squeeze %dma_wait3A_127 : memref<1x128xi32, #tpu.memory_space<hbm>> -> memref<128xi32, #tpu.memory_space<hbm>>
        %dma_wait3A_129 = arith.constant 24960 : i32
        %dma_wait3A_130 = tpu.memref_slice %arg7[%dma_wait3A_129] : memref<25088xi32, #tpu.memory_space<vmem>> -> memref<128xi32, #tpu.memory_space<vmem>>
        %dma_wait3A_131 = tpu.memref_slice %arg2[%run_scoped3A_117, %add3A_116] : memref<2x800000xi32, #tpu.memory_space<hbm>> -> memref<1x128xi32, #tpu.memory_space<hbm>>
        %dma_wait3A_132 = tpu.memref_squeeze %dma_wait3A_131 : memref<1x128xi32, #tpu.memory_space<hbm>> -> memref<128xi32, #tpu.memory_space<hbm>>
        tpu.wait_dma2 semaphore(%run_scoped3A_118 : memref<!tpu.dma_semaphore, #tpu.memory_space<semaphore_mem>>) src(%dma_wait3A_132 : memref<128xi32, #tpu.memory_space<hbm>>) dst(%dma_wait3A_130 : memref<128xi32, #tpu.memory_space<vmem>>)
        tpu.yield
      }) : () -> ()
    } else {
    }
    %scan3A = arith.constant 0 : i32
    %scan3A_15 = arith.constant 0 : i32
    %scan3A_16 = arith.constant 7 : i32
    %scan3A_17 = arith.addi %scan3A_15, %scan3A_16 : i32
    %scan3A_18 = arith.constant 1 : i32
    scf.for %scan3A_112 = %scan3A_15 to %scan3A_17 step %scan3A_18  : i32 {
      %broadcast_in_dim3A_113 = arith.constant 0.000000e+00 : f32
      %broadcast_in_dim3A_114 = vector.broadcast %broadcast_in_dim3A_113 : f32 to vector<16xf32>
      %mul3A_115 = arith.constant 16 : i32
      %mul3A_116 = arith.muli %scan3A_112, %mul3A_115 : i32
      %swap3A_117 = arith.index_cast %mul3A_116 : i32 to index
      %swap3A_118 = tpu.vector_load %arg10[%swap3A_117] {strides = array<i32>} : memref<112xf32, #tpu.memory_space<vmem>>, vector<16xf32>,
      %swap3A_119 = vector.shape_cast %swap3A_118 : vector<16xf32> to vector<16xf32>
      %swap3A_120 = vector.shape_cast %broadcast_in_dim3A_114 : vector<16xf32> to vector<16xf32>
      tpu.vector_store %arg10[%swap3A_117], %swap3A_120 {strides = array<i32>} : memref<112xf32, #tpu.memory_space<vmem>>, vector<16xf32>,
    }
    %scan3A_19 = arith.constant 7 : i32
    %scan3A_20 = arith.constant 0 : i32
    %scan3A_21 = arith.constant 0 : i32
    %scan3A_22 = arith.constant 28 : i32
    %scan3A_23 = arith.addi %scan3A_21, %scan3A_22 : i32
    %scan3A_24 = arith.constant 1 : i32
    scf.for %scan3A_112 = %scan3A_21 to %scan3A_23 step %scan3A_24  : i32 {
      %mul3A_113 = arith.constant 3136 : i32
      %mul3A_114 = arith.muli %arg1, %mul3A_113 : i32
      %mul3A_115 = arith.constant 112 : i32
      %mul3A_116 = arith.muli %scan3A_112, %mul3A_115 : i32
      %add3A_117 = arith.addi %mul3A_114, %mul3A_116 : i32
      "tpu.region"() ({
        %run_scoped3A_118 = tpu.sem_alloc : memref<!tpu.dma_semaphore, #tpu.memory_space<semaphore_mem>>
        %dma_start3A = tpu.memref_slice %arg11[%add3A_117] : memref<50176xf32, #tpu.memory_space<vmem_shared>> -> memref<112xf32, #tpu.memory_space<vmem_shared>>
        %dma_start3A_119 = tpu.memref_slice %arg11[%add3A_117] : memref<50176xf32, #tpu.memory_space<vmem_shared>> -> memref<112xf32, #tpu.memory_space<vmem_shared>>
        tpu.enqueue_dma source(%arg10 : memref<112xf32, #tpu.memory_space<vmem>>) target(%dma_start3A_119 : memref<112xf32, #tpu.memory_space<vmem_shared>>) target_semaphore(%run_scoped3A_118 : memref<!tpu.dma_semaphore, #tpu.memory_space<semaphore_mem>>)
        %dma_wait3A = tpu.memref_slice %arg11[%add3A_117] : memref<50176xf32, #tpu.memory_space<vmem_shared>> -> memref<112xf32, #tpu.memory_space<vmem_shared>>
        %dma_wait3A_120 = tpu.memref_slice %arg11[%add3A_117] : memref<50176xf32, #tpu.memory_space<vmem_shared>> -> memref<112xf32, #tpu.memory_space<vmem_shared>>
        tpu.wait_dma2 semaphore(%run_scoped3A_118 : memref<!tpu.dma_semaphore, #tpu.memory_space<semaphore_mem>>) src(%arg10 : memref<112xf32, #tpu.memory_space<vmem>>) dst(%dma_wait3A_120 : memref<112xf32, #tpu.memory_space<vmem_shared>>)
        tpu.yield
      }) : () -> ()
    }
    %scan3A_25 = arith.constant 28 : i32
    %broadcast_in_dim3A = arith.constant 1.000000e+00 : f32
    %broadcast_in_dim3A_26 = vector.broadcast %broadcast_in_dim3A : f32 to vector<16xf32>
    %swap3A = arith.constant 0 : index
    %swap3A_27 = tpu.vector_load %arg9[%swap3A] {strides = array<i32>} : memref<128xf32, #tpu.memory_space<vmem>>, vector<16xf32>,
    %swap3A_28 = vector.shape_cast %swap3A_27 : vector<16xf32> to vector<16xf32>
    %swap3A_29 = vector.shape_cast %broadcast_in_dim3A_26 : vector<16xf32> to vector<16xf32>
    tpu.vector_store %arg9[%swap3A], %swap3A_29 {strides = array<i32>} : memref<128xf32, #tpu.memory_space<vmem>>, vector<16xf32>,
    %broadcast_in_dim3A_30 = arith.constant 1.000000e+00 : f32
    %broadcast_in_dim3A_31 = vector.broadcast %broadcast_in_dim3A_30 : f32 to vector<16xf32>
    %swap3A_32 = arith.constant 16 : index
    %swap3A_33 = tpu.vector_load %arg9[%swap3A_32] {strides = array<i32>} : memref<128xf32, #tpu.memory_space<vmem>>, vector<16xf32>,
    %swap3A_34 = vector.shape_cast %swap3A_33 : vector<16xf32> to vector<16xf32>
    %swap3A_35 = vector.shape_cast %broadcast_in_dim3A_31 : vector<16xf32> to vector<16xf32>
    tpu.vector_store %arg9[%swap3A_32], %swap3A_35 {strides = array<i32>} : memref<128xf32, #tpu.memory_space<vmem>>, vector<16xf32>,
    %broadcast_in_dim3A_36 = arith.constant 1.000000e+00 : f32
    %broadcast_in_dim3A_37 = vector.broadcast %broadcast_in_dim3A_36 : f32 to vector<16xf32>
    %swap3A_38 = arith.constant 32 : index
    %swap3A_39 = tpu.vector_load %arg9[%swap3A_38] {strides = array<i32>} : memref<128xf32, #tpu.memory_space<vmem>>, vector<16xf32>,
    %swap3A_40 = vector.shape_cast %swap3A_39 : vector<16xf32> to vector<16xf32>
    %swap3A_41 = vector.shape_cast %broadcast_in_dim3A_37 : vector<16xf32> to vector<16xf32>
    tpu.vector_store %arg9[%swap3A_38], %swap3A_41 {strides = array<i32>} : memref<128xf32, #tpu.memory_space<vmem>>, vector<16xf32>,
    %broadcast_in_dim3A_42 = arith.constant 1.000000e+00 : f32
    %broadcast_in_dim3A_43 = vector.broadcast %broadcast_in_dim3A_42 : f32 to vector<16xf32>
    %swap3A_44 = arith.constant 48 : index
    %swap3A_45 = tpu.vector_load %arg9[%swap3A_44] {strides = array<i32>} : memref<128xf32, #tpu.memory_space<vmem>>, vector<16xf32>,
    %swap3A_46 = vector.shape_cast %swap3A_45 : vector<16xf32> to vector<16xf32>
    %swap3A_47 = vector.shape_cast %broadcast_in_dim3A_43 : vector<16xf32> to vector<16xf32>
    tpu.vector_store %arg9[%swap3A_44], %swap3A_47 {strides = array<i32>} : memref<128xf32, #tpu.memory_space<vmem>>, vector<16xf32>,
    %broadcast_in_dim3A_48 = arith.constant 1.000000e+00 : f32
    %broadcast_in_dim3A_49 = vector.broadcast %broadcast_in_dim3A_48 : f32 to vector<16xf32>
    %swap3A_50 = arith.constant 64 : index
    %swap3A_51 = tpu.vector_load %arg9[%swap3A_50] {strides = array<i32>} : memref<128xf32, #tpu.memory_space<vmem>>, vector<16xf32>,
    %swap3A_52 = vector.shape_cast %swap3A_51 : vector<16xf32> to vector<16xf32>
    %swap3A_53 = vector.shape_cast %broadcast_in_dim3A_49 : vector<16xf32> to vector<16xf32>
    tpu.vector_store %arg9[%swap3A_50], %swap3A_53 {strides = array<i32>} : memref<128xf32, #tpu.memory_space<vmem>>, vector<16xf32>,
    %broadcast_in_dim3A_54 = arith.constant 1.000000e+00 : f32
    %broadcast_in_dim3A_55 = vector.broadcast %broadcast_in_dim3A_54 : f32 to vector<16xf32>
    %swap3A_56 = arith.constant 80 : index
    %swap3A_57 = tpu.vector_load %arg9[%swap3A_56] {strides = array<i32>} : memref<128xf32, #tpu.memory_space<vmem>>, vector<16xf32>,
    %swap3A_58 = vector.shape_cast %swap3A_57 : vector<16xf32> to vector<16xf32>
    %swap3A_59 = vector.shape_cast %broadcast_in_dim3A_55 : vector<16xf32> to vector<16xf32>
    tpu.vector_store %arg9[%swap3A_56], %swap3A_59 {strides = array<i32>} : memref<128xf32, #tpu.memory_space<vmem>>, vector<16xf32>,
    %broadcast_in_dim3A_60 = arith.constant 1.000000e+00 : f32
    %broadcast_in_dim3A_61 = vector.broadcast %broadcast_in_dim3A_60 : f32 to vector<16xf32>
    %swap3A_62 = arith.constant 96 : index
    %swap3A_63 = tpu.vector_load %arg9[%swap3A_62] {strides = array<i32>} : memref<128xf32, #tpu.memory_space<vmem>>, vector<16xf32>,
    %swap3A_64 = vector.shape_cast %swap3A_63 : vector<16xf32> to vector<16xf32>
    %swap3A_65 = vector.shape_cast %broadcast_in_dim3A_61 : vector<16xf32> to vector<16xf32>
    tpu.vector_store %arg9[%swap3A_62], %swap3A_65 {strides = array<i32>} : memref<128xf32, #tpu.memory_space<vmem>>, vector<16xf32>,
    %broadcast_in_dim3A_66 = arith.constant 1.000000e+00 : f32
    %broadcast_in_dim3A_67 = vector.broadcast %broadcast_in_dim3A_66 : f32 to vector<16xf32>
    %swap3A_68 = arith.constant 112 : index
    %swap3A_69 = tpu.vector_load %arg9[%swap3A_68] {strides = array<i32>} : memref<128xf32, #tpu.memory_space<vmem>>, vector<16xf32>,
    %swap3A_70 = vector.shape_cast %swap3A_69 : vector<16xf32> to vector<16xf32>
    %swap3A_71 = vector.shape_cast %broadcast_in_dim3A_67 : vector<16xf32> to vector<16xf32>
    tpu.vector_store %arg9[%swap3A_68], %swap3A_71 {strides = array<i32>} : memref<128xf32, #tpu.memory_space<vmem>>, vector<16xf32>,
    %while3A = arith.constant 0 : i32
    %while3A_72 = arith.constant 0 : i32
    %while3A_73 = arith.subi %add3A_8, %while3A_72 : i32
    %while3A_74 = arith.addi %while3A_72, %while3A_73 : i32
    %while3A_75 = arith.constant 1 : i32
    %while3A_76 = arith.divsi %while3A_73, %while3A_75 : i32
    %while3A_77 = arith.muli %while3A_76, %while3A_75 : i32
    %while3A_78 = arith.addi %while3A_72, %while3A_77 : i32
    %while3A_79 = arith.constant 1 : i32
    scf.for %while3A_112 = %while3A_72 to %while3A_78 step %while3A_79  : i32 {
      %mul3A_113 = arith.constant 128 : i32
      %mul3A_114 = arith.muli %while3A_112, %mul3A_113 : i32
      %add3A_115 = arith.constant 0 : i32
      %add3A_116 = arith.addi %mul3A_114, %add3A_115 : i32
      %get3A = arith.index_cast %add3A_116 : i32 to index
      %get3A_117 = tpu.vector_load %arg6[%get3A] {strides = array<i32>} : memref<25088xi32, #tpu.memory_space<vmem>>, vector<16xi32>,
      %get3A_118 = vector.shape_cast %get3A_117 : vector<16xi32> to vector<16xi32>
      %get3A_119 = arith.index_cast %add3A_116 : i32 to index
      %get3A_120 = tpu.vector_load %arg7[%get3A_119] {strides = array<i32>} : memref<25088xi32, #tpu.memory_space<vmem>>, vector<16xi32>,
      %get3A_121 = vector.shape_cast %get3A_120 : vector<16xi32> to vector<16xi32>
      %eq3A_122 = arith.cmpi eq, %get3A_118, %get3A_121 : vector<16xi32>
      %jit3A_123 = arith.constant 50000 : i32
      %broadcast_in_dim3A_124 = vector.broadcast %jit3A_123 : i32 to vector<16xi32>
      %select_n3A_125 = arith.select %eq3A_122, %broadcast_in_dim3A_124, %get3A_118 : vector<16xi1>, vector<16xi32>
      %swap3A_126 = arith.index_cast %while3A_112 : i32 to index
      %swap3A_127 = arith.constant 0 : index
      %swap3A_128 = tpu.vector_load %arg8[%swap3A_126, %swap3A_127] {strides = array<i32>} : memref<196x128xi32, #tpu.memory_space<vmem>>, vector<1x16xi32>,
      %swap3A_129 = vector.shape_cast %swap3A_128 : vector<1x16xi32> to vector<16xi32>
      %swap3A_130 = vector.shape_cast %select_n3A_125 : vector<16xi32> to vector<1x16xi32>
      tpu.vector_store %arg8[%swap3A_126, %swap3A_127], %swap3A_130 {strides = array<i32>} : memref<196x128xi32, #tpu.memory_space<vmem>>, vector<1x16xi32>,
      %mul3A_131 = arith.constant 128 : i32
      %mul3A_132 = arith.muli %while3A_112, %mul3A_131 : i32
      %add3A_133 = arith.constant 16 : i32
      %add3A_134 = arith.addi %mul3A_132, %add3A_133 : i32
      %get3A_135 = arith.index_cast %add3A_134 : i32 to index
      %get3A_136 = tpu.vector_load %arg6[%get3A_135] {strides = array<i32>} : memref<25088xi32, #tpu.memory_space<vmem>>, vector<16xi32>,
      %get3A_137 = vector.shape_cast %get3A_136 : vector<16xi32> to vector<16xi32>
      %get3A_138 = arith.index_cast %add3A_134 : i32 to index
      %get3A_139 = tpu.vector_load %arg7[%get3A_138] {strides = array<i32>} : memref<25088xi32, #tpu.memory_space<vmem>>, vector<16xi32>,
      %get3A_140 = vector.shape_cast %get3A_139 : vector<16xi32> to vector<16xi32>
      %eq3A_141 = arith.cmpi eq, %get3A_137, %get3A_140 : vector<16xi32>
      %jit3A_142 = arith.constant 50000 : i32
      %broadcast_in_dim3A_143 = vector.broadcast %jit3A_142 : i32 to vector<16xi32>
      %select_n3A_144 = arith.select %eq3A_141, %broadcast_in_dim3A_143, %get3A_137 : vector<16xi1>, vector<16xi32>
      %swap3A_145 = arith.index_cast %while3A_112 : i32 to index
      %swap3A_146 = arith.constant 16 : index
      %swap3A_147 = tpu.vector_load %arg8[%swap3A_145, %swap3A_146] {strides = array<i32>} : memref<196x128xi32, #tpu.memory_space<vmem>>, vector<1x16xi32>,
      %swap3A_148 = vector.shape_cast %swap3A_147 : vector<1x16xi32> to vector<16xi32>
      %swap3A_149 = vector.shape_cast %select_n3A_144 : vector<16xi32> to vector<1x16xi32>
      tpu.vector_store %arg8[%swap3A_145, %swap3A_146], %swap3A_149 {strides = array<i32>} : memref<196x128xi32, #tpu.memory_space<vmem>>, vector<1x16xi32>,
      %mul3A_150 = arith.constant 128 : i32
      %mul3A_151 = arith.muli %while3A_112, %mul3A_150 : i32
      %add3A_152 = arith.constant 32 : i32
      %add3A_153 = arith.addi %mul3A_151, %add3A_152 : i32
      %get3A_154 = arith.index_cast %add3A_153 : i32 to index
      %get3A_155 = tpu.vector_load %arg6[%get3A_154] {strides = array<i32>} : memref<25088xi32, #tpu.memory_space<vmem>>, vector<16xi32>,
      %get3A_156 = vector.shape_cast %get3A_155 : vector<16xi32> to vector<16xi32>
      %get3A_157 = arith.index_cast %add3A_153 : i32 to index
      %get3A_158 = tpu.vector_load %arg7[%get3A_157] {strides = array<i32>} : memref<25088xi32, #tpu.memory_space<vmem>>, vector<16xi32>,
      %get3A_159 = vector.shape_cast %get3A_158 : vector<16xi32> to vector<16xi32>
      %eq3A_160 = arith.cmpi eq, %get3A_156, %get3A_159 : vector<16xi32>
      %jit3A_161 = arith.constant 50000 : i32
      %broadcast_in_dim3A_162 = vector.broadcast %jit3A_161 : i32 to vector<16xi32>
      %select_n3A_163 = arith.select %eq3A_160, %broadcast_in_dim3A_162, %get3A_156 : vector<16xi1>, vector<16xi32>
      %swap3A_164 = arith.index_cast %while3A_112 : i32 to index
      %swap3A_165 = arith.constant 32 : index
      %swap3A_166 = tpu.vector_load %arg8[%swap3A_164, %swap3A_165] {strides = array<i32>} : memref<196x128xi32, #tpu.memory_space<vmem>>, vector<1x16xi32>,
      %swap3A_167 = vector.shape_cast %swap3A_166 : vector<1x16xi32> to vector<16xi32>
      %swap3A_168 = vector.shape_cast %select_n3A_163 : vector<16xi32> to vector<1x16xi32>
      tpu.vector_store %arg8[%swap3A_164, %swap3A_165], %swap3A_168 {strides = array<i32>} : memref<196x128xi32, #tpu.memory_space<vmem>>, vector<1x16xi32>,
      %mul3A_169 = arith.constant 128 : i32
      %mul3A_170 = arith.muli %while3A_112, %mul3A_169 : i32
      %add3A_171 = arith.constant 48 : i32
      %add3A_172 = arith.addi %mul3A_170, %add3A_171 : i32
      %get3A_173 = arith.index_cast %add3A_172 : i32 to index
      %get3A_174 = tpu.vector_load %arg6[%get3A_173] {strides = array<i32>} : memref<25088xi32, #tpu.memory_space<vmem>>, vector<16xi32>,
      %get3A_175 = vector.shape_cast %get3A_174 : vector<16xi32> to vector<16xi32>
      %get3A_176 = arith.index_cast %add3A_172 : i32 to index
      %get3A_177 = tpu.vector_load %arg7[%get3A_176] {strides = array<i32>} : memref<25088xi32, #tpu.memory_space<vmem>>, vector<16xi32>,
      %get3A_178 = vector.shape_cast %get3A_177 : vector<16xi32> to vector<16xi32>
      %eq3A_179 = arith.cmpi eq, %get3A_175, %get3A_178 : vector<16xi32>
      %jit3A_180 = arith.constant 50000 : i32
      %broadcast_in_dim3A_181 = vector.broadcast %jit3A_180 : i32 to vector<16xi32>
      %select_n3A_182 = arith.select %eq3A_179, %broadcast_in_dim3A_181, %get3A_175 : vector<16xi1>, vector<16xi32>
      %swap3A_183 = arith.index_cast %while3A_112 : i32 to index
      %swap3A_184 = arith.constant 48 : index
      %swap3A_185 = tpu.vector_load %arg8[%swap3A_183, %swap3A_184] {strides = array<i32>} : memref<196x128xi32, #tpu.memory_space<vmem>>, vector<1x16xi32>,
      %swap3A_186 = vector.shape_cast %swap3A_185 : vector<1x16xi32> to vector<16xi32>
      %swap3A_187 = vector.shape_cast %select_n3A_182 : vector<16xi32> to vector<1x16xi32>
      tpu.vector_store %arg8[%swap3A_183, %swap3A_184], %swap3A_187 {strides = array<i32>} : memref<196x128xi32, #tpu.memory_space<vmem>>, vector<1x16xi32>,
      %mul3A_188 = arith.constant 128 : i32
      %mul3A_189 = arith.muli %while3A_112, %mul3A_188 : i32
      %add3A_190 = arith.constant 64 : i32
      %add3A_191 = arith.addi %mul3A_189, %add3A_190 : i32
      %get3A_192 = arith.index_cast %add3A_191 : i32 to index
      %get3A_193 = tpu.vector_load %arg6[%get3A_192] {strides = array<i32>} : memref<25088xi32, #tpu.memory_space<vmem>>, vector<16xi32>,
      %get3A_194 = vector.shape_cast %get3A_193 : vector<16xi32> to vector<16xi32>
      %get3A_195 = arith.index_cast %add3A_191 : i32 to index
      %get3A_196 = tpu.vector_load %arg7[%get3A_195] {strides = array<i32>} : memref<25088xi32, #tpu.memory_space<vmem>>, vector<16xi32>,
      %get3A_197 = vector.shape_cast %get3A_196 : vector<16xi32> to vector<16xi32>
      %eq3A_198 = arith.cmpi eq, %get3A_194, %get3A_197 : vector<16xi32>
      %jit3A_199 = arith.constant 50000 : i32
      %broadcast_in_dim3A_200 = vector.broadcast %jit3A_199 : i32 to vector<16xi32>
      %select_n3A_201 = arith.select %eq3A_198, %broadcast_in_dim3A_200, %get3A_194 : vector<16xi1>, vector<16xi32>
      %swap3A_202 = arith.index_cast %while3A_112 : i32 to index
      %swap3A_203 = arith.constant 64 : index
      %swap3A_204 = tpu.vector_load %arg8[%swap3A_202, %swap3A_203] {strides = array<i32>} : memref<196x128xi32, #tpu.memory_space<vmem>>, vector<1x16xi32>,
      %swap3A_205 = vector.shape_cast %swap3A_204 : vector<1x16xi32> to vector<16xi32>
      %swap3A_206 = vector.shape_cast %select_n3A_201 : vector<16xi32> to vector<1x16xi32>
      tpu.vector_store %arg8[%swap3A_202, %swap3A_203], %swap3A_206 {strides = array<i32>} : memref<196x128xi32, #tpu.memory_space<vmem>>, vector<1x16xi32>,
      %mul3A_207 = arith.constant 128 : i32
      %mul3A_208 = arith.muli %while3A_112, %mul3A_207 : i32
      %add3A_209 = arith.constant 80 : i32
      %add3A_210 = arith.addi %mul3A_208, %add3A_209 : i32
      %get3A_211 = arith.index_cast %add3A_210 : i32 to index
      %get3A_212 = tpu.vector_load %arg6[%get3A_211] {strides = array<i32>} : memref<25088xi32, #tpu.memory_space<vmem>>, vector<16xi32>,
      %get3A_213 = vector.shape_cast %get3A_212 : vector<16xi32> to vector<16xi32>
      %get3A_214 = arith.index_cast %add3A_210 : i32 to index
      %get3A_215 = tpu.vector_load %arg7[%get3A_214] {strides = array<i32>} : memref<25088xi32, #tpu.memory_space<vmem>>, vector<16xi32>,
      %get3A_216 = vector.shape_cast %get3A_215 : vector<16xi32> to vector<16xi32>
      %eq3A_217 = arith.cmpi eq, %get3A_213, %get3A_216 : vector<16xi32>
      %jit3A_218 = arith.constant 50000 : i32
      %broadcast_in_dim3A_219 = vector.broadcast %jit3A_218 : i32 to vector<16xi32>
      %select_n3A_220 = arith.select %eq3A_217, %broadcast_in_dim3A_219, %get3A_213 : vector<16xi1>, vector<16xi32>
      %swap3A_221 = arith.index_cast %while3A_112 : i32 to index
      %swap3A_222 = arith.constant 80 : index
      %swap3A_223 = tpu.vector_load %arg8[%swap3A_221, %swap3A_222] {strides = array<i32>} : memref<196x128xi32, #tpu.memory_space<vmem>>, vector<1x16xi32>,
      %swap3A_224 = vector.shape_cast %swap3A_223 : vector<1x16xi32> to vector<16xi32>
      %swap3A_225 = vector.shape_cast %select_n3A_220 : vector<16xi32> to vector<1x16xi32>
      tpu.vector_store %arg8[%swap3A_221, %swap3A_222], %swap3A_225 {strides = array<i32>} : memref<196x128xi32, #tpu.memory_space<vmem>>, vector<1x16xi32>,
      %mul3A_226 = arith.constant 128 : i32
      %mul3A_227 = arith.muli %while3A_112, %mul3A_226 : i32
      %add3A_228 = arith.constant 96 : i32
      %add3A_229 = arith.addi %mul3A_227, %add3A_228 : i32
      %get3A_230 = arith.index_cast %add3A_229 : i32 to index
      %get3A_231 = tpu.vector_load %arg6[%get3A_230] {strides = array<i32>} : memref<25088xi32, #tpu.memory_space<vmem>>, vector<16xi32>,
      %get3A_232 = vector.shape_cast %get3A_231 : vector<16xi32> to vector<16xi32>
      %get3A_233 = arith.index_cast %add3A_229 : i32 to index
      %get3A_234 = tpu.vector_load %arg7[%get3A_233] {strides = array<i32>} : memref<25088xi32, #tpu.memory_space<vmem>>, vector<16xi32>,
      %get3A_235 = vector.shape_cast %get3A_234 : vector<16xi32> to vector<16xi32>
      %eq3A_236 = arith.cmpi eq, %get3A_232, %get3A_235 : vector<16xi32>
      %jit3A_237 = arith.constant 50000 : i32
      %broadcast_in_dim3A_238 = vector.broadcast %jit3A_237 : i32 to vector<16xi32>
      %select_n3A_239 = arith.select %eq3A_236, %broadcast_in_dim3A_238, %get3A_232 : vector<16xi1>, vector<16xi32>
      %swap3A_240 = arith.index_cast %while3A_112 : i32 to index
      %swap3A_241 = arith.constant 96 : index
      %swap3A_242 = tpu.vector_load %arg8[%swap3A_240, %swap3A_241] {strides = array<i32>} : memref<196x128xi32, #tpu.memory_space<vmem>>, vector<1x16xi32>,
      %swap3A_243 = vector.shape_cast %swap3A_242 : vector<1x16xi32> to vector<16xi32>
      %swap3A_244 = vector.shape_cast %select_n3A_239 : vector<16xi32> to vector<1x16xi32>
      tpu.vector_store %arg8[%swap3A_240, %swap3A_241], %swap3A_244 {strides = array<i32>} : memref<196x128xi32, #tpu.memory_space<vmem>>, vector<1x16xi32>,
      %mul3A_245 = arith.constant 128 : i32
      %mul3A_246 = arith.muli %while3A_112, %mul3A_245 : i32
      %add3A_247 = arith.constant 112 : i32
      %add3A_248 = arith.addi %mul3A_246, %add3A_247 : i32
      %get3A_249 = arith.index_cast %add3A_248 : i32 to index
      %get3A_250 = tpu.vector_load %arg6[%get3A_249] {strides = array<i32>} : memref<25088xi32, #tpu.memory_space<vmem>>, vector<16xi32>,
      %get3A_251 = vector.shape_cast %get3A_250 : vector<16xi32> to vector<16xi32>
      %get3A_252 = arith.index_cast %add3A_248 : i32 to index
      %get3A_253 = tpu.vector_load %arg7[%get3A_252] {strides = array<i32>} : memref<25088xi32, #tpu.memory_space<vmem>>, vector<16xi32>,
      %get3A_254 = vector.shape_cast %get3A_253 : vector<16xi32> to vector<16xi32>
      %eq3A_255 = arith.cmpi eq, %get3A_251, %get3A_254 : vector<16xi32>
      %jit3A_256 = arith.constant 50000 : i32
      %broadcast_in_dim3A_257 = vector.broadcast %jit3A_256 : i32 to vector<16xi32>
      %select_n3A_258 = arith.select %eq3A_255, %broadcast_in_dim3A_257, %get3A_251 : vector<16xi1>, vector<16xi32>
      %swap3A_259 = arith.index_cast %while3A_112 : i32 to index
      %swap3A_260 = arith.constant 112 : index
      %swap3A_261 = tpu.vector_load %arg8[%swap3A_259, %swap3A_260] {strides = array<i32>} : memref<196x128xi32, #tpu.memory_space<vmem>>, vector<1x16xi32>,
      %swap3A_262 = vector.shape_cast %swap3A_261 : vector<1x16xi32> to vector<16xi32>
      %swap3A_263 = vector.shape_cast %select_n3A_258 : vector<16xi32> to vector<1x16xi32>
      tpu.vector_store %arg8[%swap3A_259, %swap3A_260], %swap3A_263 {strides = array<i32>} : memref<196x128xi32, #tpu.memory_space<vmem>>, vector<1x16xi32>,
    }
    %while3A_80 = arith.constant 1 : i32
    scf.for %while3A_112 = %while3A_78 to %while3A_74 step %while3A_80  : i32 {
      %mul3A_113 = arith.constant 128 : i32
      %mul3A_114 = arith.muli %while3A_112, %mul3A_113 : i32
      %add3A_115 = arith.constant 0 : i32
      %add3A_116 = arith.addi %mul3A_114, %add3A_115 : i32
      %get3A = arith.index_cast %add3A_116 : i32 to index
      %get3A_117 = tpu.vector_load %arg6[%get3A] {strides = array<i32>} : memref<25088xi32, #tpu.memory_space<vmem>>, vector<16xi32>,
      %get3A_118 = vector.shape_cast %get3A_117 : vector<16xi32> to vector<16xi32>
      %get3A_119 = arith.index_cast %add3A_116 : i32 to index
      %get3A_120 = tpu.vector_load %arg7[%get3A_119] {strides = array<i32>} : memref<25088xi32, #tpu.memory_space<vmem>>, vector<16xi32>,
      %get3A_121 = vector.shape_cast %get3A_120 : vector<16xi32> to vector<16xi32>
      %eq3A_122 = arith.cmpi eq, %get3A_118, %get3A_121 : vector<16xi32>
      %jit3A_123 = arith.constant 50000 : i32
      %broadcast_in_dim3A_124 = vector.broadcast %jit3A_123 : i32 to vector<16xi32>
      %select_n3A_125 = arith.select %eq3A_122, %broadcast_in_dim3A_124, %get3A_118 : vector<16xi1>, vector<16xi32>
      %swap3A_126 = arith.index_cast %while3A_112 : i32 to index
      %swap3A_127 = arith.constant 0 : index
      %swap3A_128 = tpu.vector_load %arg8[%swap3A_126, %swap3A_127] {strides = array<i32>} : memref<196x128xi32, #tpu.memory_space<vmem>>, vector<1x16xi32>,
      %swap3A_129 = vector.shape_cast %swap3A_128 : vector<1x16xi32> to vector<16xi32>
      %swap3A_130 = vector.shape_cast %select_n3A_125 : vector<16xi32> to vector<1x16xi32>
      tpu.vector_store %arg8[%swap3A_126, %swap3A_127], %swap3A_130 {strides = array<i32>} : memref<196x128xi32, #tpu.memory_space<vmem>>, vector<1x16xi32>,
      %mul3A_131 = arith.constant 128 : i32
      %mul3A_132 = arith.muli %while3A_112, %mul3A_131 : i32
      %add3A_133 = arith.constant 16 : i32
      %add3A_134 = arith.addi %mul3A_132, %add3A_133 : i32
      %get3A_135 = arith.index_cast %add3A_134 : i32 to index
      %get3A_136 = tpu.vector_load %arg6[%get3A_135] {strides = array<i32>} : memref<25088xi32, #tpu.memory_space<vmem>>, vector<16xi32>,
      %get3A_137 = vector.shape_cast %get3A_136 : vector<16xi32> to vector<16xi32>
      %get3A_138 = arith.index_cast %add3A_134 : i32 to index
      %get3A_139 = tpu.vector_load %arg7[%get3A_138] {strides = array<i32>} : memref<25088xi32, #tpu.memory_space<vmem>>, vector<16xi32>,
      %get3A_140 = vector.shape_cast %get3A_139 : vector<16xi32> to vector<16xi32>
      %eq3A_141 = arith.cmpi eq, %get3A_137, %get3A_140 : vector<16xi32>
      %jit3A_142 = arith.constant 50000 : i32
      %broadcast_in_dim3A_143 = vector.broadcast %jit3A_142 : i32 to vector<16xi32>
      %select_n3A_144 = arith.select %eq3A_141, %broadcast_in_dim3A_143, %get3A_137 : vector<16xi1>, vector<16xi32>
      %swap3A_145 = arith.index_cast %while3A_112 : i32 to index
      %swap3A_146 = arith.constant 16 : index
      %swap3A_147 = tpu.vector_load %arg8[%swap3A_145, %swap3A_146] {strides = array<i32>} : memref<196x128xi32, #tpu.memory_space<vmem>>, vector<1x16xi32>,
      %swap3A_148 = vector.shape_cast %swap3A_147 : vector<1x16xi32> to vector<16xi32>
      %swap3A_149 = vector.shape_cast %select_n3A_144 : vector<16xi32> to vector<1x16xi32>
      tpu.vector_store %arg8[%swap3A_145, %swap3A_146], %swap3A_149 {strides = array<i32>} : memref<196x128xi32, #tpu.memory_space<vmem>>, vector<1x16xi32>,
      %mul3A_150 = arith.constant 128 : i32
      %mul3A_151 = arith.muli %while3A_112, %mul3A_150 : i32
      %add3A_152 = arith.constant 32 : i32
      %add3A_153 = arith.addi %mul3A_151, %add3A_152 : i32
      %get3A_154 = arith.index_cast %add3A_153 : i32 to index
      %get3A_155 = tpu.vector_load %arg6[%get3A_154] {strides = array<i32>} : memref<25088xi32, #tpu.memory_space<vmem>>, vector<16xi32>,
      %get3A_156 = vector.shape_cast %get3A_155 : vector<16xi32> to vector<16xi32>
      %get3A_157 = arith.index_cast %add3A_153 : i32 to index
      %get3A_158 = tpu.vector_load %arg7[%get3A_157] {strides = array<i32>} : memref<25088xi32, #tpu.memory_space<vmem>>, vector<16xi32>,
      %get3A_159 = vector.shape_cast %get3A_158 : vector<16xi32> to vector<16xi32>
      %eq3A_160 = arith.cmpi eq, %get3A_156, %get3A_159 : vector<16xi32>
      %jit3A_161 = arith.constant 50000 : i32
      %broadcast_in_dim3A_162 = vector.broadcast %jit3A_161 : i32 to vector<16xi32>
      %select_n3A_163 = arith.select %eq3A_160, %broadcast_in_dim3A_162, %get3A_156 : vector<16xi1>, vector<16xi32>
      %swap3A_164 = arith.index_cast %while3A_112 : i32 to index
      %swap3A_165 = arith.constant 32 : index
      %swap3A_166 = tpu.vector_load %arg8[%swap3A_164, %swap3A_165] {strides = array<i32>} : memref<196x128xi32, #tpu.memory_space<vmem>>, vector<1x16xi32>,
      %swap3A_167 = vector.shape_cast %swap3A_166 : vector<1x16xi32> to vector<16xi32>
      %swap3A_168 = vector.shape_cast %select_n3A_163 : vector<16xi32> to vector<1x16xi32>
      tpu.vector_store %arg8[%swap3A_164, %swap3A_165], %swap3A_168 {strides = array<i32>} : memref<196x128xi32, #tpu.memory_space<vmem>>, vector<1x16xi32>,
      %mul3A_169 = arith.constant 128 : i32
      %mul3A_170 = arith.muli %while3A_112, %mul3A_169 : i32
      %add3A_171 = arith.constant 48 : i32
      %add3A_172 = arith.addi %mul3A_170, %add3A_171 : i32
      %get3A_173 = arith.index_cast %add3A_172 : i32 to index
      %get3A_174 = tpu.vector_load %arg6[%get3A_173] {strides = array<i32>} : memref<25088xi32, #tpu.memory_space<vmem>>, vector<16xi32>,
      %get3A_175 = vector.shape_cast %get3A_174 : vector<16xi32> to vector<16xi32>
      %get3A_176 = arith.index_cast %add3A_172 : i32 to index
      %get3A_177 = tpu.vector_load %arg7[%get3A_176] {strides = array<i32>} : memref<25088xi32, #tpu.memory_space<vmem>>, vector<16xi32>,
      %get3A_178 = vector.shape_cast %get3A_177 : vector<16xi32> to vector<16xi32>
      %eq3A_179 = arith.cmpi eq, %get3A_175, %get3A_178 : vector<16xi32>
      %jit3A_180 = arith.constant 50000 : i32
      %broadcast_in_dim3A_181 = vector.broadcast %jit3A_180 : i32 to vector<16xi32>
      %select_n3A_182 = arith.select %eq3A_179, %broadcast_in_dim3A_181, %get3A_175 : vector<16xi1>, vector<16xi32>
      %swap3A_183 = arith.index_cast %while3A_112 : i32 to index
      %swap3A_184 = arith.constant 48 : index
      %swap3A_185 = tpu.vector_load %arg8[%swap3A_183, %swap3A_184] {strides = array<i32>} : memref<196x128xi32, #tpu.memory_space<vmem>>, vector<1x16xi32>,
      %swap3A_186 = vector.shape_cast %swap3A_185 : vector<1x16xi32> to vector<16xi32>
      %swap3A_187 = vector.shape_cast %select_n3A_182 : vector<16xi32> to vector<1x16xi32>
      tpu.vector_store %arg8[%swap3A_183, %swap3A_184], %swap3A_187 {strides = array<i32>} : memref<196x128xi32, #tpu.memory_space<vmem>>, vector<1x16xi32>,
      %mul3A_188 = arith.constant 128 : i32
      %mul3A_189 = arith.muli %while3A_112, %mul3A_188 : i32
      %add3A_190 = arith.constant 64 : i32
      %add3A_191 = arith.addi %mul3A_189, %add3A_190 : i32
      %get3A_192 = arith.index_cast %add3A_191 : i32 to index
      %get3A_193 = tpu.vector_load %arg6[%get3A_192] {strides = array<i32>} : memref<25088xi32, #tpu.memory_space<vmem>>, vector<16xi32>,
      %get3A_194 = vector.shape_cast %get3A_193 : vector<16xi32> to vector<16xi32>
      %get3A_195 = arith.index_cast %add3A_191 : i32 to index
      %get3A_196 = tpu.vector_load %arg7[%get3A_195] {strides = array<i32>} : memref<25088xi32, #tpu.memory_space<vmem>>, vector<16xi32>,
      %get3A_197 = vector.shape_cast %get3A_196 : vector<16xi32> to vector<16xi32>
      %eq3A_198 = arith.cmpi eq, %get3A_194, %get3A_197 : vector<16xi32>
      %jit3A_199 = arith.constant 50000 : i32
      %broadcast_in_dim3A_200 = vector.broadcast %jit3A_199 : i32 to vector<16xi32>
      %select_n3A_201 = arith.select %eq3A_198, %broadcast_in_dim3A_200, %get3A_194 : vector<16xi1>, vector<16xi32>
      %swap3A_202 = arith.index_cast %while3A_112 : i32 to index
      %swap3A_203 = arith.constant 64 : index
      %swap3A_204 = tpu.vector_load %arg8[%swap3A_202, %swap3A_203] {strides = array<i32>} : memref<196x128xi32, #tpu.memory_space<vmem>>, vector<1x16xi32>,
      %swap3A_205 = vector.shape_cast %swap3A_204 : vector<1x16xi32> to vector<16xi32>
      %swap3A_206 = vector.shape_cast %select_n3A_201 : vector<16xi32> to vector<1x16xi32>
      tpu.vector_store %arg8[%swap3A_202, %swap3A_203], %swap3A_206 {strides = array<i32>} : memref<196x128xi32, #tpu.memory_space<vmem>>, vector<1x16xi32>,
      %mul3A_207 = arith.constant 128 : i32
      %mul3A_208 = arith.muli %while3A_112, %mul3A_207 : i32
      %add3A_209 = arith.constant 80 : i32
      %add3A_210 = arith.addi %mul3A_208, %add3A_209 : i32
      %get3A_211 = arith.index_cast %add3A_210 : i32 to index
      %get3A_212 = tpu.vector_load %arg6[%get3A_211] {strides = array<i32>} : memref<25088xi32, #tpu.memory_space<vmem>>, vector<16xi32>,
      %get3A_213 = vector.shape_cast %get3A_212 : vector<16xi32> to vector<16xi32>
      %get3A_214 = arith.index_cast %add3A_210 : i32 to index
      %get3A_215 = tpu.vector_load %arg7[%get3A_214] {strides = array<i32>} : memref<25088xi32, #tpu.memory_space<vmem>>, vector<16xi32>,
      %get3A_216 = vector.shape_cast %get3A_215 : vector<16xi32> to vector<16xi32>
      %eq3A_217 = arith.cmpi eq, %get3A_213, %get3A_216 : vector<16xi32>
      %jit3A_218 = arith.constant 50000 : i32
      %broadcast_in_dim3A_219 = vector.broadcast %jit3A_218 : i32 to vector<16xi32>
      %select_n3A_220 = arith.select %eq3A_217, %broadcast_in_dim3A_219, %get3A_213 : vector<16xi1>, vector<16xi32>
      %swap3A_221 = arith.index_cast %while3A_112 : i32 to index
      %swap3A_222 = arith.constant 80 : index
      %swap3A_223 = tpu.vector_load %arg8[%swap3A_221, %swap3A_222] {strides = array<i32>} : memref<196x128xi32, #tpu.memory_space<vmem>>, vector<1x16xi32>,
      %swap3A_224 = vector.shape_cast %swap3A_223 : vector<1x16xi32> to vector<16xi32>
      %swap3A_225 = vector.shape_cast %select_n3A_220 : vector<16xi32> to vector<1x16xi32>
      tpu.vector_store %arg8[%swap3A_221, %swap3A_222], %swap3A_225 {strides = array<i32>} : memref<196x128xi32, #tpu.memory_space<vmem>>, vector<1x16xi32>,
      %mul3A_226 = arith.constant 128 : i32
      %mul3A_227 = arith.muli %while3A_112, %mul3A_226 : i32
      %add3A_228 = arith.constant 96 : i32
      %add3A_229 = arith.addi %mul3A_227, %add3A_228 : i32
      %get3A_230 = arith.index_cast %add3A_229 : i32 to index
      %get3A_231 = tpu.vector_load %arg6[%get3A_230] {strides = array<i32>} : memref<25088xi32, #tpu.memory_space<vmem>>, vector<16xi32>,
      %get3A_232 = vector.shape_cast %get3A_231 : vector<16xi32> to vector<16xi32>
      %get3A_233 = arith.index_cast %add3A_229 : i32 to index
      %get3A_234 = tpu.vector_load %arg7[%get3A_233] {strides = array<i32>} : memref<25088xi32, #tpu.memory_space<vmem>>, vector<16xi32>,
      %get3A_235 = vector.shape_cast %get3A_234 : vector<16xi32> to vector<16xi32>
      %eq3A_236 = arith.cmpi eq, %get3A_232, %get3A_235 : vector<16xi32>
      %jit3A_237 = arith.constant 50000 : i32
      %broadcast_in_dim3A_238 = vector.broadcast %jit3A_237 : i32 to vector<16xi32>
      %select_n3A_239 = arith.select %eq3A_236, %broadcast_in_dim3A_238, %get3A_232 : vector<16xi1>, vector<16xi32>
      %swap3A_240 = arith.index_cast %while3A_112 : i32 to index
      %swap3A_241 = arith.constant 96 : index
      %swap3A_242 = tpu.vector_load %arg8[%swap3A_240, %swap3A_241] {strides = array<i32>} : memref<196x128xi32, #tpu.memory_space<vmem>>, vector<1x16xi32>,
      %swap3A_243 = vector.shape_cast %swap3A_242 : vector<1x16xi32> to vector<16xi32>
      %swap3A_244 = vector.shape_cast %select_n3A_239 : vector<16xi32> to vector<1x16xi32>
      tpu.vector_store %arg8[%swap3A_240, %swap3A_241], %swap3A_244 {strides = array<i32>} : memref<196x128xi32, #tpu.memory_space<vmem>>, vector<1x16xi32>,
      %mul3A_245 = arith.constant 128 : i32
      %mul3A_246 = arith.muli %while3A_112, %mul3A_245 : i32
      %add3A_247 = arith.constant 112 : i32
      %add3A_248 = arith.addi %mul3A_246, %add3A_247 : i32
      %get3A_249 = arith.index_cast %add3A_248 : i32 to index
      %get3A_250 = tpu.vector_load %arg6[%get3A_249] {strides = array<i32>} : memref<25088xi32, #tpu.memory_space<vmem>>, vector<16xi32>,
      %get3A_251 = vector.shape_cast %get3A_250 : vector<16xi32> to vector<16xi32>
      %get3A_252 = arith.index_cast %add3A_248 : i32 to index
      %get3A_253 = tpu.vector_load %arg7[%get3A_252] {strides = array<i32>} : memref<25088xi32, #tpu.memory_space<vmem>>, vector<16xi32>,
      %get3A_254 = vector.shape_cast %get3A_253 : vector<16xi32> to vector<16xi32>
      %eq3A_255 = arith.cmpi eq, %get3A_251, %get3A_254 : vector<16xi32>
      %jit3A_256 = arith.constant 50000 : i32
      %broadcast_in_dim3A_257 = vector.broadcast %jit3A_256 : i32 to vector<16xi32>
      %select_n3A_258 = arith.select %eq3A_255, %broadcast_in_dim3A_257, %get3A_251 : vector<16xi1>, vector<16xi32>
      %swap3A_259 = arith.index_cast %while3A_112 : i32 to index
      %swap3A_260 = arith.constant 112 : index
      %swap3A_261 = tpu.vector_load %arg8[%swap3A_259, %swap3A_260] {strides = array<i32>} : memref<196x128xi32, #tpu.memory_space<vmem>>, vector<1x16xi32>,
      %swap3A_262 = vector.shape_cast %swap3A_261 : vector<1x16xi32> to vector<16xi32>
      %swap3A_263 = vector.shape_cast %select_n3A_258 : vector<16xi32> to vector<1x16xi32>
      tpu.vector_store %arg8[%swap3A_259, %swap3A_260], %swap3A_263 {strides = array<i32>} : memref<196x128xi32, #tpu.memory_space<vmem>>, vector<1x16xi32>,
    }
    %barrier3A = arith.constant 0 : index
    tpu.barrier barrier_id(%barrier3A)
    %while3A_81 = arith.constant 0 : i32
    %while3A_82 = arith.constant 0 : i32
    %while3A_83 = arith.subi %add3A_8, %while3A_82 : i32
    %while3A_84 = arith.addi %while3A_82, %while3A_83 : i32
    %while3A_85 = arith.constant 1 : i32
    %while3A_86 = arith.divsi %while3A_83, %while3A_85 : i32
    %while3A_87 = arith.muli %while3A_86, %while3A_85 : i32
    %while3A_88 = arith.addi %while3A_82, %while3A_87 : i32
    %while3A_89 = arith.constant 1 : i32
    scf.for %while3A_112 = %while3A_82 to %while3A_88 step %while3A_89  : i32 {
      %ge3A = arith.constant 8 : i32
      %ge3A_113 = arith.cmpi sge, %while3A_112, %ge3A : i32
      %convert_element_type3A_114 = arith.extui %ge3A_113 : i1 to i32
      %cond3A_115 = arith.constant 0 : i32
      %cond3A_116 = arith.cmpi ne, %convert_element_type3A_114, %cond3A_115 : i32
      scf.if %cond3A_116 {
        %sub3A = arith.constant 8 : i32
        %sub3A_121 = arith.subi %while3A_112, %sub3A : i32
        %dma_wait3A = arith.constant 0 : i32
        %dma_wait3A_122 = tpu.memref_slice %arg8[%sub3A_121, %dma_wait3A] : memref<196x128xi32, #tpu.memory_space<vmem>> -> memref<1x128xi32, #tpu.memory_space<vmem>>
        %dma_wait3A_123 = tpu.memref_squeeze %dma_wait3A_122 : memref<1x128xi32, #tpu.memory_space<vmem>> -> memref<128xi32, #tpu.memory_space<vmem>>
        %dma_wait3A_124 = arith.constant 0 : i32
        %dma_wait3A_125 = tpu.memref_slice %arg11[%dma_wait3A_124] : memref<50176xf32, #tpu.memory_space<vmem_shared>> -> memref<50176xf32, #tpu.memory_space<vmem_shared>>
        tpu.wait_indirect_dma semaphore(%arg12 : memref<!tpu.dma_semaphore, #tpu.memory_space<semaphore_mem>>) src(%arg9 : memref<128xf32, #tpu.memory_space<vmem>>) dst(%dma_wait3A_125 : memref<50176xf32, #tpu.memory_space<vmem_shared>>)
      } else {
      }
      %dma_start3A = arith.constant 0 : i32
      %dma_start3A_117 = tpu.memref_slice %arg8[%while3A_112, %dma_start3A] : memref<196x128xi32, #tpu.memory_space<vmem>> -> memref<1x128xi32, #tpu.memory_space<vmem>>
      %dma_start3A_118 = tpu.memref_squeeze %dma_start3A_117 : memref<1x128xi32, #tpu.memory_space<vmem>> -> memref<128xi32, #tpu.memory_space<vmem>>
      %dma_start3A_119 = arith.constant 0 : i32
      %dma_start3A_120 = tpu.memref_slice %arg11[%dma_start3A_119] : memref<50176xf32, #tpu.memory_space<vmem_shared>> -> memref<50176xf32, #tpu.memory_space<vmem_shared>>
      tpu.enqueue_indirect_dma source(%arg9 : memref<128xf32, #tpu.memory_space<vmem>>) target(%dma_start3A_120 : memref<50176xf32, #tpu.memory_space<vmem_shared>>) offsets(%dma_start3A_118 : memref<128xi32, #tpu.memory_space<vmem>>) semaphore(%arg12 : memref<!tpu.dma_semaphore, #tpu.memory_space<semaphore_mem>>) {add = true}
    }
    %while3A_90 = arith.constant 1 : i32
    scf.for %while3A_112 = %while3A_88 to %while3A_84 step %while3A_90  : i32 {
      %ge3A = arith.constant 8 : i32
      %ge3A_113 = arith.cmpi sge, %while3A_112, %ge3A : i32
      %convert_element_type3A_114 = arith.extui %ge3A_113 : i1 to i32
      %cond3A_115 = arith.constant 0 : i32
      %cond3A_116 = arith.cmpi ne, %convert_element_type3A_114, %cond3A_115 : i32
      scf.if %cond3A_116 {
        %sub3A = arith.constant 8 : i32
        %sub3A_121 = arith.subi %while3A_112, %sub3A : i32
        %dma_wait3A = arith.constant 0 : i32
        %dma_wait3A_122 = tpu.memref_slice %arg8[%sub3A_121, %dma_wait3A] : memref<196x128xi32, #tpu.memory_space<vmem>> -> memref<1x128xi32, #tpu.memory_space<vmem>>
        %dma_wait3A_123 = tpu.memref_squeeze %dma_wait3A_122 : memref<1x128xi32, #tpu.memory_space<vmem>> -> memref<128xi32, #tpu.memory_space<vmem>>
        %dma_wait3A_124 = arith.constant 0 : i32
        %dma_wait3A_125 = tpu.memref_slice %arg11[%dma_wait3A_124] : memref<50176xf32, #tpu.memory_space<vmem_shared>> -> memref<50176xf32, #tpu.memory_space<vmem_shared>>
        tpu.wait_indirect_dma semaphore(%arg12 : memref<!tpu.dma_semaphore, #tpu.memory_space<semaphore_mem>>) src(%arg9 : memref<128xf32, #tpu.memory_space<vmem>>) dst(%dma_wait3A_125 : memref<50176xf32, #tpu.memory_space<vmem_shared>>)
      } else {
      }
      %dma_start3A = arith.constant 0 : i32
      %dma_start3A_117 = tpu.memref_slice %arg8[%while3A_112, %dma_start3A] : memref<196x128xi32, #tpu.memory_space<vmem>> -> memref<1x128xi32, #tpu.memory_space<vmem>>
      %dma_start3A_118 = tpu.memref_squeeze %dma_start3A_117 : memref<1x128xi32, #tpu.memory_space<vmem>> -> memref<128xi32, #tpu.memory_space<vmem>>
      %dma_start3A_119 = arith.constant 0 : i32
      %dma_start3A_120 = tpu.memref_slice %arg11[%dma_start3A_119] : memref<50176xf32, #tpu.memory_space<vmem_shared>> -> memref<50176xf32, #tpu.memory_space<vmem_shared>>
      tpu.enqueue_indirect_dma source(%arg9 : memref<128xf32, #tpu.memory_space<vmem>>) target(%dma_start3A_120 : memref<50176xf32, #tpu.memory_space<vmem_shared>>) offsets(%dma_start3A_118 : memref<128xi32, #tpu.memory_space<vmem>>) semaphore(%arg12 : memref<!tpu.dma_semaphore, #tpu.memory_space<semaphore_mem>>) {add = true}
    }
    %scan3A_91 = arith.constant 0 : i32
    %scan3A_92 = arith.constant 0 : i32
    %scan3A_93 = arith.constant 8 : i32
    %scan3A_94 = arith.addi %scan3A_92, %scan3A_93 : i32
    %scan3A_95 = arith.constant 1 : i32
    scf.for %scan3A_112 = %scan3A_92 to %scan3A_94 step %scan3A_95  : i32 {
      %sub3A = arith.constant 8 : i32
      %sub3A_113 = arith.subi %add3A_8, %sub3A : i32
      %add3A_114 = arith.addi %sub3A_113, %scan3A_112 : i32
      %dma_wait3A = arith.constant 0 : i32
      %dma_wait3A_115 = tpu.memref_slice %arg8[%add3A_114, %dma_wait3A] : memref<196x128xi32, #tpu.memory_space<vmem>> -> memref<1x128xi32, #tpu.memory_space<vmem>>
      %dma_wait3A_116 = tpu.memref_squeeze %dma_wait3A_115 : memref<1x128xi32, #tpu.memory_space<vmem>> -> memref<128xi32, #tpu.memory_space<vmem>>
      %dma_wait3A_117 = arith.constant 0 : i32
      %dma_wait3A_118 = tpu.memref_slice %arg11[%dma_wait3A_117] : memref<50176xf32, #tpu.memory_space<vmem_shared>> -> memref<50176xf32, #tpu.memory_space<vmem_shared>>
      tpu.wait_indirect_dma semaphore(%arg12 : memref<!tpu.dma_semaphore, #tpu.memory_space<semaphore_mem>>) src(%arg9 : memref<128xf32, #tpu.memory_space<vmem>>) dst(%dma_wait3A_118 : memref<50176xf32, #tpu.memory_space<vmem_shared>>)
    }
    %scan3A_96 = arith.constant 8 : i32
    "tpu.region"() ({
      %run_scoped3A_112 = tpu.sem_alloc : memref<!tpu.dma_semaphore, #tpu.memory_space<semaphore_mem>>
      %dma_start3A = arith.constant 0 : i32
      %dma_start3A_113 = arith.constant 0 : i32
      %dma_start3A_114 = tpu.memref_slice %arg8[%dma_start3A, %dma_start3A_113] : memref<196x128xi32, #tpu.memory_space<vmem>> -> memref<195x128xi32, #tpu.memory_space<vmem>>
      %dma_start3A_115 = arith.constant 0 : i32
      %dma_start3A_116 = tpu.memref_slice %arg5[%add3A_4, %dma_start3A_115] : memref<6250x128xi32, #tpu.memory_space<hbm>> -> memref<195x128xi32, #tpu.memory_space<hbm>>
      %dma_start3A_117 = arith.constant 0 : i32
      %dma_start3A_118 = tpu.memref_slice %arg5[%add3A_4, %dma_start3A_117] : memref<6250x128xi32, #tpu.memory_space<hbm>> -> memref<195x128xi32, #tpu.memory_space<hbm>>
      %dma_start3A_119 = arith.constant 0 : i32
      %dma_start3A_120 = arith.constant 0 : i32
      %dma_start3A_121 = tpu.memref_slice %arg8[%dma_start3A_119, %dma_start3A_120] : memref<196x128xi32, #tpu.memory_space<vmem>> -> memref<195x128xi32, #tpu.memory_space<vmem>>
      tpu.enqueue_dma source(%dma_start3A_121 : memref<195x128xi32, #tpu.memory_space<vmem>>) target(%dma_start3A_118 : memref<195x128xi32, #tpu.memory_space<hbm>>) target_semaphore(%run_scoped3A_112 : memref<!tpu.dma_semaphore, #tpu.memory_space<semaphore_mem>>)
      %dma_wait3A = arith.constant 0 : i32
      %dma_wait3A_122 = arith.constant 0 : i32
      %dma_wait3A_123 = tpu.memref_slice %arg8[%dma_wait3A, %dma_wait3A_122] : memref<196x128xi32, #tpu.memory_space<vmem>> -> memref<195x128xi32, #tpu.memory_space<vmem>>
      %dma_wait3A_124 = arith.constant 0 : i32
      %dma_wait3A_125 = tpu.memref_slice %arg5[%add3A_4, %dma_wait3A_124] : memref<6250x128xi32, #tpu.memory_space<hbm>> -> memref<195x128xi32, #tpu.memory_space<hbm>>
      %dma_wait3A_126 = arith.constant 0 : i32
      %dma_wait3A_127 = tpu.memref_slice %arg5[%add3A_4, %dma_wait3A_126] : memref<6250x128xi32, #tpu.memory_space<hbm>> -> memref<195x128xi32, #tpu.memory_space<hbm>>
      %dma_wait3A_128 = arith.constant 0 : i32
      %dma_wait3A_129 = arith.constant 0 : i32
      %dma_wait3A_130 = tpu.memref_slice %arg8[%dma_wait3A_128, %dma_wait3A_129] : memref<196x128xi32, #tpu.memory_space<vmem>> -> memref<195x128xi32, #tpu.memory_space<vmem>>
      tpu.wait_dma2 semaphore(%run_scoped3A_112 : memref<!tpu.dma_semaphore, #tpu.memory_space<semaphore_mem>>) src(%dma_wait3A_130 : memref<195x128xi32, #tpu.memory_space<vmem>>) dst(%dma_wait3A_127 : memref<195x128xi32, #tpu.memory_space<hbm>>)
      tpu.yield
    }) : () -> ()
    %lt3A_97 = arith.constant 10 : i32
    %lt3A_98 = arith.cmpi slt, %add3A, %lt3A_97 : i32
    %convert_element_type3A_99 = arith.extui %lt3A_98 : i1 to i32
    %cond3A_100 = arith.constant 0 : i32
    %cond3A_101 = arith.cmpi ne, %convert_element_type3A_99, %cond3A_100 : i32
    scf.if %cond3A_101 {
      %add3A_112 = arith.constant 195 : i32
      %add3A_113 = arith.addi %add3A_4, %add3A_112 : i32
      "tpu.region"() ({
        %run_scoped3A_114 = tpu.sem_alloc : memref<!tpu.dma_semaphore, #tpu.memory_space<semaphore_mem>>
        %dma_start3A = arith.constant 195 : i32
        %dma_start3A_115 = arith.constant 0 : i32
        %dma_start3A_116 = tpu.memref_slice %arg8[%dma_start3A, %dma_start3A_115] : memref<196x128xi32, #tpu.memory_space<vmem>> -> memref<1x128xi32, #tpu.memory_space<vmem>>
        %dma_start3A_117 = arith.constant 0 : i32
        %dma_start3A_118 = tpu.memref_slice %arg5[%add3A_113, %dma_start3A_117] : memref<6250x128xi32, #tpu.memory_space<hbm>> -> memref<1x128xi32, #tpu.memory_space<hbm>>
        %dma_start3A_119 = arith.constant 0 : i32
        %dma_start3A_120 = tpu.memref_slice %arg5[%add3A_113, %dma_start3A_119] : memref<6250x128xi32, #tpu.memory_space<hbm>> -> memref<1x128xi32, #tpu.memory_space<hbm>>
        %dma_start3A_121 = arith.constant 195 : i32
        %dma_start3A_122 = arith.constant 0 : i32
        %dma_start3A_123 = tpu.memref_slice %arg8[%dma_start3A_121, %dma_start3A_122] : memref<196x128xi32, #tpu.memory_space<vmem>> -> memref<1x128xi32, #tpu.memory_space<vmem>>
        tpu.enqueue_dma source(%dma_start3A_123 : memref<1x128xi32, #tpu.memory_space<vmem>>) target(%dma_start3A_120 : memref<1x128xi32, #tpu.memory_space<hbm>>) target_semaphore(%run_scoped3A_114 : memref<!tpu.dma_semaphore, #tpu.memory_space<semaphore_mem>>)
        %dma_wait3A = arith.constant 195 : i32
        %dma_wait3A_124 = arith.constant 0 : i32
        %dma_wait3A_125 = tpu.memref_slice %arg8[%dma_wait3A, %dma_wait3A_124] : memref<196x128xi32, #tpu.memory_space<vmem>> -> memref<1x128xi32, #tpu.memory_space<vmem>>
        %dma_wait3A_126 = arith.constant 0 : i32
        %dma_wait3A_127 = tpu.memref_slice %arg5[%add3A_113, %dma_wait3A_126] : memref<6250x128xi32, #tpu.memory_space<hbm>> -> memref<1x128xi32, #tpu.memory_space<hbm>>
        %dma_wait3A_128 = arith.constant 0 : i32
        %dma_wait3A_129 = tpu.memref_slice %arg5[%add3A_113, %dma_wait3A_128] : memref<6250x128xi32, #tpu.memory_space<hbm>> -> memref<1x128xi32, #tpu.memory_space<hbm>>
        %dma_wait3A_130 = arith.constant 195 : i32
        %dma_wait3A_131 = arith.constant 0 : i32
        %dma_wait3A_132 = tpu.memref_slice %arg8[%dma_wait3A_130, %dma_wait3A_131] : memref<196x128xi32, #tpu.memory_space<vmem>> -> memref<1x128xi32, #tpu.memory_space<vmem>>
        tpu.wait_dma2 semaphore(%run_scoped3A_114 : memref<!tpu.dma_semaphore, #tpu.memory_space<semaphore_mem>>) src(%dma_wait3A_132 : memref<1x128xi32, #tpu.memory_space<vmem>>) dst(%dma_wait3A_129 : memref<1x128xi32, #tpu.memory_space<hbm>>)
        tpu.yield
      }) : () -> ()
    } else {
    }
    %barrier3A_102 = arith.constant 0 : index
    tpu.barrier barrier_id(%barrier3A_102)
    %eq3A = arith.constant 0 : i32
    %eq3A_103 = arith.cmpi eq, %arg0, %eq3A : i32
    %convert_element_type3A_104 = arith.extui %eq3A_103 : i1 to i32
    %cond3A_105 = arith.constant 0 : i32
    %cond3A_106 = arith.cmpi ne, %convert_element_type3A_104, %cond3A_105 : i32
    scf.if %cond3A_106 {
      %scan3A_112 = arith.constant 0 : i32
      %scan3A_113 = arith.constant 0 : i32
      %scan3A_114 = arith.constant 28 : i32
      %scan3A_115 = arith.addi %scan3A_113, %scan3A_114 : i32
      %scan3A_116 = arith.constant 1 : i32
      scf.for %scan3A_118 = %scan3A_113 to %scan3A_115 step %scan3A_116  : i32 {
        %mul3A_119 = arith.constant 3136 : i32
        %mul3A_120 = arith.muli %arg1, %mul3A_119 : i32
        %mul3A_121 = arith.constant 112 : i32
        %mul3A_122 = arith.muli %scan3A_118, %mul3A_121 : i32
        %add3A_123 = arith.addi %mul3A_120, %mul3A_122 : i32
        "tpu.region"() ({
          %run_scoped3A_129 = tpu.sem_alloc : memref<!tpu.dma_semaphore, #tpu.memory_space<semaphore_mem>>
          %dma_start3A = tpu.memref_slice %arg11[%add3A_123] : memref<50176xf32, #tpu.memory_space<vmem_shared>> -> memref<112xf32, #tpu.memory_space<vmem_shared>>
          %dma_start3A_130 = tpu.memref_slice %arg11[%add3A_123] : memref<50176xf32, #tpu.memory_space<vmem_shared>> -> memref<112xf32, #tpu.memory_space<vmem_shared>>
          tpu.enqueue_dma source(%dma_start3A_130 : memref<112xf32, #tpu.memory_space<vmem_shared>>) target(%arg10 : memref<112xf32, #tpu.memory_space<vmem>>) target_semaphore(%run_scoped3A_129 : memref<!tpu.dma_semaphore, #tpu.memory_space<semaphore_mem>>)
          %dma_wait3A = tpu.memref_slice %arg11[%add3A_123] : memref<50176xf32, #tpu.memory_space<vmem_shared>> -> memref<112xf32, #tpu.memory_space<vmem_shared>>
          %dma_wait3A_131 = tpu.memref_slice %arg11[%add3A_123] : memref<50176xf32, #tpu.memory_space<vmem_shared>> -> memref<112xf32, #tpu.memory_space<vmem_shared>>
          tpu.wait_dma2 semaphore(%run_scoped3A_129 : memref<!tpu.dma_semaphore, #tpu.memory_space<semaphore_mem>>) src(%dma_wait3A_131 : memref<112xf32, #tpu.memory_space<vmem_shared>>) dst(%arg10 : memref<112xf32, #tpu.memory_space<vmem>>)
          tpu.yield
        }) : () -> ()
        %mul3A_124 = arith.constant 3136 : i32
        %mul3A_125 = arith.muli %arg1, %mul3A_124 : i32
        %mul3A_126 = arith.constant 112 : i32
        %mul3A_127 = arith.muli %scan3A_118, %mul3A_126 : i32
        %add3A_128 = arith.addi %mul3A_125, %mul3A_127 : i32
        "tpu.region"() ({
          %run_scoped3A_129 = tpu.sem_alloc : memref<!tpu.dma_semaphore, #tpu.memory_space<semaphore_mem>>
          %dma_start3A = tpu.memref_slice %arg3[%add3A_128] : memref<50176xf32, #tpu.memory_space<hbm>> -> memref<112xf32, #tpu.memory_space<hbm>>
          %dma_start3A_130 = tpu.memref_slice %arg3[%add3A_128] : memref<50176xf32, #tpu.memory_space<hbm>> -> memref<112xf32, #tpu.memory_space<hbm>>
          tpu.enqueue_dma source(%arg10 : memref<112xf32, #tpu.memory_space<vmem>>) target(%dma_start3A_130 : memref<112xf32, #tpu.memory_space<hbm>>) target_semaphore(%run_scoped3A_129 : memref<!tpu.dma_semaphore, #tpu.memory_space<semaphore_mem>>)
          %dma_wait3A = tpu.memref_slice %arg3[%add3A_128] : memref<50176xf32, #tpu.memory_space<hbm>> -> memref<112xf32, #tpu.memory_space<hbm>>
          %dma_wait3A_131 = tpu.memref_slice %arg3[%add3A_128] : memref<50176xf32, #tpu.memory_space<hbm>> -> memref<112xf32, #tpu.memory_space<hbm>>
          tpu.wait_dma2 semaphore(%run_scoped3A_129 : memref<!tpu.dma_semaphore, #tpu.memory_space<semaphore_mem>>) src(%arg10 : memref<112xf32, #tpu.memory_space<vmem>>) dst(%dma_wait3A_131 : memref<112xf32, #tpu.memory_space<hbm>>)
          tpu.yield
        }) : () -> ()
      }
      %scan3A_117 = arith.constant 28 : i32
    } else {
    }
    %eq3A_107 = arith.constant 1 : i32
    %eq3A_108 = arith.cmpi eq, %arg0, %eq3A_107 : i32
    %convert_element_type3A_109 = arith.extui %eq3A_108 : i1 to i32
    %cond3A_110 = arith.constant 0 : i32
    %cond3A_111 = arith.cmpi ne, %convert_element_type3A_109, %cond3A_110 : i32
    scf.if %cond3A_111 {
      %scan3A_112 = arith.constant 0 : i32
      %scan3A_113 = arith.constant 0 : i32
      %scan3A_114 = arith.constant 28 : i32
      %scan3A_115 = arith.addi %scan3A_113, %scan3A_114 : i32
      %scan3A_116 = arith.constant 1 : i32
      scf.for %scan3A_118 = %scan3A_113 to %scan3A_115 step %scan3A_116  : i32 {
        %mul3A_119 = arith.constant 3136 : i32
        %mul3A_120 = arith.muli %arg1, %mul3A_119 : i32
        %mul3A_121 = arith.constant 112 : i32
        %mul3A_122 = arith.muli %scan3A_118, %mul3A_121 : i32
        %add3A_123 = arith.addi %mul3A_120, %mul3A_122 : i32
        "tpu.region"() ({
          %run_scoped3A_129 = tpu.sem_alloc : memref<!tpu.dma_semaphore, #tpu.memory_space<semaphore_mem>>
          %dma_start3A = tpu.memref_slice %arg11[%add3A_123] : memref<50176xf32, #tpu.memory_space<vmem_shared>> -> memref<112xf32, #tpu.memory_space<vmem_shared>>
          %dma_start3A_130 = tpu.memref_slice %arg11[%add3A_123] : memref<50176xf32, #tpu.memory_space<vmem_shared>> -> memref<112xf32, #tpu.memory_space<vmem_shared>>
          tpu.enqueue_dma source(%dma_start3A_130 : memref<112xf32, #tpu.memory_space<vmem_shared>>) target(%arg10 : memref<112xf32, #tpu.memory_space<vmem>>) target_semaphore(%run_scoped3A_129 : memref<!tpu.dma_semaphore, #tpu.memory_space<semaphore_mem>>)
          %dma_wait3A = tpu.memref_slice %arg11[%add3A_123] : memref<50176xf32, #tpu.memory_space<vmem_shared>> -> memref<112xf32, #tpu.memory_space<vmem_shared>>
          %dma_wait3A_131 = tpu.memref_slice %arg11[%add3A_123] : memref<50176xf32, #tpu.memory_space<vmem_shared>> -> memref<112xf32, #tpu.memory_space<vmem_shared>>
          tpu.wait_dma2 semaphore(%run_scoped3A_129 : memref<!tpu.dma_semaphore, #tpu.memory_space<semaphore_mem>>) src(%dma_wait3A_131 : memref<112xf32, #tpu.memory_space<vmem_shared>>) dst(%arg10 : memref<112xf32, #tpu.memory_space<vmem>>)
          tpu.yield
        }) : () -> ()
        %mul3A_124 = arith.constant 3136 : i32
        %mul3A_125 = arith.muli %arg1, %mul3A_124 : i32
        %mul3A_126 = arith.constant 112 : i32
        %mul3A_127 = arith.muli %scan3A_118, %mul3A_126 : i32
        %add3A_128 = arith.addi %mul3A_125, %mul3A_127 : i32
        "tpu.region"() ({
          %run_scoped3A_129 = tpu.sem_alloc : memref<!tpu.dma_semaphore, #tpu.memory_space<semaphore_mem>>
          %dma_start3A = tpu.memref_slice %arg4[%add3A_128] : memref<50176xf32, #tpu.memory_space<hbm>> -> memref<112xf32, #tpu.memory_space<hbm>>
          %dma_start3A_130 = tpu.memref_slice %arg4[%add3A_128] : memref<50176xf32, #tpu.memory_space<hbm>> -> memref<112xf32, #tpu.memory_space<hbm>>
          tpu.enqueue_dma source(%arg10 : memref<112xf32, #tpu.memory_space<vmem>>) target(%dma_start3A_130 : memref<112xf32, #tpu.memory_space<hbm>>) target_semaphore(%run_scoped3A_129 : memref<!tpu.dma_semaphore, #tpu.memory_space<semaphore_mem>>)
          %dma_wait3A = tpu.memref_slice %arg4[%add3A_128] : memref<50176xf32, #tpu.memory_space<hbm>> -> memref<112xf32, #tpu.memory_space<hbm>>
          %dma_wait3A_131 = tpu.memref_slice %arg4[%add3A_128] : memref<50176xf32, #tpu.memory_space<hbm>> -> memref<112xf32, #tpu.memory_space<hbm>>
          tpu.wait_dma2 semaphore(%run_scoped3A_129 : memref<!tpu.dma_semaphore, #tpu.memory_space<semaphore_mem>>) src(%arg10 : memref<112xf32, #tpu.memory_space<vmem>>) dst(%dma_wait3A_131 : memref<112xf32, #tpu.memory_space<hbm>>)
          tpu.yield
        }) : () -> ()
      }
      %scan3A_117 = arith.constant 28 : i32
    } else {
    }
    return
  }
}

#map = affine_map<(d0, d1) -> (0, 0)>
module attributes {stable_mosaic.version = 14 : i64} {
  func.func @_sc_spmm(%arg0: i32, %arg1: i32, %arg2: memref<50176x16xf32, #tpu.memory_space<hbm>>, %arg3: memref<2x800000xi32, #tpu.memory_space<hbm>>, %arg4: memref<6250x128xi32, #tpu.memory_space<hbm>>, %arg5: memref<50176x16xf32, #tpu.memory_space<hbm>>, %arg6: memref<50176x16xf32, #tpu.memory_space<hbm>>, %arg7: memref<25088xi32, #tpu.memory_space<vmem>>, %arg8: memref<196x128xi32, #tpu.memory_space<vmem>>, %arg9: memref<12x128x16xf32, #tpu.memory_space<vmem>>, %arg10: memref<112x16xf32, #tpu.memory_space<vmem>>, %arg11: memref<50176x16xf32, #tpu.memory_space<vmem_shared>>, %arg12: memref<!tpu.dma_semaphore, #tpu.memory_space<semaphore_mem>>, %arg13: memref<!tpu.dma_semaphore, #tpu.memory_space<semaphore_mem>>) attributes {dimension_semantics = [#tpu.dimension_semantics<core_parallel>, #tpu.dimension_semantics<subcore_parallel>], iteration_bounds = array<i64: 2, 16>, scalar_prefetch = 0 : i64, scratch_operands = 7 : i64, tpu.core_type = #tpu.core_type<sc_vector_subcore>, window_params = [{transform_indices = #map}, {transform_indices = #map}, {transform_indices = #map}, {transform_indices = #map}, {transform_indices = #map}]} {
    %mul3A = arith.constant 2 : i32
    %mul3A_0 = arith.muli %arg1, %mul3A : i32
    %add3A = arith.addi %mul3A_0, %arg0 : i32
    %mul3A_1 = arith.constant 195 : i32
    %mul3A_2 = arith.muli %add3A, %mul3A_1 : i32
    %min3A = arith.constant 10 : i32
    %min3A_3 = arith.minsi %add3A, %min3A : i32
    %add3A_4 = arith.addi %mul3A_2, %min3A_3 : i32
    %lt3A = arith.constant 10 : i32
    %lt3A_5 = arith.cmpi slt, %add3A, %lt3A : i32
    %jit3A = arith.constant 1 : i32
    %jit3A_6 = arith.constant 0 : i32
    %select_n3A = arith.select %lt3A_5, %jit3A, %jit3A_6 : i32
    %add3A_7 = arith.constant 195 : i32
    %add3A_8 = arith.addi %add3A_7, %select_n3A : i32
    %mul3A_9 = arith.constant 128 : i32
    %mul3A_10 = arith.muli %add3A_4, %mul3A_9 : i32
    %run_scoped3A = arith.constant 1 : i32
    "tpu.region"() ({
      %run_scoped3A_230 = tpu.sem_alloc : memref<!tpu.dma_semaphore, #tpu.memory_space<semaphore_mem>>
      %dma_start3A_231 = arith.constant 0 : i32
      %dma_start3A_232 = tpu.memref_slice %arg7[%dma_start3A_231] : memref<25088xi32, #tpu.memory_space<vmem>> -> memref<24960xi32, #tpu.memory_space<vmem>>
      %dma_start3A_233 = tpu.memref_slice %arg3[%run_scoped3A, %mul3A_10] : memref<2x800000xi32, #tpu.memory_space<hbm>> -> memref<1x24960xi32, #tpu.memory_space<hbm>>
      %dma_start3A_234 = tpu.memref_squeeze %dma_start3A_233 : memref<1x24960xi32, #tpu.memory_space<hbm>> -> memref<24960xi32, #tpu.memory_space<hbm>>
      %dma_start3A_235 = arith.constant 0 : i32
      %dma_start3A_236 = tpu.memref_slice %arg7[%dma_start3A_235] : memref<25088xi32, #tpu.memory_space<vmem>> -> memref<24960xi32, #tpu.memory_space<vmem>>
      %dma_start3A_237 = tpu.memref_slice %arg3[%run_scoped3A, %mul3A_10] : memref<2x800000xi32, #tpu.memory_space<hbm>> -> memref<1x24960xi32, #tpu.memory_space<hbm>>
      %dma_start3A_238 = tpu.memref_squeeze %dma_start3A_237 : memref<1x24960xi32, #tpu.memory_space<hbm>> -> memref<24960xi32, #tpu.memory_space<hbm>>
      tpu.enqueue_dma source(%dma_start3A_238 : memref<24960xi32, #tpu.memory_space<hbm>>) target(%dma_start3A_236 : memref<24960xi32, #tpu.memory_space<vmem>>) target_semaphore(%run_scoped3A_230 : memref<!tpu.dma_semaphore, #tpu.memory_space<semaphore_mem>>)
      %dma_wait3A_239 = arith.constant 0 : i32
      %dma_wait3A_240 = tpu.memref_slice %arg7[%dma_wait3A_239] : memref<25088xi32, #tpu.memory_space<vmem>> -> memref<24960xi32, #tpu.memory_space<vmem>>
      %dma_wait3A_241 = tpu.memref_slice %arg3[%run_scoped3A, %mul3A_10] : memref<2x800000xi32, #tpu.memory_space<hbm>> -> memref<1x24960xi32, #tpu.memory_space<hbm>>
      %dma_wait3A_242 = tpu.memref_squeeze %dma_wait3A_241 : memref<1x24960xi32, #tpu.memory_space<hbm>> -> memref<24960xi32, #tpu.memory_space<hbm>>
      %dma_wait3A_243 = arith.constant 0 : i32
      %dma_wait3A_244 = tpu.memref_slice %arg7[%dma_wait3A_243] : memref<25088xi32, #tpu.memory_space<vmem>> -> memref<24960xi32, #tpu.memory_space<vmem>>
      %dma_wait3A_245 = tpu.memref_slice %arg3[%run_scoped3A, %mul3A_10] : memref<2x800000xi32, #tpu.memory_space<hbm>> -> memref<1x24960xi32, #tpu.memory_space<hbm>>
      %dma_wait3A_246 = tpu.memref_squeeze %dma_wait3A_245 : memref<1x24960xi32, #tpu.memory_space<hbm>> -> memref<24960xi32, #tpu.memory_space<hbm>>
      tpu.wait_dma2 semaphore(%run_scoped3A_230 : memref<!tpu.dma_semaphore, #tpu.memory_space<semaphore_mem>>) src(%dma_wait3A_246 : memref<24960xi32, #tpu.memory_space<hbm>>) dst(%dma_wait3A_244 : memref<24960xi32, #tpu.memory_space<vmem>>)
      tpu.yield
    }) : () -> ()
    "tpu.region"() ({
      %run_scoped3A_230 = tpu.sem_alloc : memref<!tpu.dma_semaphore, #tpu.memory_space<semaphore_mem>>
      %dma_start3A_231 = arith.constant 0 : i32
      %dma_start3A_232 = arith.constant 0 : i32
      %dma_start3A_233 = tpu.memref_slice %arg8[%dma_start3A_231, %dma_start3A_232] : memref<196x128xi32, #tpu.memory_space<vmem>> -> memref<195x128xi32, #tpu.memory_space<vmem>>
      %dma_start3A_234 = arith.constant 0 : i32
      %dma_start3A_235 = tpu.memref_slice %arg4[%add3A_4, %dma_start3A_234] : memref<6250x128xi32, #tpu.memory_space<hbm>> -> memref<195x128xi32, #tpu.memory_space<hbm>>
      %dma_start3A_236 = arith.constant 0 : i32
      %dma_start3A_237 = arith.constant 0 : i32
      %dma_start3A_238 = tpu.memref_slice %arg8[%dma_start3A_236, %dma_start3A_237] : memref<196x128xi32, #tpu.memory_space<vmem>> -> memref<195x128xi32, #tpu.memory_space<vmem>>
      %dma_start3A_239 = arith.constant 0 : i32
      %dma_start3A_240 = tpu.memref_slice %arg4[%add3A_4, %dma_start3A_239] : memref<6250x128xi32, #tpu.memory_space<hbm>> -> memref<195x128xi32, #tpu.memory_space<hbm>>
      tpu.enqueue_dma source(%dma_start3A_240 : memref<195x128xi32, #tpu.memory_space<hbm>>) target(%dma_start3A_238 : memref<195x128xi32, #tpu.memory_space<vmem>>) target_semaphore(%run_scoped3A_230 : memref<!tpu.dma_semaphore, #tpu.memory_space<semaphore_mem>>)
      %dma_wait3A_241 = arith.constant 0 : i32
      %dma_wait3A_242 = arith.constant 0 : i32
      %dma_wait3A_243 = tpu.memref_slice %arg8[%dma_wait3A_241, %dma_wait3A_242] : memref<196x128xi32, #tpu.memory_space<vmem>> -> memref<195x128xi32, #tpu.memory_space<vmem>>
      %dma_wait3A_244 = arith.constant 0 : i32
      %dma_wait3A_245 = tpu.memref_slice %arg4[%add3A_4, %dma_wait3A_244] : memref<6250x128xi32, #tpu.memory_space<hbm>> -> memref<195x128xi32, #tpu.memory_space<hbm>>
      %dma_wait3A_246 = arith.constant 0 : i32
      %dma_wait3A_247 = arith.constant 0 : i32
      %dma_wait3A_248 = tpu.memref_slice %arg8[%dma_wait3A_246, %dma_wait3A_247] : memref<196x128xi32, #tpu.memory_space<vmem>> -> memref<195x128xi32, #tpu.memory_space<vmem>>
      %dma_wait3A_249 = arith.constant 0 : i32
      %dma_wait3A_250 = tpu.memref_slice %arg4[%add3A_4, %dma_wait3A_249] : memref<6250x128xi32, #tpu.memory_space<hbm>> -> memref<195x128xi32, #tpu.memory_space<hbm>>
      tpu.wait_dma2 semaphore(%run_scoped3A_230 : memref<!tpu.dma_semaphore, #tpu.memory_space<semaphore_mem>>) src(%dma_wait3A_250 : memref<195x128xi32, #tpu.memory_space<hbm>>) dst(%dma_wait3A_248 : memref<195x128xi32, #tpu.memory_space<vmem>>)
      tpu.yield
    }) : () -> ()
    %lt3A_11 = arith.constant 10 : i32
    %lt3A_12 = arith.cmpi slt, %add3A, %lt3A_11 : i32
    %convert_element_type3A = arith.extui %lt3A_12 : i1 to i32
    %cond3A = arith.constant 0 : i32
    %cond3A_13 = arith.cmpi ne, %convert_element_type3A, %cond3A : i32
    scf.if %cond3A_13 {
      %add3A_230 = arith.constant 24960 : i32
      %add3A_231 = arith.addi %mul3A_10, %add3A_230 : i32
      %run_scoped3A_232 = arith.constant 1 : i32
      "tpu.region"() ({
        %run_scoped3A_235 = tpu.sem_alloc : memref<!tpu.dma_semaphore, #tpu.memory_space<semaphore_mem>>
        %dma_start3A_236 = arith.constant 24960 : i32
        %dma_start3A_237 = tpu.memref_slice %arg7[%dma_start3A_236] : memref<25088xi32, #tpu.memory_space<vmem>> -> memref<128xi32, #tpu.memory_space<vmem>>
        %dma_start3A_238 = tpu.memref_slice %arg3[%run_scoped3A_232, %add3A_231] : memref<2x800000xi32, #tpu.memory_space<hbm>> -> memref<1x128xi32, #tpu.memory_space<hbm>>
        %dma_start3A_239 = tpu.memref_squeeze %dma_start3A_238 : memref<1x128xi32, #tpu.memory_space<hbm>> -> memref<128xi32, #tpu.memory_space<hbm>>
        %dma_start3A_240 = arith.constant 24960 : i32
        %dma_start3A_241 = tpu.memref_slice %arg7[%dma_start3A_240] : memref<25088xi32, #tpu.memory_space<vmem>> -> memref<128xi32, #tpu.memory_space<vmem>>
        %dma_start3A_242 = tpu.memref_slice %arg3[%run_scoped3A_232, %add3A_231] : memref<2x800000xi32, #tpu.memory_space<hbm>> -> memref<1x128xi32, #tpu.memory_space<hbm>>
        %dma_start3A_243 = tpu.memref_squeeze %dma_start3A_242 : memref<1x128xi32, #tpu.memory_space<hbm>> -> memref<128xi32, #tpu.memory_space<hbm>>
        tpu.enqueue_dma source(%dma_start3A_243 : memref<128xi32, #tpu.memory_space<hbm>>) target(%dma_start3A_241 : memref<128xi32, #tpu.memory_space<vmem>>) target_semaphore(%run_scoped3A_235 : memref<!tpu.dma_semaphore, #tpu.memory_space<semaphore_mem>>)
        %dma_wait3A_244 = arith.constant 24960 : i32
        %dma_wait3A_245 = tpu.memref_slice %arg7[%dma_wait3A_244] : memref<25088xi32, #tpu.memory_space<vmem>> -> memref<128xi32, #tpu.memory_space<vmem>>
        %dma_wait3A_246 = tpu.memref_slice %arg3[%run_scoped3A_232, %add3A_231] : memref<2x800000xi32, #tpu.memory_space<hbm>> -> memref<1x128xi32, #tpu.memory_space<hbm>>
        %dma_wait3A_247 = tpu.memref_squeeze %dma_wait3A_246 : memref<1x128xi32, #tpu.memory_space<hbm>> -> memref<128xi32, #tpu.memory_space<hbm>>
        %dma_wait3A_248 = arith.constant 24960 : i32
        %dma_wait3A_249 = tpu.memref_slice %arg7[%dma_wait3A_248] : memref<25088xi32, #tpu.memory_space<vmem>> -> memref<128xi32, #tpu.memory_space<vmem>>
        %dma_wait3A_250 = tpu.memref_slice %arg3[%run_scoped3A_232, %add3A_231] : memref<2x800000xi32, #tpu.memory_space<hbm>> -> memref<1x128xi32, #tpu.memory_space<hbm>>
        %dma_wait3A_251 = tpu.memref_squeeze %dma_wait3A_250 : memref<1x128xi32, #tpu.memory_space<hbm>> -> memref<128xi32, #tpu.memory_space<hbm>>
        tpu.wait_dma2 semaphore(%run_scoped3A_235 : memref<!tpu.dma_semaphore, #tpu.memory_space<semaphore_mem>>) src(%dma_wait3A_251 : memref<128xi32, #tpu.memory_space<hbm>>) dst(%dma_wait3A_249 : memref<128xi32, #tpu.memory_space<vmem>>)
        tpu.yield
      }) : () -> ()
      %add3A_233 = arith.constant 195 : i32
      %add3A_234 = arith.addi %add3A_4, %add3A_233 : i32
      "tpu.region"() ({
        %run_scoped3A_235 = tpu.sem_alloc : memref<!tpu.dma_semaphore, #tpu.memory_space<semaphore_mem>>
        %dma_start3A_236 = arith.constant 195 : i32
        %dma_start3A_237 = arith.constant 0 : i32
        %dma_start3A_238 = tpu.memref_slice %arg8[%dma_start3A_236, %dma_start3A_237] : memref<196x128xi32, #tpu.memory_space<vmem>> -> memref<1x128xi32, #tpu.memory_space<vmem>>
        %dma_start3A_239 = arith.constant 0 : i32
        %dma_start3A_240 = tpu.memref_slice %arg4[%add3A_234, %dma_start3A_239] : memref<6250x128xi32, #tpu.memory_space<hbm>> -> memref<1x128xi32, #tpu.memory_space<hbm>>
        %dma_start3A_241 = arith.constant 195 : i32
        %dma_start3A_242 = arith.constant 0 : i32
        %dma_start3A_243 = tpu.memref_slice %arg8[%dma_start3A_241, %dma_start3A_242] : memref<196x128xi32, #tpu.memory_space<vmem>> -> memref<1x128xi32, #tpu.memory_space<vmem>>
        %dma_start3A_244 = arith.constant 0 : i32
        %dma_start3A_245 = tpu.memref_slice %arg4[%add3A_234, %dma_start3A_244] : memref<6250x128xi32, #tpu.memory_space<hbm>> -> memref<1x128xi32, #tpu.memory_space<hbm>>
        tpu.enqueue_dma source(%dma_start3A_245 : memref<1x128xi32, #tpu.memory_space<hbm>>) target(%dma_start3A_243 : memref<1x128xi32, #tpu.memory_space<vmem>>) target_semaphore(%run_scoped3A_235 : memref<!tpu.dma_semaphore, #tpu.memory_space<semaphore_mem>>)
        %dma_wait3A_246 = arith.constant 195 : i32
        %dma_wait3A_247 = arith.constant 0 : i32
        %dma_wait3A_248 = tpu.memref_slice %arg8[%dma_wait3A_246, %dma_wait3A_247] : memref<196x128xi32, #tpu.memory_space<vmem>> -> memref<1x128xi32, #tpu.memory_space<vmem>>
        %dma_wait3A_249 = arith.constant 0 : i32
        %dma_wait3A_250 = tpu.memref_slice %arg4[%add3A_234, %dma_wait3A_249] : memref<6250x128xi32, #tpu.memory_space<hbm>> -> memref<1x128xi32, #tpu.memory_space<hbm>>
        %dma_wait3A_251 = arith.constant 195 : i32
        %dma_wait3A_252 = arith.constant 0 : i32
        %dma_wait3A_253 = tpu.memref_slice %arg8[%dma_wait3A_251, %dma_wait3A_252] : memref<196x128xi32, #tpu.memory_space<vmem>> -> memref<1x128xi32, #tpu.memory_space<vmem>>
        %dma_wait3A_254 = arith.constant 0 : i32
        %dma_wait3A_255 = tpu.memref_slice %arg4[%add3A_234, %dma_wait3A_254] : memref<6250x128xi32, #tpu.memory_space<hbm>> -> memref<1x128xi32, #tpu.memory_space<hbm>>
        tpu.wait_dma2 semaphore(%run_scoped3A_235 : memref<!tpu.dma_semaphore, #tpu.memory_space<semaphore_mem>>) src(%dma_wait3A_255 : memref<1x128xi32, #tpu.memory_space<hbm>>) dst(%dma_wait3A_253 : memref<1x128xi32, #tpu.memory_space<vmem>>)
        tpu.yield
      }) : () -> ()
    } else {
    }
    %scan3A = arith.constant 0 : i32
    %scan3A_14 = arith.constant 0 : i32
    %scan3A_15 = arith.constant 112 : i32
    %scan3A_16 = arith.addi %scan3A_14, %scan3A_15 : i32
    %scan3A_17 = arith.constant 1 : i32
    scf.for %scan3A_230 = %scan3A_14 to %scan3A_16 step %scan3A_17  : i32 {
      %broadcast_in_dim3A = arith.constant 0.000000e+00 : f32
      %broadcast_in_dim3A_231 = vector.broadcast %broadcast_in_dim3A : f32 to vector<16xf32>
      %swap3A = arith.index_cast %scan3A_230 : i32 to index
      %swap3A_232 = arith.constant 0 : index
      %swap3A_233 = tpu.vector_load %arg10[%swap3A, %swap3A_232] {strides = array<i32>} : memref<112x16xf32, #tpu.memory_space<vmem>>, vector<1x16xf32>,
      %swap3A_234 = vector.shape_cast %swap3A_233 : vector<1x16xf32> to vector<16xf32>
      %swap3A_235 = vector.shape_cast %broadcast_in_dim3A_231 : vector<16xf32> to vector<1x16xf32>
      tpu.vector_store %arg10[%swap3A, %swap3A_232], %swap3A_235 {strides = array<i32>} : memref<112x16xf32, #tpu.memory_space<vmem>>, vector<1x16xf32>,
    }
    %scan3A_18 = arith.constant 112 : i32
    %scan3A_19 = arith.constant 0 : i32
    %scan3A_20 = arith.constant 0 : i32
    %scan3A_21 = arith.constant 28 : i32
    %scan3A_22 = arith.addi %scan3A_20, %scan3A_21 : i32
    %scan3A_23 = arith.constant 1 : i32
    scf.for %scan3A_230 = %scan3A_20 to %scan3A_22 step %scan3A_23  : i32 {
      %mul3A_231 = arith.constant 3136 : i32
      %mul3A_232 = arith.muli %arg1, %mul3A_231 : i32
      %mul3A_233 = arith.constant 112 : i32
      %mul3A_234 = arith.muli %scan3A_230, %mul3A_233 : i32
      %add3A_235 = arith.addi %mul3A_232, %mul3A_234 : i32
      "tpu.region"() ({
        %run_scoped3A_236 = tpu.sem_alloc : memref<!tpu.dma_semaphore, #tpu.memory_space<semaphore_mem>>
        %dma_start3A_237 = arith.constant 0 : i32
        %dma_start3A_238 = tpu.memref_slice %arg11[%add3A_235, %dma_start3A_237] : memref<50176x16xf32, #tpu.memory_space<vmem_shared>> -> memref<112x16xf32, #tpu.memory_space<vmem_shared>>
        %dma_start3A_239 = arith.constant 0 : i32
        %dma_start3A_240 = tpu.memref_slice %arg11[%add3A_235, %dma_start3A_239] : memref<50176x16xf32, #tpu.memory_space<vmem_shared>> -> memref<112x16xf32, #tpu.memory_space<vmem_shared>>
        tpu.enqueue_dma source(%arg10 : memref<112x16xf32, #tpu.memory_space<vmem>>) target(%dma_start3A_240 : memref<112x16xf32, #tpu.memory_space<vmem_shared>>) target_semaphore(%run_scoped3A_236 : memref<!tpu.dma_semaphore, #tpu.memory_space<semaphore_mem>>)
        %dma_wait3A_241 = arith.constant 0 : i32
        %dma_wait3A_242 = tpu.memref_slice %arg11[%add3A_235, %dma_wait3A_241] : memref<50176x16xf32, #tpu.memory_space<vmem_shared>> -> memref<112x16xf32, #tpu.memory_space<vmem_shared>>
        %dma_wait3A_243 = arith.constant 0 : i32
        %dma_wait3A_244 = tpu.memref_slice %arg11[%add3A_235, %dma_wait3A_243] : memref<50176x16xf32, #tpu.memory_space<vmem_shared>> -> memref<112x16xf32, #tpu.memory_space<vmem_shared>>
        tpu.wait_dma2 semaphore(%run_scoped3A_236 : memref<!tpu.dma_semaphore, #tpu.memory_space<semaphore_mem>>) src(%arg10 : memref<112x16xf32, #tpu.memory_space<vmem>>) dst(%dma_wait3A_244 : memref<112x16xf32, #tpu.memory_space<vmem_shared>>)
        tpu.yield
      }) : () -> ()
    }
    %scan3A_24 = arith.constant 28 : i32
    %barrier3A = arith.constant 0 : index
    tpu.barrier barrier_id(%barrier3A)
    %dma_start3A = arith.constant 0 : i32
    %dma_start3A_25 = arith.constant 0 : i32
    %dma_start3A_26 = arith.constant 0 : i32
    %dma_start3A_27 = tpu.memref_slice %arg9[%dma_start3A, %dma_start3A_25, %dma_start3A_26] : memref<12x128x16xf32, #tpu.memory_space<vmem>> -> memref<1x128x16xf32, #tpu.memory_space<vmem>>
    %dma_start3A_28 = tpu.memref_squeeze %dma_start3A_27 : memref<1x128x16xf32, #tpu.memory_space<vmem>> -> memref<128x16xf32, #tpu.memory_space<vmem>>
    %dma_start3A_29 = arith.constant 0 : i32
    %dma_start3A_30 = tpu.memref_slice %arg7[%dma_start3A_29] : memref<25088xi32, #tpu.memory_space<vmem>> -> memref<128xi32, #tpu.memory_space<vmem>>
    %dma_start3A_31 = arith.constant 0 : i32
    %dma_start3A_32 = arith.constant 0 : i32
    %dma_start3A_33 = tpu.memref_slice %arg2[%dma_start3A_31, %dma_start3A_32] : memref<50176x16xf32, #tpu.memory_space<hbm>> -> memref<50176x16xf32, #tpu.memory_space<hbm>>
    tpu.enqueue_indirect_dma source(%dma_start3A_33 : memref<50176x16xf32, #tpu.memory_space<hbm>>) target(%dma_start3A_28 : memref<128x16xf32, #tpu.memory_space<vmem>>) offsets(%dma_start3A_30 : memref<128xi32, #tpu.memory_space<vmem>>) semaphore(%arg12 : memref<!tpu.dma_semaphore, #tpu.memory_space<semaphore_mem>>)
    %dma_start3A_34 = arith.constant 1 : i32
    %dma_start3A_35 = arith.constant 0 : i32
    %dma_start3A_36 = arith.constant 0 : i32
    %dma_start3A_37 = tpu.memref_slice %arg9[%dma_start3A_34, %dma_start3A_35, %dma_start3A_36] : memref<12x128x16xf32, #tpu.memory_space<vmem>> -> memref<1x128x16xf32, #tpu.memory_space<vmem>>
    %dma_start3A_38 = tpu.memref_squeeze %dma_start3A_37 : memref<1x128x16xf32, #tpu.memory_space<vmem>> -> memref<128x16xf32, #tpu.memory_space<vmem>>
    %dma_start3A_39 = arith.constant 128 : i32
    %dma_start3A_40 = tpu.memref_slice %arg7[%dma_start3A_39] : memref<25088xi32, #tpu.memory_space<vmem>> -> memref<128xi32, #tpu.memory_space<vmem>>
    %dma_start3A_41 = arith.constant 0 : i32
    %dma_start3A_42 = arith.constant 0 : i32
    %dma_start3A_43 = tpu.memref_slice %arg2[%dma_start3A_41, %dma_start3A_42] : memref<50176x16xf32, #tpu.memory_space<hbm>> -> memref<50176x16xf32, #tpu.memory_space<hbm>>
    tpu.enqueue_indirect_dma source(%dma_start3A_43 : memref<50176x16xf32, #tpu.memory_space<hbm>>) target(%dma_start3A_38 : memref<128x16xf32, #tpu.memory_space<vmem>>) offsets(%dma_start3A_40 : memref<128xi32, #tpu.memory_space<vmem>>) semaphore(%arg12 : memref<!tpu.dma_semaphore, #tpu.memory_space<semaphore_mem>>)
    %dma_start3A_44 = arith.constant 2 : i32
    %dma_start3A_45 = arith.constant 0 : i32
    %dma_start3A_46 = arith.constant 0 : i32
    %dma_start3A_47 = tpu.memref_slice %arg9[%dma_start3A_44, %dma_start3A_45, %dma_start3A_46] : memref<12x128x16xf32, #tpu.memory_space<vmem>> -> memref<1x128x16xf32, #tpu.memory_space<vmem>>
    %dma_start3A_48 = tpu.memref_squeeze %dma_start3A_47 : memref<1x128x16xf32, #tpu.memory_space<vmem>> -> memref<128x16xf32, #tpu.memory_space<vmem>>
    %dma_start3A_49 = arith.constant 256 : i32
    %dma_start3A_50 = tpu.memref_slice %arg7[%dma_start3A_49] : memref<25088xi32, #tpu.memory_space<vmem>> -> memref<128xi32, #tpu.memory_space<vmem>>
    %dma_start3A_51 = arith.constant 0 : i32
    %dma_start3A_52 = arith.constant 0 : i32
    %dma_start3A_53 = tpu.memref_slice %arg2[%dma_start3A_51, %dma_start3A_52] : memref<50176x16xf32, #tpu.memory_space<hbm>> -> memref<50176x16xf32, #tpu.memory_space<hbm>>
    tpu.enqueue_indirect_dma source(%dma_start3A_53 : memref<50176x16xf32, #tpu.memory_space<hbm>>) target(%dma_start3A_48 : memref<128x16xf32, #tpu.memory_space<vmem>>) offsets(%dma_start3A_50 : memref<128xi32, #tpu.memory_space<vmem>>) semaphore(%arg12 : memref<!tpu.dma_semaphore, #tpu.memory_space<semaphore_mem>>)
    %dma_start3A_54 = arith.constant 3 : i32
    %dma_start3A_55 = arith.constant 0 : i32
    %dma_start3A_56 = arith.constant 0 : i32
    %dma_start3A_57 = tpu.memref_slice %arg9[%dma_start3A_54, %dma_start3A_55, %dma_start3A_56] : memref<12x128x16xf32, #tpu.memory_space<vmem>> -> memref<1x128x16xf32, #tpu.memory_space<vmem>>
    %dma_start3A_58 = tpu.memref_squeeze %dma_start3A_57 : memref<1x128x16xf32, #tpu.memory_space<vmem>> -> memref<128x16xf32, #tpu.memory_space<vmem>>
    %dma_start3A_59 = arith.constant 384 : i32
    %dma_start3A_60 = tpu.memref_slice %arg7[%dma_start3A_59] : memref<25088xi32, #tpu.memory_space<vmem>> -> memref<128xi32, #tpu.memory_space<vmem>>
    %dma_start3A_61 = arith.constant 0 : i32
    %dma_start3A_62 = arith.constant 0 : i32
    %dma_start3A_63 = tpu.memref_slice %arg2[%dma_start3A_61, %dma_start3A_62] : memref<50176x16xf32, #tpu.memory_space<hbm>> -> memref<50176x16xf32, #tpu.memory_space<hbm>>
    tpu.enqueue_indirect_dma source(%dma_start3A_63 : memref<50176x16xf32, #tpu.memory_space<hbm>>) target(%dma_start3A_58 : memref<128x16xf32, #tpu.memory_space<vmem>>) offsets(%dma_start3A_60 : memref<128xi32, #tpu.memory_space<vmem>>) semaphore(%arg12 : memref<!tpu.dma_semaphore, #tpu.memory_space<semaphore_mem>>)
    %dma_start3A_64 = arith.constant 4 : i32
    %dma_start3A_65 = arith.constant 0 : i32
    %dma_start3A_66 = arith.constant 0 : i32
    %dma_start3A_67 = tpu.memref_slice %arg9[%dma_start3A_64, %dma_start3A_65, %dma_start3A_66] : memref<12x128x16xf32, #tpu.memory_space<vmem>> -> memref<1x128x16xf32, #tpu.memory_space<vmem>>
    %dma_start3A_68 = tpu.memref_squeeze %dma_start3A_67 : memref<1x128x16xf32, #tpu.memory_space<vmem>> -> memref<128x16xf32, #tpu.memory_space<vmem>>
    %dma_start3A_69 = arith.constant 512 : i32
    %dma_start3A_70 = tpu.memref_slice %arg7[%dma_start3A_69] : memref<25088xi32, #tpu.memory_space<vmem>> -> memref<128xi32, #tpu.memory_space<vmem>>
    %dma_start3A_71 = arith.constant 0 : i32
    %dma_start3A_72 = arith.constant 0 : i32
    %dma_start3A_73 = tpu.memref_slice %arg2[%dma_start3A_71, %dma_start3A_72] : memref<50176x16xf32, #tpu.memory_space<hbm>> -> memref<50176x16xf32, #tpu.memory_space<hbm>>
    tpu.enqueue_indirect_dma source(%dma_start3A_73 : memref<50176x16xf32, #tpu.memory_space<hbm>>) target(%dma_start3A_68 : memref<128x16xf32, #tpu.memory_space<vmem>>) offsets(%dma_start3A_70 : memref<128xi32, #tpu.memory_space<vmem>>) semaphore(%arg12 : memref<!tpu.dma_semaphore, #tpu.memory_space<semaphore_mem>>)
    %dma_start3A_74 = arith.constant 5 : i32
    %dma_start3A_75 = arith.constant 0 : i32
    %dma_start3A_76 = arith.constant 0 : i32
    %dma_start3A_77 = tpu.memref_slice %arg9[%dma_start3A_74, %dma_start3A_75, %dma_start3A_76] : memref<12x128x16xf32, #tpu.memory_space<vmem>> -> memref<1x128x16xf32, #tpu.memory_space<vmem>>
    %dma_start3A_78 = tpu.memref_squeeze %dma_start3A_77 : memref<1x128x16xf32, #tpu.memory_space<vmem>> -> memref<128x16xf32, #tpu.memory_space<vmem>>
    %dma_start3A_79 = arith.constant 640 : i32
    %dma_start3A_80 = tpu.memref_slice %arg7[%dma_start3A_79] : memref<25088xi32, #tpu.memory_space<vmem>> -> memref<128xi32, #tpu.memory_space<vmem>>
    %dma_start3A_81 = arith.constant 0 : i32
    %dma_start3A_82 = arith.constant 0 : i32
    %dma_start3A_83 = tpu.memref_slice %arg2[%dma_start3A_81, %dma_start3A_82] : memref<50176x16xf32, #tpu.memory_space<hbm>> -> memref<50176x16xf32, #tpu.memory_space<hbm>>
    tpu.enqueue_indirect_dma source(%dma_start3A_83 : memref<50176x16xf32, #tpu.memory_space<hbm>>) target(%dma_start3A_78 : memref<128x16xf32, #tpu.memory_space<vmem>>) offsets(%dma_start3A_80 : memref<128xi32, #tpu.memory_space<vmem>>) semaphore(%arg12 : memref<!tpu.dma_semaphore, #tpu.memory_space<semaphore_mem>>)
    %dma_start3A_84 = arith.constant 6 : i32
    %dma_start3A_85 = arith.constant 0 : i32
    %dma_start3A_86 = arith.constant 0 : i32
    %dma_start3A_87 = tpu.memref_slice %arg9[%dma_start3A_84, %dma_start3A_85, %dma_start3A_86] : memref<12x128x16xf32, #tpu.memory_space<vmem>> -> memref<1x128x16xf32, #tpu.memory_space<vmem>>
    %dma_start3A_88 = tpu.memref_squeeze %dma_start3A_87 : memref<1x128x16xf32, #tpu.memory_space<vmem>> -> memref<128x16xf32, #tpu.memory_space<vmem>>
    %dma_start3A_89 = arith.constant 768 : i32
    %dma_start3A_90 = tpu.memref_slice %arg7[%dma_start3A_89] : memref<25088xi32, #tpu.memory_space<vmem>> -> memref<128xi32, #tpu.memory_space<vmem>>
    %dma_start3A_91 = arith.constant 0 : i32
    %dma_start3A_92 = arith.constant 0 : i32
    %dma_start3A_93 = tpu.memref_slice %arg2[%dma_start3A_91, %dma_start3A_92] : memref<50176x16xf32, #tpu.memory_space<hbm>> -> memref<50176x16xf32, #tpu.memory_space<hbm>>
    tpu.enqueue_indirect_dma source(%dma_start3A_93 : memref<50176x16xf32, #tpu.memory_space<hbm>>) target(%dma_start3A_88 : memref<128x16xf32, #tpu.memory_space<vmem>>) offsets(%dma_start3A_90 : memref<128xi32, #tpu.memory_space<vmem>>) semaphore(%arg12 : memref<!tpu.dma_semaphore, #tpu.memory_space<semaphore_mem>>)
    %dma_start3A_94 = arith.constant 7 : i32
    %dma_start3A_95 = arith.constant 0 : i32
    %dma_start3A_96 = arith.constant 0 : i32
    %dma_start3A_97 = tpu.memref_slice %arg9[%dma_start3A_94, %dma_start3A_95, %dma_start3A_96] : memref<12x128x16xf32, #tpu.memory_space<vmem>> -> memref<1x128x16xf32, #tpu.memory_space<vmem>>
    %dma_start3A_98 = tpu.memref_squeeze %dma_start3A_97 : memref<1x128x16xf32, #tpu.memory_space<vmem>> -> memref<128x16xf32, #tpu.memory_space<vmem>>
    %dma_start3A_99 = arith.constant 896 : i32
    %dma_start3A_100 = tpu.memref_slice %arg7[%dma_start3A_99] : memref<25088xi32, #tpu.memory_space<vmem>> -> memref<128xi32, #tpu.memory_space<vmem>>
    %dma_start3A_101 = arith.constant 0 : i32
    %dma_start3A_102 = arith.constant 0 : i32
    %dma_start3A_103 = tpu.memref_slice %arg2[%dma_start3A_101, %dma_start3A_102] : memref<50176x16xf32, #tpu.memory_space<hbm>> -> memref<50176x16xf32, #tpu.memory_space<hbm>>
    tpu.enqueue_indirect_dma source(%dma_start3A_103 : memref<50176x16xf32, #tpu.memory_space<hbm>>) target(%dma_start3A_98 : memref<128x16xf32, #tpu.memory_space<vmem>>) offsets(%dma_start3A_100 : memref<128xi32, #tpu.memory_space<vmem>>) semaphore(%arg12 : memref<!tpu.dma_semaphore, #tpu.memory_space<semaphore_mem>>)
    %dma_start3A_104 = arith.constant 8 : i32
    %dma_start3A_105 = arith.constant 0 : i32
    %dma_start3A_106 = arith.constant 0 : i32
    %dma_start3A_107 = tpu.memref_slice %arg9[%dma_start3A_104, %dma_start3A_105, %dma_start3A_106] : memref<12x128x16xf32, #tpu.memory_space<vmem>> -> memref<1x128x16xf32, #tpu.memory_space<vmem>>
    %dma_start3A_108 = tpu.memref_squeeze %dma_start3A_107 : memref<1x128x16xf32, #tpu.memory_space<vmem>> -> memref<128x16xf32, #tpu.memory_space<vmem>>
    %dma_start3A_109 = arith.constant 1024 : i32
    %dma_start3A_110 = tpu.memref_slice %arg7[%dma_start3A_109] : memref<25088xi32, #tpu.memory_space<vmem>> -> memref<128xi32, #tpu.memory_space<vmem>>
    %dma_start3A_111 = arith.constant 0 : i32
    %dma_start3A_112 = arith.constant 0 : i32
    %dma_start3A_113 = tpu.memref_slice %arg2[%dma_start3A_111, %dma_start3A_112] : memref<50176x16xf32, #tpu.memory_space<hbm>> -> memref<50176x16xf32, #tpu.memory_space<hbm>>
    tpu.enqueue_indirect_dma source(%dma_start3A_113 : memref<50176x16xf32, #tpu.memory_space<hbm>>) target(%dma_start3A_108 : memref<128x16xf32, #tpu.memory_space<vmem>>) offsets(%dma_start3A_110 : memref<128xi32, #tpu.memory_space<vmem>>) semaphore(%arg12 : memref<!tpu.dma_semaphore, #tpu.memory_space<semaphore_mem>>)
    %while3A = arith.constant 0 : i32
    %while3A_114 = arith.constant 0 : i32
    %while3A_115 = arith.subi %add3A_8, %while3A_114 : i32
    %while3A_116 = arith.addi %while3A_114, %while3A_115 : i32
    %while3A_117 = arith.constant 1 : i32
    %while3A_118 = arith.divsi %while3A_115, %while3A_117 : i32
    %while3A_119 = arith.muli %while3A_118, %while3A_117 : i32
    %while3A_120 = arith.addi %while3A_114, %while3A_119 : i32
    %while3A_121 = arith.constant 1 : i32
    scf.for %while3A_230 = %while3A_114 to %while3A_120 step %while3A_121  : i32 {
      %ge3A = arith.constant 3 : i32
      %ge3A_231 = arith.cmpi sge, %while3A_230, %ge3A : i32
      %convert_element_type3A_232 = arith.extui %ge3A_231 : i1 to i32
      %cond3A_233 = arith.constant 0 : i32
      %cond3A_234 = arith.cmpi ne, %convert_element_type3A_232, %cond3A_233 : i32
      scf.if %cond3A_234 {
        %sub3A_293 = arith.constant 3 : i32
        %sub3A_294 = arith.subi %while3A_230, %sub3A_293 : i32
        %sub3A_295 = arith.constant 3 : i32
        %sub3A_296 = arith.subi %while3A_230, %sub3A_295 : i32
        %jit3A_297 = arith.constant 12 : i32
        %eq3A_298 = arith.constant 0 : i32
        %eq3A_299 = arith.cmpi eq, %jit3A_297, %eq3A_298 : i32
        %jit3A_300 = arith.constant 1 : i32
        %select_n3A_301 = arith.select %eq3A_299, %jit3A_300, %jit3A_297 : i32
        %rem3A_302 = arith.remsi %sub3A_296, %select_n3A_301 : i32
        %ne3A_303 = arith.constant 0 : i32
        %ne3A_304 = arith.cmpi ne, %rem3A_302, %ne3A_303 : i32
        %lt3A_305 = arith.constant 0 : i32
        %lt3A_306 = arith.cmpi slt, %rem3A_302, %lt3A_305 : i32
        %lt3A_307 = arith.constant 0 : i32
        %lt3A_308 = arith.cmpi slt, %select_n3A_301, %lt3A_307 : i32
        %ne3A_309 = arith.xori %lt3A_306, %lt3A_308 : i1
        %and3A_310 = arith.andi %ne3A_309, %ne3A_304 : i1
        %add3A_311 = arith.addi %rem3A_302, %select_n3A_301 : i32
        %select_n3A_312 = arith.select %and3A_310, %add3A_311, %rem3A_302 : i32
        %dma_wait3A_313 = arith.constant 0 : i32
        %dma_wait3A_314 = arith.constant 0 : i32
        %dma_wait3A_315 = tpu.memref_slice %arg9[%select_n3A_312, %dma_wait3A_313, %dma_wait3A_314] : memref<12x128x16xf32, #tpu.memory_space<vmem>> -> memref<1x128x16xf32, #tpu.memory_space<vmem>>
        %dma_wait3A_316 = tpu.memref_squeeze %dma_wait3A_315 : memref<1x128x16xf32, #tpu.memory_space<vmem>> -> memref<128x16xf32, #tpu.memory_space<vmem>>
        %dma_wait3A_317 = arith.constant 0 : i32
        %dma_wait3A_318 = tpu.memref_slice %arg8[%sub3A_294, %dma_wait3A_317] : memref<196x128xi32, #tpu.memory_space<vmem>> -> memref<1x128xi32, #tpu.memory_space<vmem>>
        %dma_wait3A_319 = tpu.memref_squeeze %dma_wait3A_318 : memref<1x128xi32, #tpu.memory_space<vmem>> -> memref<128xi32, #tpu.memory_space<vmem>>
        %dma_wait3A_320 = arith.constant 0 : i32
        %dma_wait3A_321 = arith.constant 0 : i32
        %dma_wait3A_322 = tpu.memref_slice %arg11[%dma_wait3A_320, %dma_wait3A_321] : memref<50176x16xf32, #tpu.memory_space<vmem_shared>> -> memref<50176x16xf32, #tpu.memory_space<vmem_shared>>
        tpu.wait_indirect_dma semaphore(%arg13 : memref<!tpu.dma_semaphore, #tpu.memory_space<semaphore_mem>>) src(%dma_wait3A_316 : memref<128x16xf32, #tpu.memory_space<vmem>>) dst(%dma_wait3A_322 : memref<50176x16xf32, #tpu.memory_space<vmem_shared>>)
      } else {
      }
      %add3A_235 = arith.constant 9 : i32
      %add3A_236 = arith.addi %while3A_230, %add3A_235 : i32
      %lt3A_237 = arith.cmpi slt, %add3A_236, %add3A_8 : i32
      %convert_element_type3A_238 = arith.extui %lt3A_237 : i1 to i32
      %cond3A_239 = arith.constant 0 : i32
      %cond3A_240 = arith.cmpi ne, %convert_element_type3A_238, %cond3A_239 : i32
      scf.if %cond3A_240 {
        %add3A_293 = arith.constant 9 : i32
        %add3A_294 = arith.addi %while3A_230, %add3A_293 : i32
        %add3A_295 = arith.constant 9 : i32
        %add3A_296 = arith.addi %while3A_230, %add3A_295 : i32
        %jit3A_297 = arith.constant 12 : i32
        %eq3A_298 = arith.constant 0 : i32
        %eq3A_299 = arith.cmpi eq, %jit3A_297, %eq3A_298 : i32
        %jit3A_300 = arith.constant 1 : i32
        %select_n3A_301 = arith.select %eq3A_299, %jit3A_300, %jit3A_297 : i32
        %rem3A_302 = arith.remsi %add3A_296, %select_n3A_301 : i32
        %ne3A_303 = arith.constant 0 : i32
        %ne3A_304 = arith.cmpi ne, %rem3A_302, %ne3A_303 : i32
        %lt3A_305 = arith.constant 0 : i32
        %lt3A_306 = arith.cmpi slt, %rem3A_302, %lt3A_305 : i32
        %lt3A_307 = arith.constant 0 : i32
        %lt3A_308 = arith.cmpi slt, %select_n3A_301, %lt3A_307 : i32
        %ne3A_309 = arith.xori %lt3A_306, %lt3A_308 : i1
        %and3A_310 = arith.andi %ne3A_309, %ne3A_304 : i1
        %add3A_311 = arith.addi %rem3A_302, %select_n3A_301 : i32
        %select_n3A_312 = arith.select %and3A_310, %add3A_311, %rem3A_302 : i32
        %mul3A_313 = arith.constant 128 : i32
        %mul3A_314 = arith.muli %add3A_294, %mul3A_313 : i32
        %dma_start3A_315 = arith.constant 0 : i32
        %dma_start3A_316 = arith.constant 0 : i32
        %dma_start3A_317 = tpu.memref_slice %arg9[%select_n3A_312, %dma_start3A_315, %dma_start3A_316] : memref<12x128x16xf32, #tpu.memory_space<vmem>> -> memref<1x128x16xf32, #tpu.memory_space<vmem>>
        %dma_start3A_318 = tpu.memref_squeeze %dma_start3A_317 : memref<1x128x16xf32, #tpu.memory_space<vmem>> -> memref<128x16xf32, #tpu.memory_space<vmem>>
        %dma_start3A_319 = tpu.memref_slice %arg7[%mul3A_314] : memref<25088xi32, #tpu.memory_space<vmem>> -> memref<128xi32, #tpu.memory_space<vmem>>
        %dma_start3A_320 = arith.constant 0 : i32
        %dma_start3A_321 = arith.constant 0 : i32
        %dma_start3A_322 = tpu.memref_slice %arg2[%dma_start3A_320, %dma_start3A_321] : memref<50176x16xf32, #tpu.memory_space<hbm>> -> memref<50176x16xf32, #tpu.memory_space<hbm>>
        tpu.enqueue_indirect_dma source(%dma_start3A_322 : memref<50176x16xf32, #tpu.memory_space<hbm>>) target(%dma_start3A_318 : memref<128x16xf32, #tpu.memory_space<vmem>>) offsets(%dma_start3A_319 : memref<128xi32, #tpu.memory_space<vmem>>) semaphore(%arg12 : memref<!tpu.dma_semaphore, #tpu.memory_space<semaphore_mem>>)
      } else {
      }
      %jit3A_241 = arith.constant 12 : i32
      %eq3A_242 = arith.constant 0 : i32
      %eq3A_243 = arith.cmpi eq, %jit3A_241, %eq3A_242 : i32
      %jit3A_244 = arith.constant 1 : i32
      %select_n3A_245 = arith.select %eq3A_243, %jit3A_244, %jit3A_241 : i32
      %rem3A_246 = arith.remsi %while3A_230, %select_n3A_245 : i32
      %ne3A_247 = arith.constant 0 : i32
      %ne3A_248 = arith.cmpi ne, %rem3A_246, %ne3A_247 : i32
      %lt3A_249 = arith.constant 0 : i32
      %lt3A_250 = arith.cmpi slt, %rem3A_246, %lt3A_249 : i32
      %lt3A_251 = arith.constant 0 : i32
      %lt3A_252 = arith.cmpi slt, %select_n3A_245, %lt3A_251 : i32
      %ne3A_253 = arith.xori %lt3A_250, %lt3A_252 : i1
      %and3A_254 = arith.andi %ne3A_253, %ne3A_248 : i1
      %add3A_255 = arith.addi %rem3A_246, %select_n3A_245 : i32
      %select_n3A_256 = arith.select %and3A_254, %add3A_255, %rem3A_246 : i32
      %mul3A_257 = arith.constant 128 : i32
      %mul3A_258 = arith.muli %while3A_230, %mul3A_257 : i32
      %dma_wait3A_259 = arith.constant 0 : i32
      %dma_wait3A_260 = arith.constant 0 : i32
      %dma_wait3A_261 = tpu.memref_slice %arg9[%select_n3A_256, %dma_wait3A_259, %dma_wait3A_260] : memref<12x128x16xf32, #tpu.memory_space<vmem>> -> memref<1x128x16xf32, #tpu.memory_space<vmem>>
      %dma_wait3A_262 = tpu.memref_squeeze %dma_wait3A_261 : memref<1x128x16xf32, #tpu.memory_space<vmem>> -> memref<128x16xf32, #tpu.memory_space<vmem>>
      %dma_wait3A_263 = tpu.memref_slice %arg7[%mul3A_258] : memref<25088xi32, #tpu.memory_space<vmem>> -> memref<128xi32, #tpu.memory_space<vmem>>
      %dma_wait3A_264 = arith.constant 0 : i32
      %dma_wait3A_265 = arith.constant 0 : i32
      %dma_wait3A_266 = tpu.memref_slice %arg2[%dma_wait3A_264, %dma_wait3A_265] : memref<50176x16xf32, #tpu.memory_space<hbm>> -> memref<50176x16xf32, #tpu.memory_space<hbm>>
      tpu.wait_indirect_dma semaphore(%arg12 : memref<!tpu.dma_semaphore, #tpu.memory_space<semaphore_mem>>) src(%dma_wait3A_266 : memref<50176x16xf32, #tpu.memory_space<hbm>>) dst(%dma_wait3A_262 : memref<128x16xf32, #tpu.memory_space<vmem>>)
      %jit3A_267 = arith.constant 12 : i32
      %eq3A_268 = arith.constant 0 : i32
      %eq3A_269 = arith.cmpi eq, %jit3A_267, %eq3A_268 : i32
      %jit3A_270 = arith.constant 1 : i32
      %select_n3A_271 = arith.select %eq3A_269, %jit3A_270, %jit3A_267 : i32
      %rem3A_272 = arith.remsi %while3A_230, %select_n3A_271 : i32
      %ne3A_273 = arith.constant 0 : i32
      %ne3A_274 = arith.cmpi ne, %rem3A_272, %ne3A_273 : i32
      %lt3A_275 = arith.constant 0 : i32
      %lt3A_276 = arith.cmpi slt, %rem3A_272, %lt3A_275 : i32
      %lt3A_277 = arith.constant 0 : i32
      %lt3A_278 = arith.cmpi slt, %select_n3A_271, %lt3A_277 : i32
      %ne3A_279 = arith.xori %lt3A_276, %lt3A_278 : i1
      %and3A_280 = arith.andi %ne3A_279, %ne3A_274 : i1
      %add3A_281 = arith.addi %rem3A_272, %select_n3A_271 : i32
      %select_n3A_282 = arith.select %and3A_280, %add3A_281, %rem3A_272 : i32
      %dma_start3A_283 = arith.constant 0 : i32
      %dma_start3A_284 = arith.constant 0 : i32
      %dma_start3A_285 = tpu.memref_slice %arg9[%select_n3A_282, %dma_start3A_283, %dma_start3A_284] : memref<12x128x16xf32, #tpu.memory_space<vmem>> -> memref<1x128x16xf32, #tpu.memory_space<vmem>>
      %dma_start3A_286 = tpu.memref_squeeze %dma_start3A_285 : memref<1x128x16xf32, #tpu.memory_space<vmem>> -> memref<128x16xf32, #tpu.memory_space<vmem>>
      %dma_start3A_287 = arith.constant 0 : i32
      %dma_start3A_288 = tpu.memref_slice %arg8[%while3A_230, %dma_start3A_287] : memref<196x128xi32, #tpu.memory_space<vmem>> -> memref<1x128xi32, #tpu.memory_space<vmem>>
      %dma_start3A_289 = tpu.memref_squeeze %dma_start3A_288 : memref<1x128xi32, #tpu.memory_space<vmem>> -> memref<128xi32, #tpu.memory_space<vmem>>
      %dma_start3A_290 = arith.constant 0 : i32
      %dma_start3A_291 = arith.constant 0 : i32
      %dma_start3A_292 = tpu.memref_slice %arg11[%dma_start3A_290, %dma_start3A_291] : memref<50176x16xf32, #tpu.memory_space<vmem_shared>> -> memref<50176x16xf32, #tpu.memory_space<vmem_shared>>
      tpu.enqueue_indirect_dma source(%dma_start3A_286 : memref<128x16xf32, #tpu.memory_space<vmem>>) target(%dma_start3A_292 : memref<50176x16xf32, #tpu.memory_space<vmem_shared>>) offsets(%dma_start3A_289 : memref<128xi32, #tpu.memory_space<vmem>>) semaphore(%arg13 : memref<!tpu.dma_semaphore, #tpu.memory_space<semaphore_mem>>) {add = true}
    }
    %while3A_122 = arith.constant 1 : i32
    scf.for %while3A_230 = %while3A_120 to %while3A_116 step %while3A_122  : i32 {
      %ge3A = arith.constant 3 : i32
      %ge3A_231 = arith.cmpi sge, %while3A_230, %ge3A : i32
      %convert_element_type3A_232 = arith.extui %ge3A_231 : i1 to i32
      %cond3A_233 = arith.constant 0 : i32
      %cond3A_234 = arith.cmpi ne, %convert_element_type3A_232, %cond3A_233 : i32
      scf.if %cond3A_234 {
        %sub3A_293 = arith.constant 3 : i32
        %sub3A_294 = arith.subi %while3A_230, %sub3A_293 : i32
        %sub3A_295 = arith.constant 3 : i32
        %sub3A_296 = arith.subi %while3A_230, %sub3A_295 : i32
        %jit3A_297 = arith.constant 12 : i32
        %eq3A_298 = arith.constant 0 : i32
        %eq3A_299 = arith.cmpi eq, %jit3A_297, %eq3A_298 : i32
        %jit3A_300 = arith.constant 1 : i32
        %select_n3A_301 = arith.select %eq3A_299, %jit3A_300, %jit3A_297 : i32
        %rem3A_302 = arith.remsi %sub3A_296, %select_n3A_301 : i32
        %ne3A_303 = arith.constant 0 : i32
        %ne3A_304 = arith.cmpi ne, %rem3A_302, %ne3A_303 : i32
        %lt3A_305 = arith.constant 0 : i32
        %lt3A_306 = arith.cmpi slt, %rem3A_302, %lt3A_305 : i32
        %lt3A_307 = arith.constant 0 : i32
        %lt3A_308 = arith.cmpi slt, %select_n3A_301, %lt3A_307 : i32
        %ne3A_309 = arith.xori %lt3A_306, %lt3A_308 : i1
        %and3A_310 = arith.andi %ne3A_309, %ne3A_304 : i1
        %add3A_311 = arith.addi %rem3A_302, %select_n3A_301 : i32
        %select_n3A_312 = arith.select %and3A_310, %add3A_311, %rem3A_302 : i32
        %dma_wait3A_313 = arith.constant 0 : i32
        %dma_wait3A_314 = arith.constant 0 : i32
        %dma_wait3A_315 = tpu.memref_slice %arg9[%select_n3A_312, %dma_wait3A_313, %dma_wait3A_314] : memref<12x128x16xf32, #tpu.memory_space<vmem>> -> memref<1x128x16xf32, #tpu.memory_space<vmem>>
        %dma_wait3A_316 = tpu.memref_squeeze %dma_wait3A_315 : memref<1x128x16xf32, #tpu.memory_space<vmem>> -> memref<128x16xf32, #tpu.memory_space<vmem>>
        %dma_wait3A_317 = arith.constant 0 : i32
        %dma_wait3A_318 = tpu.memref_slice %arg8[%sub3A_294, %dma_wait3A_317] : memref<196x128xi32, #tpu.memory_space<vmem>> -> memref<1x128xi32, #tpu.memory_space<vmem>>
        %dma_wait3A_319 = tpu.memref_squeeze %dma_wait3A_318 : memref<1x128xi32, #tpu.memory_space<vmem>> -> memref<128xi32, #tpu.memory_space<vmem>>
        %dma_wait3A_320 = arith.constant 0 : i32
        %dma_wait3A_321 = arith.constant 0 : i32
        %dma_wait3A_322 = tpu.memref_slice %arg11[%dma_wait3A_320, %dma_wait3A_321] : memref<50176x16xf32, #tpu.memory_space<vmem_shared>> -> memref<50176x16xf32, #tpu.memory_space<vmem_shared>>
        tpu.wait_indirect_dma semaphore(%arg13 : memref<!tpu.dma_semaphore, #tpu.memory_space<semaphore_mem>>) src(%dma_wait3A_316 : memref<128x16xf32, #tpu.memory_space<vmem>>) dst(%dma_wait3A_322 : memref<50176x16xf32, #tpu.memory_space<vmem_shared>>)
      } else {
      }
      %add3A_235 = arith.constant 9 : i32
      %add3A_236 = arith.addi %while3A_230, %add3A_235 : i32
      %lt3A_237 = arith.cmpi slt, %add3A_236, %add3A_8 : i32
      %convert_element_type3A_238 = arith.extui %lt3A_237 : i1 to i32
      %cond3A_239 = arith.constant 0 : i32
      %cond3A_240 = arith.cmpi ne, %convert_element_type3A_238, %cond3A_239 : i32
      scf.if %cond3A_240 {
        %add3A_293 = arith.constant 9 : i32
        %add3A_294 = arith.addi %while3A_230, %add3A_293 : i32
        %add3A_295 = arith.constant 9 : i32
        %add3A_296 = arith.addi %while3A_230, %add3A_295 : i32
        %jit3A_297 = arith.constant 12 : i32
        %eq3A_298 = arith.constant 0 : i32
        %eq3A_299 = arith.cmpi eq, %jit3A_297, %eq3A_298 : i32
        %jit3A_300 = arith.constant 1 : i32
        %select_n3A_301 = arith.select %eq3A_299, %jit3A_300, %jit3A_297 : i32
        %rem3A_302 = arith.remsi %add3A_296, %select_n3A_301 : i32
        %ne3A_303 = arith.constant 0 : i32
        %ne3A_304 = arith.cmpi ne, %rem3A_302, %ne3A_303 : i32
        %lt3A_305 = arith.constant 0 : i32
        %lt3A_306 = arith.cmpi slt, %rem3A_302, %lt3A_305 : i32
        %lt3A_307 = arith.constant 0 : i32
        %lt3A_308 = arith.cmpi slt, %select_n3A_301, %lt3A_307 : i32
        %ne3A_309 = arith.xori %lt3A_306, %lt3A_308 : i1
        %and3A_310 = arith.andi %ne3A_309, %ne3A_304 : i1
        %add3A_311 = arith.addi %rem3A_302, %select_n3A_301 : i32
        %select_n3A_312 = arith.select %and3A_310, %add3A_311, %rem3A_302 : i32
        %mul3A_313 = arith.constant 128 : i32
        %mul3A_314 = arith.muli %add3A_294, %mul3A_313 : i32
        %dma_start3A_315 = arith.constant 0 : i32
        %dma_start3A_316 = arith.constant 0 : i32
        %dma_start3A_317 = tpu.memref_slice %arg9[%select_n3A_312, %dma_start3A_315, %dma_start3A_316] : memref<12x128x16xf32, #tpu.memory_space<vmem>> -> memref<1x128x16xf32, #tpu.memory_space<vmem>>
        %dma_start3A_318 = tpu.memref_squeeze %dma_start3A_317 : memref<1x128x16xf32, #tpu.memory_space<vmem>> -> memref<128x16xf32, #tpu.memory_space<vmem>>
        %dma_start3A_319 = tpu.memref_slice %arg7[%mul3A_314] : memref<25088xi32, #tpu.memory_space<vmem>> -> memref<128xi32, #tpu.memory_space<vmem>>
        %dma_start3A_320 = arith.constant 0 : i32
        %dma_start3A_321 = arith.constant 0 : i32
        %dma_start3A_322 = tpu.memref_slice %arg2[%dma_start3A_320, %dma_start3A_321] : memref<50176x16xf32, #tpu.memory_space<hbm>> -> memref<50176x16xf32, #tpu.memory_space<hbm>>
        tpu.enqueue_indirect_dma source(%dma_start3A_322 : memref<50176x16xf32, #tpu.memory_space<hbm>>) target(%dma_start3A_318 : memref<128x16xf32, #tpu.memory_space<vmem>>) offsets(%dma_start3A_319 : memref<128xi32, #tpu.memory_space<vmem>>) semaphore(%arg12 : memref<!tpu.dma_semaphore, #tpu.memory_space<semaphore_mem>>)
      } else {
      }
      %jit3A_241 = arith.constant 12 : i32
      %eq3A_242 = arith.constant 0 : i32
      %eq3A_243 = arith.cmpi eq, %jit3A_241, %eq3A_242 : i32
      %jit3A_244 = arith.constant 1 : i32
      %select_n3A_245 = arith.select %eq3A_243, %jit3A_244, %jit3A_241 : i32
      %rem3A_246 = arith.remsi %while3A_230, %select_n3A_245 : i32
      %ne3A_247 = arith.constant 0 : i32
      %ne3A_248 = arith.cmpi ne, %rem3A_246, %ne3A_247 : i32
      %lt3A_249 = arith.constant 0 : i32
      %lt3A_250 = arith.cmpi slt, %rem3A_246, %lt3A_249 : i32
      %lt3A_251 = arith.constant 0 : i32
      %lt3A_252 = arith.cmpi slt, %select_n3A_245, %lt3A_251 : i32
      %ne3A_253 = arith.xori %lt3A_250, %lt3A_252 : i1
      %and3A_254 = arith.andi %ne3A_253, %ne3A_248 : i1
      %add3A_255 = arith.addi %rem3A_246, %select_n3A_245 : i32
      %select_n3A_256 = arith.select %and3A_254, %add3A_255, %rem3A_246 : i32
      %mul3A_257 = arith.constant 128 : i32
      %mul3A_258 = arith.muli %while3A_230, %mul3A_257 : i32
      %dma_wait3A_259 = arith.constant 0 : i32
      %dma_wait3A_260 = arith.constant 0 : i32
      %dma_wait3A_261 = tpu.memref_slice %arg9[%select_n3A_256, %dma_wait3A_259, %dma_wait3A_260] : memref<12x128x16xf32, #tpu.memory_space<vmem>> -> memref<1x128x16xf32, #tpu.memory_space<vmem>>
      %dma_wait3A_262 = tpu.memref_squeeze %dma_wait3A_261 : memref<1x128x16xf32, #tpu.memory_space<vmem>> -> memref<128x16xf32, #tpu.memory_space<vmem>>
      %dma_wait3A_263 = tpu.memref_slice %arg7[%mul3A_258] : memref<25088xi32, #tpu.memory_space<vmem>> -> memref<128xi32, #tpu.memory_space<vmem>>
      %dma_wait3A_264 = arith.constant 0 : i32
      %dma_wait3A_265 = arith.constant 0 : i32
      %dma_wait3A_266 = tpu.memref_slice %arg2[%dma_wait3A_264, %dma_wait3A_265] : memref<50176x16xf32, #tpu.memory_space<hbm>> -> memref<50176x16xf32, #tpu.memory_space<hbm>>
      tpu.wait_indirect_dma semaphore(%arg12 : memref<!tpu.dma_semaphore, #tpu.memory_space<semaphore_mem>>) src(%dma_wait3A_266 : memref<50176x16xf32, #tpu.memory_space<hbm>>) dst(%dma_wait3A_262 : memref<128x16xf32, #tpu.memory_space<vmem>>)
      %jit3A_267 = arith.constant 12 : i32
      %eq3A_268 = arith.constant 0 : i32
      %eq3A_269 = arith.cmpi eq, %jit3A_267, %eq3A_268 : i32
      %jit3A_270 = arith.constant 1 : i32
      %select_n3A_271 = arith.select %eq3A_269, %jit3A_270, %jit3A_267 : i32
      %rem3A_272 = arith.remsi %while3A_230, %select_n3A_271 : i32
      %ne3A_273 = arith.constant 0 : i32
      %ne3A_274 = arith.cmpi ne, %rem3A_272, %ne3A_273 : i32
      %lt3A_275 = arith.constant 0 : i32
      %lt3A_276 = arith.cmpi slt, %rem3A_272, %lt3A_275 : i32
      %lt3A_277 = arith.constant 0 : i32
      %lt3A_278 = arith.cmpi slt, %select_n3A_271, %lt3A_277 : i32
      %ne3A_279 = arith.xori %lt3A_276, %lt3A_278 : i1
      %and3A_280 = arith.andi %ne3A_279, %ne3A_274 : i1
      %add3A_281 = arith.addi %rem3A_272, %select_n3A_271 : i32
      %select_n3A_282 = arith.select %and3A_280, %add3A_281, %rem3A_272 : i32
      %dma_start3A_283 = arith.constant 0 : i32
      %dma_start3A_284 = arith.constant 0 : i32
      %dma_start3A_285 = tpu.memref_slice %arg9[%select_n3A_282, %dma_start3A_283, %dma_start3A_284] : memref<12x128x16xf32, #tpu.memory_space<vmem>> -> memref<1x128x16xf32, #tpu.memory_space<vmem>>
      %dma_start3A_286 = tpu.memref_squeeze %dma_start3A_285 : memref<1x128x16xf32, #tpu.memory_space<vmem>> -> memref<128x16xf32, #tpu.memory_space<vmem>>
      %dma_start3A_287 = arith.constant 0 : i32
      %dma_start3A_288 = tpu.memref_slice %arg8[%while3A_230, %dma_start3A_287] : memref<196x128xi32, #tpu.memory_space<vmem>> -> memref<1x128xi32, #tpu.memory_space<vmem>>
      %dma_start3A_289 = tpu.memref_squeeze %dma_start3A_288 : memref<1x128xi32, #tpu.memory_space<vmem>> -> memref<128xi32, #tpu.memory_space<vmem>>
      %dma_start3A_290 = arith.constant 0 : i32
      %dma_start3A_291 = arith.constant 0 : i32
      %dma_start3A_292 = tpu.memref_slice %arg11[%dma_start3A_290, %dma_start3A_291] : memref<50176x16xf32, #tpu.memory_space<vmem_shared>> -> memref<50176x16xf32, #tpu.memory_space<vmem_shared>>
      tpu.enqueue_indirect_dma source(%dma_start3A_286 : memref<128x16xf32, #tpu.memory_space<vmem>>) target(%dma_start3A_292 : memref<50176x16xf32, #tpu.memory_space<vmem_shared>>) offsets(%dma_start3A_289 : memref<128xi32, #tpu.memory_space<vmem>>) semaphore(%arg13 : memref<!tpu.dma_semaphore, #tpu.memory_space<semaphore_mem>>) {add = true}
    }
    %sub3A = arith.constant 3 : i32
    %sub3A_123 = arith.subi %add3A_8, %sub3A : i32
    %add3A_124 = arith.constant 0 : i32
    %add3A_125 = arith.addi %sub3A_123, %add3A_124 : i32
    %sub3A_126 = arith.constant 3 : i32
    %sub3A_127 = arith.subi %add3A_8, %sub3A_126 : i32
    %add3A_128 = arith.constant 0 : i32
    %add3A_129 = arith.addi %sub3A_127, %add3A_128 : i32
    %jit3A_130 = arith.constant 12 : i32
    %eq3A = arith.constant 0 : i32
    %eq3A_131 = arith.cmpi eq, %jit3A_130, %eq3A : i32
    %jit3A_132 = arith.constant 1 : i32
    %select_n3A_133 = arith.select %eq3A_131, %jit3A_132, %jit3A_130 : i32
    %rem3A = arith.remsi %add3A_129, %select_n3A_133 : i32
    %ne3A = arith.constant 0 : i32
    %ne3A_134 = arith.cmpi ne, %rem3A, %ne3A : i32
    %lt3A_135 = arith.constant 0 : i32
    %lt3A_136 = arith.cmpi slt, %rem3A, %lt3A_135 : i32
    %lt3A_137 = arith.constant 0 : i32
    %lt3A_138 = arith.cmpi slt, %select_n3A_133, %lt3A_137 : i32
    %ne3A_139 = arith.xori %lt3A_136, %lt3A_138 : i1
    %and3A = arith.andi %ne3A_139, %ne3A_134 : i1
    %add3A_140 = arith.addi %rem3A, %select_n3A_133 : i32
    %select_n3A_141 = arith.select %and3A, %add3A_140, %rem3A : i32
    %dma_wait3A = arith.constant 0 : i32
    %dma_wait3A_142 = arith.constant 0 : i32
    %dma_wait3A_143 = tpu.memref_slice %arg9[%select_n3A_141, %dma_wait3A, %dma_wait3A_142] : memref<12x128x16xf32, #tpu.memory_space<vmem>> -> memref<1x128x16xf32, #tpu.memory_space<vmem>>
    %dma_wait3A_144 = tpu.memref_squeeze %dma_wait3A_143 : memref<1x128x16xf32, #tpu.memory_space<vmem>> -> memref<128x16xf32, #tpu.memory_space<vmem>>
    %dma_wait3A_145 = arith.constant 0 : i32
    %dma_wait3A_146 = tpu.memref_slice %arg8[%add3A_125, %dma_wait3A_145] : memref<196x128xi32, #tpu.memory_space<vmem>> -> memref<1x128xi32, #tpu.memory_space<vmem>>
    %dma_wait3A_147 = tpu.memref_squeeze %dma_wait3A_146 : memref<1x128xi32, #tpu.memory_space<vmem>> -> memref<128xi32, #tpu.memory_space<vmem>>
    %dma_wait3A_148 = arith.constant 0 : i32
    %dma_wait3A_149 = arith.constant 0 : i32
    %dma_wait3A_150 = tpu.memref_slice %arg11[%dma_wait3A_148, %dma_wait3A_149] : memref<50176x16xf32, #tpu.memory_space<vmem_shared>> -> memref<50176x16xf32, #tpu.memory_space<vmem_shared>>
    tpu.wait_indirect_dma semaphore(%arg13 : memref<!tpu.dma_semaphore, #tpu.memory_space<semaphore_mem>>) src(%dma_wait3A_144 : memref<128x16xf32, #tpu.memory_space<vmem>>) dst(%dma_wait3A_150 : memref<50176x16xf32, #tpu.memory_space<vmem_shared>>)
    %sub3A_151 = arith.constant 3 : i32
    %sub3A_152 = arith.subi %add3A_8, %sub3A_151 : i32
    %add3A_153 = arith.constant 1 : i32
    %add3A_154 = arith.addi %sub3A_152, %add3A_153 : i32
    %sub3A_155 = arith.constant 3 : i32
    %sub3A_156 = arith.subi %add3A_8, %sub3A_155 : i32
    %add3A_157 = arith.constant 1 : i32
    %add3A_158 = arith.addi %sub3A_156, %add3A_157 : i32
    %jit3A_159 = arith.constant 12 : i32
    %eq3A_160 = arith.constant 0 : i32
    %eq3A_161 = arith.cmpi eq, %jit3A_159, %eq3A_160 : i32
    %jit3A_162 = arith.constant 1 : i32
    %select_n3A_163 = arith.select %eq3A_161, %jit3A_162, %jit3A_159 : i32
    %rem3A_164 = arith.remsi %add3A_158, %select_n3A_163 : i32
    %ne3A_165 = arith.constant 0 : i32
    %ne3A_166 = arith.cmpi ne, %rem3A_164, %ne3A_165 : i32
    %lt3A_167 = arith.constant 0 : i32
    %lt3A_168 = arith.cmpi slt, %rem3A_164, %lt3A_167 : i32
    %lt3A_169 = arith.constant 0 : i32
    %lt3A_170 = arith.cmpi slt, %select_n3A_163, %lt3A_169 : i32
    %ne3A_171 = arith.xori %lt3A_168, %lt3A_170 : i1
    %and3A_172 = arith.andi %ne3A_171, %ne3A_166 : i1
    %add3A_173 = arith.addi %rem3A_164, %select_n3A_163 : i32
    %select_n3A_174 = arith.select %and3A_172, %add3A_173, %rem3A_164 : i32
    %dma_wait3A_175 = arith.constant 0 : i32
    %dma_wait3A_176 = arith.constant 0 : i32
    %dma_wait3A_177 = tpu.memref_slice %arg9[%select_n3A_174, %dma_wait3A_175, %dma_wait3A_176] : memref<12x128x16xf32, #tpu.memory_space<vmem>> -> memref<1x128x16xf32, #tpu.memory_space<vmem>>
    %dma_wait3A_178 = tpu.memref_squeeze %dma_wait3A_177 : memref<1x128x16xf32, #tpu.memory_space<vmem>> -> memref<128x16xf32, #tpu.memory_space<vmem>>
    %dma_wait3A_179 = arith.constant 0 : i32
    %dma_wait3A_180 = tpu.memref_slice %arg8[%add3A_154, %dma_wait3A_179] : memref<196x128xi32, #tpu.memory_space<vmem>> -> memref<1x128xi32, #tpu.memory_space<vmem>>
    %dma_wait3A_181 = tpu.memref_squeeze %dma_wait3A_180 : memref<1x128xi32, #tpu.memory_space<vmem>> -> memref<128xi32, #tpu.memory_space<vmem>>
    %dma_wait3A_182 = arith.constant 0 : i32
    %dma_wait3A_183 = arith.constant 0 : i32
    %dma_wait3A_184 = tpu.memref_slice %arg11[%dma_wait3A_182, %dma_wait3A_183] : memref<50176x16xf32, #tpu.memory_space<vmem_shared>> -> memref<50176x16xf32, #tpu.memory_space<vmem_shared>>
    tpu.wait_indirect_dma semaphore(%arg13 : memref<!tpu.dma_semaphore, #tpu.memory_space<semaphore_mem>>) src(%dma_wait3A_178 : memref<128x16xf32, #tpu.memory_space<vmem>>) dst(%dma_wait3A_184 : memref<50176x16xf32, #tpu.memory_space<vmem_shared>>)
    %sub3A_185 = arith.constant 3 : i32
    %sub3A_186 = arith.subi %add3A_8, %sub3A_185 : i32
    %add3A_187 = arith.constant 2 : i32
    %add3A_188 = arith.addi %sub3A_186, %add3A_187 : i32
    %sub3A_189 = arith.constant 3 : i32
    %sub3A_190 = arith.subi %add3A_8, %sub3A_189 : i32
    %add3A_191 = arith.constant 2 : i32
    %add3A_192 = arith.addi %sub3A_190, %add3A_191 : i32
    %jit3A_193 = arith.constant 12 : i32
    %eq3A_194 = arith.constant 0 : i32
    %eq3A_195 = arith.cmpi eq, %jit3A_193, %eq3A_194 : i32
    %jit3A_196 = arith.constant 1 : i32
    %select_n3A_197 = arith.select %eq3A_195, %jit3A_196, %jit3A_193 : i32
    %rem3A_198 = arith.remsi %add3A_192, %select_n3A_197 : i32
    %ne3A_199 = arith.constant 0 : i32
    %ne3A_200 = arith.cmpi ne, %rem3A_198, %ne3A_199 : i32
    %lt3A_201 = arith.constant 0 : i32
    %lt3A_202 = arith.cmpi slt, %rem3A_198, %lt3A_201 : i32
    %lt3A_203 = arith.constant 0 : i32
    %lt3A_204 = arith.cmpi slt, %select_n3A_197, %lt3A_203 : i32
    %ne3A_205 = arith.xori %lt3A_202, %lt3A_204 : i1
    %and3A_206 = arith.andi %ne3A_205, %ne3A_200 : i1
    %add3A_207 = arith.addi %rem3A_198, %select_n3A_197 : i32
    %select_n3A_208 = arith.select %and3A_206, %add3A_207, %rem3A_198 : i32
    %dma_wait3A_209 = arith.constant 0 : i32
    %dma_wait3A_210 = arith.constant 0 : i32
    %dma_wait3A_211 = tpu.memref_slice %arg9[%select_n3A_208, %dma_wait3A_209, %dma_wait3A_210] : memref<12x128x16xf32, #tpu.memory_space<vmem>> -> memref<1x128x16xf32, #tpu.memory_space<vmem>>
    %dma_wait3A_212 = tpu.memref_squeeze %dma_wait3A_211 : memref<1x128x16xf32, #tpu.memory_space<vmem>> -> memref<128x16xf32, #tpu.memory_space<vmem>>
    %dma_wait3A_213 = arith.constant 0 : i32
    %dma_wait3A_214 = tpu.memref_slice %arg8[%add3A_188, %dma_wait3A_213] : memref<196x128xi32, #tpu.memory_space<vmem>> -> memref<1x128xi32, #tpu.memory_space<vmem>>
    %dma_wait3A_215 = tpu.memref_squeeze %dma_wait3A_214 : memref<1x128xi32, #tpu.memory_space<vmem>> -> memref<128xi32, #tpu.memory_space<vmem>>
    %dma_wait3A_216 = arith.constant 0 : i32
    %dma_wait3A_217 = arith.constant 0 : i32
    %dma_wait3A_218 = tpu.memref_slice %arg11[%dma_wait3A_216, %dma_wait3A_217] : memref<50176x16xf32, #tpu.memory_space<vmem_shared>> -> memref<50176x16xf32, #tpu.memory_space<vmem_shared>>
    tpu.wait_indirect_dma semaphore(%arg13 : memref<!tpu.dma_semaphore, #tpu.memory_space<semaphore_mem>>) src(%dma_wait3A_212 : memref<128x16xf32, #tpu.memory_space<vmem>>) dst(%dma_wait3A_218 : memref<50176x16xf32, #tpu.memory_space<vmem_shared>>)
    %barrier3A_219 = arith.constant 0 : index
    tpu.barrier barrier_id(%barrier3A_219)
    %eq3A_220 = arith.constant 0 : i32
    %eq3A_221 = arith.cmpi eq, %arg0, %eq3A_220 : i32
    %convert_element_type3A_222 = arith.extui %eq3A_221 : i1 to i32
    %cond3A_223 = arith.constant 0 : i32
    %cond3A_224 = arith.cmpi ne, %convert_element_type3A_222, %cond3A_223 : i32
    scf.if %cond3A_224 {
      %scan3A_230 = arith.constant 0 : i32
      %scan3A_231 = arith.constant 0 : i32
      %scan3A_232 = arith.constant 28 : i32
      %scan3A_233 = arith.addi %scan3A_231, %scan3A_232 : i32
      %scan3A_234 = arith.constant 1 : i32
      scf.for %scan3A_236 = %scan3A_231 to %scan3A_233 step %scan3A_234  : i32 {
        %mul3A_237 = arith.constant 3136 : i32
        %mul3A_238 = arith.muli %arg1, %mul3A_237 : i32
        %mul3A_239 = arith.constant 112 : i32
        %mul3A_240 = arith.muli %scan3A_236, %mul3A_239 : i32
        %add3A_241 = arith.addi %mul3A_238, %mul3A_240 : i32
        "tpu.region"() ({
          %run_scoped3A_247 = tpu.sem_alloc : memref<!tpu.dma_semaphore, #tpu.memory_space<semaphore_mem>>
          %dma_start3A_248 = arith.constant 0 : i32
          %dma_start3A_249 = tpu.memref_slice %arg11[%add3A_241, %dma_start3A_248] : memref<50176x16xf32, #tpu.memory_space<vmem_shared>> -> memref<112x16xf32, #tpu.memory_space<vmem_shared>>
          %dma_start3A_250 = arith.constant 0 : i32
          %dma_start3A_251 = tpu.memref_slice %arg11[%add3A_241, %dma_start3A_250] : memref<50176x16xf32, #tpu.memory_space<vmem_shared>> -> memref<112x16xf32, #tpu.memory_space<vmem_shared>>
          tpu.enqueue_dma source(%dma_start3A_251 : memref<112x16xf32, #tpu.memory_space<vmem_shared>>) target(%arg10 : memref<112x16xf32, #tpu.memory_space<vmem>>) target_semaphore(%run_scoped3A_247 : memref<!tpu.dma_semaphore, #tpu.memory_space<semaphore_mem>>)
          %dma_wait3A_252 = arith.constant 0 : i32
          %dma_wait3A_253 = tpu.memref_slice %arg11[%add3A_241, %dma_wait3A_252] : memref<50176x16xf32, #tpu.memory_space<vmem_shared>> -> memref<112x16xf32, #tpu.memory_space<vmem_shared>>
          %dma_wait3A_254 = arith.constant 0 : i32
          %dma_wait3A_255 = tpu.memref_slice %arg11[%add3A_241, %dma_wait3A_254] : memref<50176x16xf32, #tpu.memory_space<vmem_shared>> -> memref<112x16xf32, #tpu.memory_space<vmem_shared>>
          tpu.wait_dma2 semaphore(%run_scoped3A_247 : memref<!tpu.dma_semaphore, #tpu.memory_space<semaphore_mem>>) src(%dma_wait3A_255 : memref<112x16xf32, #tpu.memory_space<vmem_shared>>) dst(%arg10 : memref<112x16xf32, #tpu.memory_space<vmem>>)
          tpu.yield
        }) : () -> ()
        %mul3A_242 = arith.constant 3136 : i32
        %mul3A_243 = arith.muli %arg1, %mul3A_242 : i32
        %mul3A_244 = arith.constant 112 : i32
        %mul3A_245 = arith.muli %scan3A_236, %mul3A_244 : i32
        %add3A_246 = arith.addi %mul3A_243, %mul3A_245 : i32
        "tpu.region"() ({
          %run_scoped3A_247 = tpu.sem_alloc : memref<!tpu.dma_semaphore, #tpu.memory_space<semaphore_mem>>
          %dma_start3A_248 = arith.constant 0 : i32
          %dma_start3A_249 = tpu.memref_slice %arg5[%add3A_246, %dma_start3A_248] : memref<50176x16xf32, #tpu.memory_space<hbm>> -> memref<112x16xf32, #tpu.memory_space<hbm>>
          %dma_start3A_250 = arith.constant 0 : i32
          %dma_start3A_251 = tpu.memref_slice %arg5[%add3A_246, %dma_start3A_250] : memref<50176x16xf32, #tpu.memory_space<hbm>> -> memref<112x16xf32, #tpu.memory_space<hbm>>
          tpu.enqueue_dma source(%arg10 : memref<112x16xf32, #tpu.memory_space<vmem>>) target(%dma_start3A_251 : memref<112x16xf32, #tpu.memory_space<hbm>>) target_semaphore(%run_scoped3A_247 : memref<!tpu.dma_semaphore, #tpu.memory_space<semaphore_mem>>)
          %dma_wait3A_252 = arith.constant 0 : i32
          %dma_wait3A_253 = tpu.memref_slice %arg5[%add3A_246, %dma_wait3A_252] : memref<50176x16xf32, #tpu.memory_space<hbm>> -> memref<112x16xf32, #tpu.memory_space<hbm>>
          %dma_wait3A_254 = arith.constant 0 : i32
          %dma_wait3A_255 = tpu.memref_slice %arg5[%add3A_246, %dma_wait3A_254] : memref<50176x16xf32, #tpu.memory_space<hbm>> -> memref<112x16xf32, #tpu.memory_space<hbm>>
          tpu.wait_dma2 semaphore(%run_scoped3A_247 : memref<!tpu.dma_semaphore, #tpu.memory_space<semaphore_mem>>) src(%arg10 : memref<112x16xf32, #tpu.memory_space<vmem>>) dst(%dma_wait3A_255 : memref<112x16xf32, #tpu.memory_space<hbm>>)
          tpu.yield
        }) : () -> ()
      }
      %scan3A_235 = arith.constant 28 : i32
    } else {
    }
    %eq3A_225 = arith.constant 1 : i32
    %eq3A_226 = arith.cmpi eq, %arg0, %eq3A_225 : i32
    %convert_element_type3A_227 = arith.extui %eq3A_226 : i1 to i32
    %cond3A_228 = arith.constant 0 : i32
    %cond3A_229 = arith.cmpi ne, %convert_element_type3A_227, %cond3A_228 : i32
    scf.if %cond3A_229 {
      %scan3A_230 = arith.constant 0 : i32
      %scan3A_231 = arith.constant 0 : i32
      %scan3A_232 = arith.constant 28 : i32
      %scan3A_233 = arith.addi %scan3A_231, %scan3A_232 : i32
      %scan3A_234 = arith.constant 1 : i32
      scf.for %scan3A_236 = %scan3A_231 to %scan3A_233 step %scan3A_234  : i32 {
        %mul3A_237 = arith.constant 3136 : i32
        %mul3A_238 = arith.muli %arg1, %mul3A_237 : i32
        %mul3A_239 = arith.constant 112 : i32
        %mul3A_240 = arith.muli %scan3A_236, %mul3A_239 : i32
        %add3A_241 = arith.addi %mul3A_238, %mul3A_240 : i32
        "tpu.region"() ({
          %run_scoped3A_247 = tpu.sem_alloc : memref<!tpu.dma_semaphore, #tpu.memory_space<semaphore_mem>>
          %dma_start3A_248 = arith.constant 0 : i32
          %dma_start3A_249 = tpu.memref_slice %arg11[%add3A_241, %dma_start3A_248] : memref<50176x16xf32, #tpu.memory_space<vmem_shared>> -> memref<112x16xf32, #tpu.memory_space<vmem_shared>>
          %dma_start3A_250 = arith.constant 0 : i32
          %dma_start3A_251 = tpu.memref_slice %arg11[%add3A_241, %dma_start3A_250] : memref<50176x16xf32, #tpu.memory_space<vmem_shared>> -> memref<112x16xf32, #tpu.memory_space<vmem_shared>>
          tpu.enqueue_dma source(%dma_start3A_251 : memref<112x16xf32, #tpu.memory_space<vmem_shared>>) target(%arg10 : memref<112x16xf32, #tpu.memory_space<vmem>>) target_semaphore(%run_scoped3A_247 : memref<!tpu.dma_semaphore, #tpu.memory_space<semaphore_mem>>)
          %dma_wait3A_252 = arith.constant 0 : i32
          %dma_wait3A_253 = tpu.memref_slice %arg11[%add3A_241, %dma_wait3A_252] : memref<50176x16xf32, #tpu.memory_space<vmem_shared>> -> memref<112x16xf32, #tpu.memory_space<vmem_shared>>
          %dma_wait3A_254 = arith.constant 0 : i32
          %dma_wait3A_255 = tpu.memref_slice %arg11[%add3A_241, %dma_wait3A_254] : memref<50176x16xf32, #tpu.memory_space<vmem_shared>> -> memref<112x16xf32, #tpu.memory_space<vmem_shared>>
          tpu.wait_dma2 semaphore(%run_scoped3A_247 : memref<!tpu.dma_semaphore, #tpu.memory_space<semaphore_mem>>) src(%dma_wait3A_255 : memref<112x16xf32, #tpu.memory_space<vmem_shared>>) dst(%arg10 : memref<112x16xf32, #tpu.memory_space<vmem>>)
          tpu.yield
        }) : () -> ()
        %mul3A_242 = arith.constant 3136 : i32
        %mul3A_243 = arith.muli %arg1, %mul3A_242 : i32
        %mul3A_244 = arith.constant 112 : i32
        %mul3A_245 = arith.muli %scan3A_236, %mul3A_244 : i32
        %add3A_246 = arith.addi %mul3A_243, %mul3A_245 : i32
        "tpu.region"() ({
          %run_scoped3A_247 = tpu.sem_alloc : memref<!tpu.dma_semaphore, #tpu.memory_space<semaphore_mem>>
          %dma_start3A_248 = arith.constant 0 : i32
          %dma_start3A_249 = tpu.memref_slice %arg6[%add3A_246, %dma_start3A_248] : memref<50176x16xf32, #tpu.memory_space<hbm>> -> memref<112x16xf32, #tpu.memory_space<hbm>>
          %dma_start3A_250 = arith.constant 0 : i32
          %dma_start3A_251 = tpu.memref_slice %arg6[%add3A_246, %dma_start3A_250] : memref<50176x16xf32, #tpu.memory_space<hbm>> -> memref<112x16xf32, #tpu.memory_space<hbm>>
          tpu.enqueue_dma source(%arg10 : memref<112x16xf32, #tpu.memory_space<vmem>>) target(%dma_start3A_251 : memref<112x16xf32, #tpu.memory_space<hbm>>) target_semaphore(%run_scoped3A_247 : memref<!tpu.dma_semaphore, #tpu.memory_space<semaphore_mem>>)
          %dma_wait3A_252 = arith.constant 0 : i32
          %dma_wait3A_253 = tpu.memref_slice %arg6[%add3A_246, %dma_wait3A_252] : memref<50176x16xf32, #tpu.memory_space<hbm>> -> memref<112x16xf32, #tpu.memory_space<hbm>>
          %dma_wait3A_254 = arith.constant 0 : i32
          %dma_wait3A_255 = tpu.memref_slice %arg6[%add3A_246, %dma_wait3A_254] : memref<50176x16xf32, #tpu.memory_space<hbm>> -> memref<112x16xf32, #tpu.memory_space<hbm>>
          tpu.wait_dma2 semaphore(%run_scoped3A_247 : memref<!tpu.dma_semaphore, #tpu.memory_space<semaphore_mem>>) src(%arg10 : memref<112x16xf32, #tpu.memory_space<vmem>>) dst(%dma_wait3A_255 : memref<112x16xf32, #tpu.memory_space<hbm>>)
          tpu.yield
        }) : () -> ()
      }
      %scan3A_235 = arith.constant 28 : i32
    } else {
    }
    return
  }
}

module attributes {stable_mosaic.version = 14 : i64} {
  func.func @_tc_m_body(%arg0: i32, %arg1: memref<784x512xf32, #tpu.memory_space<vmem>>, %arg2: memref<3x512x128xf32, #tpu.memory_space<vmem>>, %arg3: memref<784x128xf32, #tpu.memory_space<vmem>>, %arg4: memref<784x128xf32, #tpu.memory_space<vmem>>, %arg5: memref<784x128xf32, #tpu.memory_space<vmem>>) attributes {dimension_semantics = [#tpu.dimension_semantics<arbitrary>], iteration_bounds = array<i64: 8>, scalar_prefetch = 0 : i64, scratch_operands = 0 : i64, tpu.core_type = #tpu.core_type<tc>, window_params = [{transform_indices = @transform_0, window_bounds = array<i64: 784, 512>}, {pipeline_mode = #tpu.pipeline_mode<synchronous>, transform_indices = @transform_1, window_bounds = array<i64: 3, 512, 128>}, {transform_indices = @transform_2, window_bounds = array<i64: 784, 128>}, {transform_indices = @transform_3, window_bounds = array<i64: 784, 128>}, {transform_indices = @transform_4, window_bounds = array<i64: 784, 128>}]} {
    %get3A = arith.constant 0 : index
    %get3A_0 = arith.constant 0 : index
    %get3A_1 = vector.load %arg1[%get3A, %get3A_0] : memref<784x512xf32, #tpu.memory_space<vmem>>, vector<784x512xf32>
    %get3A_2 = arith.constant 0 : index
    %get3A_3 = arith.constant 0 : index
    %get3A_4 = arith.constant 0 : index
    %get3A_5 = vector.load %arg2[%get3A_2, %get3A_3, %get3A_4] : memref<3x512x128xf32, #tpu.memory_space<vmem>>, vector<3x512x128xf32>
    %slice3A = vector.extract_strided_slice %get3A_5 {offsets = [0, 0, 0], sizes = [1, 512, 128], strides = [1, 1, 1]} : vector<3x512x128xf32> to vector<1x512x128xf32>
    %squeeze3A = vector.shape_cast %slice3A : vector<1x512x128xf32> to vector<512x128xf32>
    %dot_general3A = arith.constant dense<0.000000e+00> : vector<784x128xf32>
    %dot_general3A_6 = tpu.matmul %get3A_1, %squeeze3A, %dot_general3A {dimension_numbers = #tpu.dot_dimension_numbers<[1], [0], [0], [1], [0, 0, 1, 1], [], []>, transpose_lhs_hint = false} : vector<784x512xf32>, vector<512x128xf32>, vector<784x128xf32> -> vector<784x128xf32>
    %swap3A = arith.constant 0 : index
    %swap3A_7 = arith.constant 0 : index
    %swap3A_8 = vector.load %arg3[%swap3A, %swap3A_7] : memref<784x128xf32, #tpu.memory_space<vmem>>, vector<784x128xf32>
    tpu.vector_store %arg3[%swap3A, %swap3A_7], %dot_general3A_6 {strides = array<i32>} : memref<784x128xf32, #tpu.memory_space<vmem>>, vector<784x128xf32>,
    %slice3A_9 = vector.extract_strided_slice %get3A_5 {offsets = [1, 0, 0], sizes = [1, 512, 128], strides = [1, 1, 1]} : vector<3x512x128xf32> to vector<1x512x128xf32>
    %squeeze3A_10 = vector.shape_cast %slice3A_9 : vector<1x512x128xf32> to vector<512x128xf32>
    %dot_general3A_11 = arith.constant dense<0.000000e+00> : vector<784x128xf32>
    %dot_general3A_12 = tpu.matmul %get3A_1, %squeeze3A_10, %dot_general3A_11 {dimension_numbers = #tpu.dot_dimension_numbers<[1], [0], [0], [1], [0, 0, 1, 1], [], []>, transpose_lhs_hint = false} : vector<784x512xf32>, vector<512x128xf32>, vector<784x128xf32> -> vector<784x128xf32>
    %swap3A_13 = arith.constant 0 : index
    %swap3A_14 = arith.constant 0 : index
    %swap3A_15 = vector.load %arg4[%swap3A_13, %swap3A_14] : memref<784x128xf32, #tpu.memory_space<vmem>>, vector<784x128xf32>
    tpu.vector_store %arg4[%swap3A_13, %swap3A_14], %dot_general3A_12 {strides = array<i32>} : memref<784x128xf32, #tpu.memory_space<vmem>>, vector<784x128xf32>,
    %slice3A_16 = vector.extract_strided_slice %get3A_5 {offsets = [2, 0, 0], sizes = [1, 512, 128], strides = [1, 1, 1]} : vector<3x512x128xf32> to vector<1x512x128xf32>
    %squeeze3A_17 = vector.shape_cast %slice3A_16 : vector<1x512x128xf32> to vector<512x128xf32>
    %dot_general3A_18 = arith.constant dense<0.000000e+00> : vector<784x128xf32>
    %dot_general3A_19 = tpu.matmul %get3A_1, %squeeze3A_17, %dot_general3A_18 {dimension_numbers = #tpu.dot_dimension_numbers<[1], [0], [0], [1], [0, 0, 1, 1], [], []>, transpose_lhs_hint = false} : vector<784x512xf32>, vector<512x128xf32>, vector<784x128xf32> -> vector<784x128xf32>
    %swap3A_20 = arith.constant 0 : index
    %swap3A_21 = arith.constant 0 : index
    %swap3A_22 = vector.load %arg5[%swap3A_20, %swap3A_21] : memref<784x128xf32, #tpu.memory_space<vmem>>, vector<784x128xf32>
    tpu.vector_store %arg5[%swap3A_20, %swap3A_21], %dot_general3A_19 {strides = array<i32>} : memref<784x128xf32, #tpu.memory_space<vmem>>, vector<784x128xf32>,
    return
  }
  func.func @transform_0(%arg0: i32) -> (i32, i32) {
    %c0_i32 = arith.constant 0 : i32
    %c0_i32_0 = arith.constant 0 : i32
    return %arg0, %c0_i32 : i32, i32
  }
  func.func @transform_1(%arg0: i32) -> (i32, i32, i32) {
    %c0_i32 = arith.constant 0 : i32
    %c0_i32_0 = arith.constant 0 : i32
    %c0_i32_1 = arith.constant 0 : i32
    %c0_i32_2 = arith.constant 0 : i32
    return %c0_i32, %c0_i32_0, %c0_i32_1 : i32, i32, i32
  }
  func.func @transform_2(%arg0: i32) -> (i32, i32) {
    %c0_i32 = arith.constant 0 : i32
    %c0_i32_0 = arith.constant 0 : i32
    return %arg0, %c0_i32 : i32, i32
  }
  func.func @transform_3(%arg0: i32) -> (i32, i32) {
    %c0_i32 = arith.constant 0 : i32
    %c0_i32_0 = arith.constant 0 : i32
    return %arg0, %c0_i32 : i32, i32
  }
  func.func @transform_4(%arg0: i32) -> (i32, i32) {
    %c0_i32 = arith.constant 0 : i32
    %c0_i32_0 = arith.constant 0 : i32
    return %arg0, %c0_i32 : i32, i32
  }
}

module attributes {stable_mosaic.version = 14 : i64} {
  func.func @_tc_s_body(%arg0: i32, %arg1: memref<784x8xf32, #tpu.memory_space<vmem>>, %arg2: memref<784x8xf32, #tpu.memory_space<vmem>>, %arg3: memref<784x128xf32, #tpu.memory_space<vmem>>, %arg4: memref<784x128xf32, #tpu.memory_space<vmem>>) attributes {dimension_semantics = [#tpu.dimension_semantics<arbitrary>], iteration_bounds = array<i64: 8>, scalar_prefetch = 0 : i64, scratch_operands = 0 : i64, tpu.core_type = #tpu.core_type<tc>, window_params = [{transform_indices = @transform_0, window_bounds = array<i64: 784, 8>}, {transform_indices = @transform_1, window_bounds = array<i64: 784, 8>}, {transform_indices = @transform_2, window_bounds = array<i64: 784, 128>}, {transform_indices = @transform_3, window_bounds = array<i64: 784, 128>}]} {
    %get3A = arith.constant 0 : index
    %get3A_0 = arith.constant 0 : index
    %get3A_1 = vector.load %arg1[%get3A, %get3A_0] : memref<784x8xf32, #tpu.memory_space<vmem>>, vector<784x8xf32>
    %get3A_2 = arith.constant 0 : index
    %get3A_3 = arith.constant 0 : index
    %get3A_4 = vector.load %arg2[%get3A_2, %get3A_3] : memref<784x8xf32, #tpu.memory_space<vmem>>, vector<784x8xf32>
    %add3A = arith.addf %get3A_1, %get3A_4 : vector<784x8xf32>
    %gt3A = arith.constant 0.000000e+00 : f32
    %gt3A_5 = vector.broadcast %gt3A : f32 to vector<784x8xf32>
    %gt3A_6 = arith.cmpf ogt, %add3A, %gt3A_5 : vector<784x8xf32>
    %rsqrt3A = math.rsqrt %add3A : vector<784x8xf32>
    %jit3A = arith.constant 0.000000e+00 : f32
    %broadcast_in_dim3A = vector.broadcast %jit3A : f32 to vector<784x8xf32>
    %select_n3A = arith.select %gt3A_6, %rsqrt3A, %broadcast_in_dim3A : vector<784x8xi1>, vector<784x8xf32>
    %iota3A = tpu.iota {dimensions = array<i32: 0>} : vector<8x8xi32>
    %iota3A_7 = tpu.iota {dimensions = array<i32: 1>} : vector<8x8xi32>
    %add3A_8 = arith.constant 0 : i32
    %add3A_9 = vector.broadcast %add3A_8 : i32 to vector<8x8xi32>
    %add3A_10 = arith.addi %iota3A, %add3A_9 : vector<8x8xi32>
    %eq3A = arith.cmpi eq, %add3A_10, %iota3A_7 : vector<8x8xi32>
    %convert_element_type3A = arith.extui %eq3A : vector<8x8xi1> to vector<8x8xi32>
    %convert_element_type3A_11 = arith.sitofp %convert_element_type3A : vector<8x8xi32> to vector<8x8xf32>
    %broadcast_in_dim3A_12 = vector.shape_cast %convert_element_type3A_11 : vector<8x8xf32> to vector<8x8x1xf32>
    %broadcast_in_dim3A_13 = vector.broadcast %broadcast_in_dim3A_12 : vector<8x8x1xf32> to vector<8x8x16xf32>
    %reshape3A = vector.shape_cast %broadcast_in_dim3A_13 : vector<8x8x16xf32> to vector<8x128xf32>
    %dot_general3A = arith.constant dense<0.000000e+00> : vector<784x128xf32>
    %dot_general3A_14 = tpu.matmul %select_n3A, %reshape3A, %dot_general3A {dimension_numbers = #tpu.dot_dimension_numbers<[1], [0], [0], [1], [0, 0, 1, 1], [], []>, transpose_lhs_hint = false} : vector<784x8xf32>, vector<8x128xf32>, vector<784x128xf32> -> vector<784x128xf32>
    %get3A_15 = arith.constant 0 : index
    %get3A_16 = arith.constant 0 : index
    %get3A_17 = vector.load %arg3[%get3A_15, %get3A_16] : memref<784x128xf32, #tpu.memory_space<vmem>>, vector<784x128xf32>
    %mul3A = arith.mulf %dot_general3A_14, %get3A_17 : vector<784x128xf32>
    %swap3A = arith.constant 0 : index
    %swap3A_18 = arith.constant 0 : index
    %swap3A_19 = vector.load %arg4[%swap3A, %swap3A_18] : memref<784x128xf32, #tpu.memory_space<vmem>>, vector<784x128xf32>
    tpu.vector_store %arg4[%swap3A, %swap3A_18], %mul3A {strides = array<i32>} : memref<784x128xf32, #tpu.memory_space<vmem>>, vector<784x128xf32>,
    return
  }
  func.func @transform_0(%arg0: i32) -> (i32, i32) {
    %c0_i32 = arith.constant 0 : i32
    %c0_i32_0 = arith.constant 0 : i32
    return %arg0, %c0_i32 : i32, i32
  }
  func.func @transform_1(%arg0: i32) -> (i32, i32) {
    %c0_i32 = arith.constant 0 : i32
    %c0_i32_0 = arith.constant 0 : i32
    return %arg0, %c0_i32 : i32, i32
  }
  func.func @transform_2(%arg0: i32) -> (i32, i32) {
    %c0_i32 = arith.constant 0 : i32
    %c0_i32_0 = arith.constant 0 : i32
    return %arg0, %c0_i32 : i32, i32
  }
  func.func @transform_3(%arg0: i32) -> (i32, i32) {
    %c0_i32 = arith.constant 0 : i32
    %c0_i32_0 = arith.constant 0 : i32
    return %arg0, %c0_i32 : i32, i32
  }
}

module attributes {stable_mosaic.version = 14 : i64} {
  func.func @_tc_b_body(%arg0: i32, %arg1: memref<784x128xf32, #tpu.memory_space<vmem>>, %arg2: memref<784x128xf32, #tpu.memory_space<vmem>>, %arg3: memref<784x128xf32, #tpu.memory_space<vmem>>, %arg4: memref<784x8xf32, #tpu.memory_space<vmem>>, %arg5: memref<784x8xf32, #tpu.memory_space<vmem>>, %arg6: memref<784x128xf32, #tpu.memory_space<vmem>>) attributes {dimension_semantics = [#tpu.dimension_semantics<arbitrary>], iteration_bounds = array<i64: 8>, scalar_prefetch = 0 : i64, scratch_operands = 0 : i64, tpu.core_type = #tpu.core_type<tc>, window_params = [{transform_indices = @transform_0, window_bounds = array<i64: 784, 128>}, {transform_indices = @transform_1, window_bounds = array<i64: 784, 128>}, {transform_indices = @transform_2, window_bounds = array<i64: 784, 128>}, {transform_indices = @transform_3, window_bounds = array<i64: 784, 8>}, {transform_indices = @transform_4, window_bounds = array<i64: 784, 8>}, {transform_indices = @transform_5, window_bounds = array<i64: 784, 128>}]} {
    %get3A = arith.constant 0 : index
    %get3A_0 = arith.constant 0 : index
    %get3A_1 = vector.load %arg4[%get3A, %get3A_0] : memref<784x8xf32, #tpu.memory_space<vmem>>, vector<784x8xf32>
    %get3A_2 = arith.constant 0 : index
    %get3A_3 = arith.constant 0 : index
    %get3A_4 = vector.load %arg5[%get3A_2, %get3A_3] : memref<784x8xf32, #tpu.memory_space<vmem>>, vector<784x8xf32>
    %add3A = arith.addf %get3A_1, %get3A_4 : vector<784x8xf32>
    %gt3A = arith.constant 0.000000e+00 : f32
    %gt3A_5 = vector.broadcast %gt3A : f32 to vector<784x8xf32>
    %gt3A_6 = arith.cmpf ogt, %add3A, %gt3A_5 : vector<784x8xf32>
    %rsqrt3A = math.rsqrt %add3A : vector<784x8xf32>
    %jit3A = arith.constant 0.000000e+00 : f32
    %broadcast_in_dim3A = vector.broadcast %jit3A : f32 to vector<784x8xf32>
    %select_n3A = arith.select %gt3A_6, %rsqrt3A, %broadcast_in_dim3A : vector<784x8xi1>, vector<784x8xf32>
    %iota3A = tpu.iota {dimensions = array<i32: 0>} : vector<8x8xi32>
    %iota3A_7 = tpu.iota {dimensions = array<i32: 1>} : vector<8x8xi32>
    %add3A_8 = arith.constant 0 : i32
    %add3A_9 = vector.broadcast %add3A_8 : i32 to vector<8x8xi32>
    %add3A_10 = arith.addi %iota3A, %add3A_9 : vector<8x8xi32>
    %eq3A = arith.cmpi eq, %add3A_10, %iota3A_7 : vector<8x8xi32>
    %convert_element_type3A = arith.extui %eq3A : vector<8x8xi1> to vector<8x8xi32>
    %convert_element_type3A_11 = arith.sitofp %convert_element_type3A : vector<8x8xi32> to vector<8x8xf32>
    %broadcast_in_dim3A_12 = vector.shape_cast %convert_element_type3A_11 : vector<8x8xf32> to vector<8x8x1xf32>
    %broadcast_in_dim3A_13 = vector.broadcast %broadcast_in_dim3A_12 : vector<8x8x1xf32> to vector<8x8x16xf32>
    %reshape3A = vector.shape_cast %broadcast_in_dim3A_13 : vector<8x8x16xf32> to vector<8x128xf32>
    %dot_general3A = arith.constant dense<0.000000e+00> : vector<784x128xf32>
    %dot_general3A_14 = tpu.matmul %select_n3A, %reshape3A, %dot_general3A {dimension_numbers = #tpu.dot_dimension_numbers<[1], [0], [0], [1], [0, 0, 1, 1], [], []>, transpose_lhs_hint = false} : vector<784x8xf32>, vector<8x128xf32>, vector<784x128xf32> -> vector<784x128xf32>
    %get3A_15 = arith.constant 0 : index
    %get3A_16 = arith.constant 0 : index
    %get3A_17 = vector.load %arg2[%get3A_15, %get3A_16] : memref<784x128xf32, #tpu.memory_space<vmem>>, vector<784x128xf32>
    %get3A_18 = arith.constant 0 : index
    %get3A_19 = arith.constant 0 : index
    %get3A_20 = vector.load %arg3[%get3A_18, %get3A_19] : memref<784x128xf32, #tpu.memory_space<vmem>>, vector<784x128xf32>
    %add3A_21 = arith.addf %get3A_17, %get3A_20 : vector<784x128xf32>
    %get3A_22 = arith.constant 0 : index
    %get3A_23 = arith.constant 0 : index
    %get3A_24 = vector.load %arg1[%get3A_22, %get3A_23] : memref<784x128xf32, #tpu.memory_space<vmem>>, vector<784x128xf32>
    %mul3A = arith.mulf %dot_general3A_14, %get3A_24 : vector<784x128xf32>
    %mul3A_25 = arith.mulf %dot_general3A_14, %dot_general3A_14 : vector<784x128xf32>
    %mul3A_26 = arith.constant 2.000000e+00 : f32
    %mul3A_27 = vector.broadcast %mul3A_26 : f32 to vector<784x128xf32>
    %mul3A_28 = arith.mulf %mul3A_27, %mul3A_25 : vector<784x128xf32>
    %mul3A_29 = arith.mulf %mul3A_28, %add3A_21 : vector<784x128xf32>
    %sub3A = arith.subf %mul3A, %mul3A_29 : vector<784x128xf32>
    %swap3A = arith.constant 0 : index
    %swap3A_30 = arith.constant 0 : index
    %swap3A_31 = vector.load %arg6[%swap3A, %swap3A_30] : memref<784x128xf32, #tpu.memory_space<vmem>>, vector<784x128xf32>
    tpu.vector_store %arg6[%swap3A, %swap3A_30], %sub3A {strides = array<i32>} : memref<784x128xf32, #tpu.memory_space<vmem>>, vector<784x128xf32>,
    return
  }
  func.func @transform_0(%arg0: i32) -> (i32, i32) {
    %c0_i32 = arith.constant 0 : i32
    %c0_i32_0 = arith.constant 0 : i32
    return %arg0, %c0_i32 : i32, i32
  }
  func.func @transform_1(%arg0: i32) -> (i32, i32) {
    %c0_i32 = arith.constant 0 : i32
    %c0_i32_0 = arith.constant 0 : i32
    return %arg0, %c0_i32 : i32, i32
  }
  func.func @transform_2(%arg0: i32) -> (i32, i32) {
    %c0_i32 = arith.constant 0 : i32
    %c0_i32_0 = arith.constant 0 : i32
    return %arg0, %c0_i32 : i32, i32
  }
  func.func @transform_3(%arg0: i32) -> (i32, i32) {
    %c0_i32 = arith.constant 0 : i32
    %c0_i32_0 = arith.constant 0 : i32
    return %arg0, %c0_i32 : i32, i32
  }
  func.func @transform_4(%arg0: i32) -> (i32, i32) {
    %c0_i32 = arith.constant 0 : i32
    %c0_i32_0 = arith.constant 0 : i32
    return %arg0, %c0_i32 : i32, i32
  }
  func.func @transform_5(%arg0: i32) -> (i32, i32) {
    %c0_i32 = arith.constant 0 : i32
    %c0_i32_0 = arith.constant 0 : i32
    return %arg0, %c0_i32 : i32, i32
  }
}

module attributes {stable_mosaic.version = 14 : i64} {
  func.func @_tc_c_body(%arg0: i32, %arg1: memref<784x128xf32, #tpu.memory_space<vmem>>, %arg2: memref<784x128xf32, #tpu.memory_space<vmem>>, %arg3: memref<784x128xf32, #tpu.memory_space<vmem>>, %arg4: memref<784x8xf32, #tpu.memory_space<vmem>>, %arg5: memref<784x8xf32, #tpu.memory_space<vmem>>, %arg6: memref<1x128xf32, #tpu.memory_space<vmem>>, %arg7: memref<784x128xf32, #tpu.memory_space<vmem>>) attributes {dimension_semantics = [#tpu.dimension_semantics<arbitrary>], iteration_bounds = array<i64: 8>, scalar_prefetch = 0 : i64, scratch_operands = 0 : i64, tpu.core_type = #tpu.core_type<tc>, window_params = [{transform_indices = @transform_0, window_bounds = array<i64: 784, 128>}, {transform_indices = @transform_1, window_bounds = array<i64: 784, 128>}, {transform_indices = @transform_2, window_bounds = array<i64: 784, 128>}, {transform_indices = @transform_3, window_bounds = array<i64: 784, 8>}, {transform_indices = @transform_4, window_bounds = array<i64: 784, 8>}, {pipeline_mode = #tpu.pipeline_mode<synchronous>, transform_indices = @transform_5, window_bounds = array<i64: 1, 128>}, {transform_indices = @transform_6, window_bounds = array<i64: 784, 128>}]} {
    %get3A = arith.constant 0 : index
    %get3A_0 = arith.constant 0 : index
    %get3A_1 = vector.load %arg4[%get3A, %get3A_0] : memref<784x8xf32, #tpu.memory_space<vmem>>, vector<784x8xf32>
    %get3A_2 = arith.constant 0 : index
    %get3A_3 = arith.constant 0 : index
    %get3A_4 = vector.load %arg5[%get3A_2, %get3A_3] : memref<784x8xf32, #tpu.memory_space<vmem>>, vector<784x8xf32>
    %add3A = arith.addf %get3A_1, %get3A_4 : vector<784x8xf32>
    %gt3A = arith.constant 0.000000e+00 : f32
    %gt3A_5 = vector.broadcast %gt3A : f32 to vector<784x8xf32>
    %gt3A_6 = arith.cmpf ogt, %add3A, %gt3A_5 : vector<784x8xf32>
    %rsqrt3A = math.rsqrt %add3A : vector<784x8xf32>
    %jit3A = arith.constant 0.000000e+00 : f32
    %broadcast_in_dim3A = vector.broadcast %jit3A : f32 to vector<784x8xf32>
    %select_n3A = arith.select %gt3A_6, %rsqrt3A, %broadcast_in_dim3A : vector<784x8xi1>, vector<784x8xf32>
    %iota3A = tpu.iota {dimensions = array<i32: 0>} : vector<8x8xi32>
    %iota3A_7 = tpu.iota {dimensions = array<i32: 1>} : vector<8x8xi32>
    %add3A_8 = arith.constant 0 : i32
    %add3A_9 = vector.broadcast %add3A_8 : i32 to vector<8x8xi32>
    %add3A_10 = arith.addi %iota3A, %add3A_9 : vector<8x8xi32>
    %eq3A = arith.cmpi eq, %add3A_10, %iota3A_7 : vector<8x8xi32>
    %convert_element_type3A = arith.extui %eq3A : vector<8x8xi1> to vector<8x8xi32>
    %convert_element_type3A_11 = arith.sitofp %convert_element_type3A : vector<8x8xi32> to vector<8x8xf32>
    %broadcast_in_dim3A_12 = vector.shape_cast %convert_element_type3A_11 : vector<8x8xf32> to vector<8x8x1xf32>
    %broadcast_in_dim3A_13 = vector.broadcast %broadcast_in_dim3A_12 : vector<8x8x1xf32> to vector<8x8x16xf32>
    %reshape3A = vector.shape_cast %broadcast_in_dim3A_13 : vector<8x8x16xf32> to vector<8x128xf32>
    %dot_general3A = arith.constant dense<0.000000e+00> : vector<784x128xf32>
    %dot_general3A_14 = tpu.matmul %select_n3A, %reshape3A, %dot_general3A {dimension_numbers = #tpu.dot_dimension_numbers<[1], [0], [0], [1], [0, 0, 1, 1], [], []>, transpose_lhs_hint = false} : vector<784x8xf32>, vector<8x128xf32>, vector<784x128xf32> -> vector<784x128xf32>
    %get3A_15 = arith.constant 0 : index
    %get3A_16 = arith.constant 0 : index
    %get3A_17 = vector.load %arg2[%get3A_15, %get3A_16] : memref<784x128xf32, #tpu.memory_space<vmem>>, vector<784x128xf32>
    %get3A_18 = arith.constant 0 : index
    %get3A_19 = arith.constant 0 : index
    %get3A_20 = vector.load %arg3[%get3A_18, %get3A_19] : memref<784x128xf32, #tpu.memory_space<vmem>>, vector<784x128xf32>
    %add3A_21 = arith.addf %get3A_17, %get3A_20 : vector<784x128xf32>
    %get3A_22 = arith.constant 0 : index
    %get3A_23 = arith.constant 0 : index
    %get3A_24 = vector.load %arg1[%get3A_22, %get3A_23] : memref<784x128xf32, #tpu.memory_space<vmem>>, vector<784x128xf32>
    %mul3A = arith.mulf %dot_general3A_14, %add3A_21 : vector<784x128xf32>
    %sub3A = arith.subf %get3A_24, %mul3A : vector<784x128xf32>
    %get3A_25 = arith.constant 0 : index
    %get3A_26 = arith.constant 0 : index
    %get3A_27 = vector.load %arg6[%get3A_25, %get3A_26] : memref<1x128xf32, #tpu.memory_space<vmem>>, vector<1x128xf32>
    %add3A_28 = vector.broadcast %get3A_27 : vector<1x128xf32> to vector<784x128xf32>
    %add3A_29 = arith.addf %sub3A, %add3A_28 : vector<784x128xf32>
    %swap3A = arith.constant 0 : index
    %swap3A_30 = arith.constant 0 : index
    %swap3A_31 = vector.load %arg7[%swap3A, %swap3A_30] : memref<784x128xf32, #tpu.memory_space<vmem>>, vector<784x128xf32>
    tpu.vector_store %arg7[%swap3A, %swap3A_30], %add3A_29 {strides = array<i32>} : memref<784x128xf32, #tpu.memory_space<vmem>>, vector<784x128xf32>,
    return
  }
  func.func @transform_0(%arg0: i32) -> (i32, i32) {
    %c0_i32 = arith.constant 0 : i32
    %c0_i32_0 = arith.constant 0 : i32
    return %arg0, %c0_i32 : i32, i32
  }
  func.func @transform_1(%arg0: i32) -> (i32, i32) {
    %c0_i32 = arith.constant 0 : i32
    %c0_i32_0 = arith.constant 0 : i32
    return %arg0, %c0_i32 : i32, i32
  }
  func.func @transform_2(%arg0: i32) -> (i32, i32) {
    %c0_i32 = arith.constant 0 : i32
    %c0_i32_0 = arith.constant 0 : i32
    return %arg0, %c0_i32 : i32, i32
  }
  func.func @transform_3(%arg0: i32) -> (i32, i32) {
    %c0_i32 = arith.constant 0 : i32
    %c0_i32_0 = arith.constant 0 : i32
    return %arg0, %c0_i32 : i32, i32
  }
  func.func @transform_4(%arg0: i32) -> (i32, i32) {
    %c0_i32 = arith.constant 0 : i32
    %c0_i32_0 = arith.constant 0 : i32
    return %arg0, %c0_i32 : i32, i32
  }
  func.func @transform_5(%arg0: i32) -> (i32, i32) {
    %c0_i32 = arith.constant 0 : i32
    %c0_i32_0 = arith.constant 0 : i32
    %c0_i32_1 = arith.constant 0 : i32
    return %c0_i32, %c0_i32_0 : i32, i32
  }
  func.func @transform_6(%arg0: i32) -> (i32, i32) {
    %c0_i32 = arith.constant 0 : i32
    %c0_i32_0 = arith.constant 0 : i32
    return %arg0, %c0_i32 : i32, i32
  }
}

</mosaic_0001>

<sc_bundles>
// kernel: kernel.12.cloned.1.call-start
scs
__scs_entry_jumppad:
0x0: {  	(pc) =	sbr.rel $0x88, $3  }
0x1: {  	(tag) =	ssettag $0x0;
	lr =	simm.s32 $0x1  }
0x2: {  	[smem:$0x3F9D] =	sst lr;
	_ =	strace $0xD0000000  }
0x3: {  	_ = 	snop  }
0x4: {  	_ = 	snop  }
0x5: {  	_ = 	snop  }
0x6: {  	_ = 	snop  }
0x7: {  	_ = 	snop  }
__scs_overlays_trampoline_lowered:
0x8: {  	[smem:$0x3FAC] =	sst s0  }
0x9: {  	[smem:$0x3FAD] =	sst s1  }
0xa: {  	[smem:$0x3FAE] =	sst s2  }
0xb: {  	[smem:$0x3FAF] =	sst s3  }
0xc: {  	[smem:$0x3FB0] =	sst s4  }
0xd: {  	[smem:$0x3FB1] =	sst s5  }
0xe: {  	[smem:$0x3FB2] =	sst s6  }
0xf: {  	[smem:$0x3FB3] =	sst s7  }
0x10: {  	[smem:$0x3FB4] =	sst s8  }
0x11: {  	[smem:$0x3FB5] =	sst s9;
	s0 =	simm.s32 @!p0 $0x0  }
0x12: {  	s1 =	sld [smem:$0x3F9B];
	s0 =	simm.s32 @p0 $0x1  }
0x13: {  	[smem:$0x3FB6] =	sst s0;
	s0 =	simm.s32 @!p1 $0x0  }
0x14: {  	s2 =	sld [smem:$0x3F9A];
	s0 =	simm.s32 @p1 $0x1  }
0x15: {  	[smem:$0x3FB7] =	sst s0;
	s0 =	simm.s32 @!p2 $0x0  }
0x16: {  	s3 =	sld [smem:$0x3FDB];
	s0 =	simm.s32 @p2 $0x1  }
0x17: {  	s4 =	simm.s32 $0x1BF5;
	[smem:$0x3FB9] =	sst s0  }
0x18: {  	s0 =	sld [smem:$0x3F9C];
	_ =	swait.ge [sflag:s4], $0x0  }
0x19: {  	s7 =	sld [smem:$0x3F9D]  }
0x1a: {  	s8 =	sadd.s32 $0xFFFFE003, lr  }
0x1b: {  	s9 =	sadd.s32 $0xFFFFFEF7, lr;
	s5 =	simm.s32 $0xFFFFFFFF;
	p2 =	slt.u32 s8, $0xFFFFF086  }
0x1c: {  	p1 =	slt.u32 s9, $0xF7A;
	s5 =	simm.s32 @!p2 $0x0  }
0x1d: {  	s5 =	simm.s32 @p1 $0x1;
	p0 =	seq.s32 s7, s2  }
0x1e: {  	s7 =	smul.u32 @!p0 $0xF7A, s2;
	p2 =	seq.s32 @!p0 s5, $0x0  }
0x1f: {  	s9 =	smul.u32 $0xF7A, s1;
	s8 =	simm.s32 @!p0 $0x1BF5;
	p2 =	por !p2, p0  }
0x20: {  	[sflag:s8] =	ssyncset.s32 @!p0 $0xFFFFF086;
	s6 =	sadd.s32 @!p0 s3, s7;
	s7 =	simm.s32 @!p0 $0x108  }
0x21: {  	s3 =	sadd.s32 s3, s9;
	s6 =	sadd.s32 @!p0 $0x88, s6;
	s7 =	simm.s32 @p2 $0x1082  }
0x22: {  	[simem:s7], [sflag:s8] =	dma.local @!p0 [hbm:s6], $0xF7A  }
0x23: {  	s9 =	sor.u32 $0xD0000000, s2;
	s6 =	simm.s32 $0x108;
	_ =	swait.ge @!p0 [sflag:s8], $0x0  }
0x24: {  	s3 =	sadd.s32 $0x88, s3;
	s6 =	simm.s32 @!p1 $0x1082;
	[sflag:s4] =	ssyncset.s32 $0xFFFFF086  }
0x25: {  	[simem:s6], [sflag:s4] =	dma.local [hbm:s3], $0xF7A  }
0x26: {  	[smem:$0x3F9D] =	sst s1;
	(tag) =	ssettag s2;
	_ =	strace s9  }
0x27: {  	s1 =	sld [smem:$0x3FAD]  }
0x28: {  	s2 =	sld [smem:$0x3FAE]  }
0x29: {  	s4 =	sld [smem:$0x3FB0]  }
0x2a: {  	p0 =	seq.s32 s5, $0x0;
	s5 =	sld [smem:$0x3FB1]  }
0x2b: {  	s6 =	sld [smem:$0x3FB2]  }
0x2c: {  	s7 =	sld [smem:$0x3FB3]  }
0x2d: {  	s3 =	simm.s32 $0x108;
	s8 =	sld [smem:$0x3FB4]  }
0x2e: {  	s3 =	simm.s32 @!p0 $0x1082;
	s9 =	sld [smem:$0x3FB5]  }
0x2f: {  	lr =	sadd.s32 s0, s3;
	s0 =	sld [smem:$0x3FAC]  }
0x30: {  	s3 =	sld [smem:$0x3FAF]  }
0x31: {  	[smem:$0x3FB8] =	sst s10  }
0x32: {  	s10 =	sld [smem:$0x3FB6];
	_ =	sdelay $0x3  }
0x33: {  	p0 =	seq.s32 s10, $0x1;
	s10 =	sld [smem:$0x3FB8];
	_ =	sdelay $0x3  }
0x34: {  	[smem:$0x3FB8] =	sst s10  }
0x35: {  	s10 =	sld [smem:$0x3FB7];
	_ =	sdelay $0x3  }
0x36: {  	p1 =	seq.s32 s10, $0x1;
	s10 =	sld [smem:$0x3FB8];
	_ =	sdelay $0x3  }
0x37: {  	[smem:$0x3FB8] =	sst s10  }
0x38: {  	s10 =	sld [smem:$0x3FB9]  }
0x39: {  	_ = 	snop;
	(pc) =	sbr.ind lr, $3  }
0x3a: {  	_ = 	snop  }
0x3b: {  	_ = 	snop  }
0x3c: {  	p2 =	seq.s32 s10, $0x1;
	s10 =	sld [smem:$0x3FB8]  }
0x3d: {  	_ =	shalt  }
0x3e: {  	_ =	shalt  }
0x3f: {  	_ =	shalt  }
0x40: {  	_ =	shalt  }
0x41: {  	_ =	shalt  }
0x42: {  	_ =	shalt  }
0x43: {  	_ =	shalt  }
0x44: {  	_ =	shalt  }
0x45: {  	_ =	shalt  }
0x46: {  	_ =	shalt  }
0x47: {  	_ =	shalt  }
0x48: {  	_ =	shalt  }
0x49: {  	_ =	shalt  }
0x4a: {  	_ =	shalt  }
0x4b: {  	_ =	shalt  }
0x4c: {  	_ =	shalt  }
0x4d: {  	_ =	shalt  }
0x4e: {  	_ =	shalt  }
0x4f: {  	_ =	shalt  }
0x50: {  	_ =	shalt  }
0x51: {  	_ =	shalt  }
0x52: {  	_ =	shalt  }
0x53: {  	_ =	shalt  }
0x54: {  	_ =	shalt  }
0x55: {  	_ =	shalt  }
0x56: {  	_ =	shalt  }
0x57: {  	_ =	shalt  }
0x58: {  	_ =	shalt  }
0x59: {  	_ =	shalt  }
0x5a: {  	_ =	shalt  }
0x5b: {  	_ =	shalt  }
0x5c: {  	_ =	shalt  }
0x5d: {  	_ =	shalt  }
0x5e: {  	_ =	shalt  }
0x5f: {  	_ =	shalt  }
0x60: {  	_ =	shalt  }
0x61: {  	_ =	shalt  }
0x62: {  	_ =	shalt  }
0x63: {  	_ =	shalt  }
0x64: {  	_ =	shalt  }
0x65: {  	_ =	shalt  }
0x66: {  	_ =	shalt  }
0x67: {  	_ =	shalt  }
0x68: {  	_ =	shalt  }
0x69: {  	_ =	shalt  }
0x6a: {  	_ =	shalt  }
0x6b: {  	_ =	shalt  }
0x6c: {  	_ =	shalt  }
0x6d: {  	_ =	shalt  }
0x6e: {  	_ =	shalt  }
0x6f: {  	_ =	shalt  }
0x70: {  	_ =	shalt  }
0x71: {  	_ =	shalt  }
0x72: {  	_ =	shalt  }
0x73: {  	_ =	shalt  }
0x74: {  	_ =	shalt  }
0x75: {  	_ =	shalt  }
0x76: {  	_ =	shalt  }
0x77: {  	_ =	shalt  }
0x78: {  	_ =	shalt  }
0x79: {  	_ =	shalt  }
0x7a: {  	_ =	shalt  }
0x7b: {  	_ =	shalt  }
0x7c: {  	_ =	shalt  }
0x7d: {  	_ =	shalt  }
0x7e: {  	_ =	shalt  }
0x7f: {  	_ =	shalt  }
0x80: {  	_ =	shalt  }
0x81: {  	_ =	shalt  }
0x82: {  	_ =	shalt  }
0x83: {  	_ =	shalt  }
0x84: {  	_ =	shalt  }
0x85: {  	_ =	shalt  }
0x86: {  	_ =	shalt  }
0x87: {  	_ =	shalt  }
.Lfunc_end0:
.L_simem_size_0:
called_computation.1_lowered:
.L_overlay_start_0:
0x88: {  	s2 =	sld [smem:$0x3FD9]  }
0x89: {  	s3 =	sld [smem:$0x3FFE];
	_ =	sdelay $0x1  }
0x8a: {  	s1 =	srdreg.scid  }
0x8b: {  	s0 =	sand.u32 $0x1, s1  }
0x8c: {  	s17 =	sshll.u32 s0, $0xA;
	s2 =	sadd.s32 s3, s2  }
0x8d: {  	s2 =	sadd.s32 s2, s17  }
0x8e: {  	[smem:$0x3FC4] =	sst s2  }
0x8f: {  	_ = 	snop  }
0x90: {  	s2 =	sld [smem:$0x3FD0];
	(tm) =	ssettm $0x1  }
0x91: {  	s18 =	sld [smem:$0x3FFB];
	_ =	sdelay $0x3  }
0x92: {  	_ =	strace s18  }
0x93: {  	s3 =	sld [smem:$0x3FFC];
	_ =	sdelay $0x3  }
0x94: {  	_ =	strace s3  }
0x95: {  	s3 =	sld [smem:$0x3FFD];
	_ =	sdelay $0x3  }
0x96: {  	_ =	strace s3  }
0x97: {  	_ =	strace $0x8FFFFFFF  }
0x98: {  	s19 =	sld [smem:$0x3FDB];
	_ =	sdelay $0x1  }
0x99: {  	s4 =	simm.s32 $_scs_section_size  }
0x9a: {  	s5 =	simm.s32 $_size__tile_overlayer_lowered;
	s6 =	simm.s32 $_tile_overlayer_lowered  }
0x9b: {  	s22 =	simm.s32 $0x1BFF;
	s21 =	sshll.u32 s6, $0x1;
	s3 =	sadd.s32 s4, s19  }
0x9c: {  	s7 =	simm.s32 $0x0;
	s20 =	sshll.u32 s5, $0x1;
	s5 =	sadd.s32 s21, s3  }
0x9d: {  	[timem:s7], [sflag:s22] =	dma.local [hbm:s5], s20  }
0x9e: {  	_ =	swait.ge [sflag:s22], s20  }
0x9f: {  	s4 =	ssub.s32 $0x0, s20;
	[sflag:s22] =	ssyncset.done $0x0  }
0xa0: {  	[sflag:s22] =	ssyncadd.s32 s4;
	_ =	sdelay $0x1  }
0xa1: {  	s23 =	simm.s32 $0x1B8B  }
0xa2: {  	_ =	swait.ge [sflag:s23], $0x1  }
0xa3: {  	[sflag:s23] =	ssyncset.done $0x0  }
0xa4: {  	s25 =	simm.s32 $0x1B8E;
	s24 =	sld [smem:$0x3FFE];
	[sflag:s23] =	ssyncadd.s32 $0xFFFFFFFF  }
0xa5: {  	s26 =	simm.s32 $execute0_lowered;
	[smem:$0x3FD2] =	sst s25  }
0xa6: {  	s5 =	sshll.u32 s26, $0x1;
	_ =	strace $0x80000049;
	[dreg:$0x1] =	wrdreg $0xFFFFFFFF  }
0xa7: {  	s28 =	simm.s32 $_size_execute0_lowered;
	s3 =	sadd.s32 s3, s5;
	[dreg:$0x0] =	wrdreg $0x0  }
0xa8: {  	s5 =	sshll.u32 s28, $0x1;
	[dreg:$0x2] =	wrdreg s3  }
0xa9: {  	[dreg:$0x3] =	wrdreg s5  }
0xaa: {  	[dreg:$0x4] =	wrdreg $0xC0  }
0xab: {  	_ =	task [dreg:s7], $0x5FFFF  }
0xac: {  	[dreg:$0x1] =	wrdreg $0xFFFFFFFF  }
0xad: {  	[dreg:$0x0] =	wrdreg $0x60  }
0xae: {  	[dreg:$0x2] =	wrdreg s24  }
0xaf: {  	[dreg:$0x3] =	wrdreg s2  }
0xb0: {  	[dreg:$0x4] =	wrdreg $0x12B000  }
0xb1: {  	[dreg:$0x5] =	wrdreg $0x9  }
0xb2: {  	_ =	task.clear_ibuf [dreg:s7], $0x6FFFF;
	_ =	strace $0x90000049  }
0xb3: {  	s29 =	simm.s32 $0x9;
	_ =	strace $0x8000004B  }
0xb4: {  	_ =	swait.ge [sflag:s29], $0x1  }
0xb5: {  	[sflag:s29] =	ssyncadd.s32 $0xFFFFFFFF  }
0xb6: {  	_ =	strace $0x9000004B  }
0xb7: {  	_ =	sfence  }
0xb8: {  	s30 =	sld [smem:$0x0];
	_ =	sdelay $0x2  }
0xb9: {  	s31 =	sshll.u32 s1, $0xD;
	s1 =	sshrl.u32 s1, $0x2  }
0xba: {  	s3 =	sand.u32 $0x4000, s31;
	s1 =	sadd.s32 s1, s30  }
0xbb: {  	s0 =	sor.u32 s3, s0;
	s1 =	sshll.u32 s1, $0x11  }
0xbc: {  	s0 =	sor.u32 s1, s0  }
0xbd: {  	s0 =	sadd.s32 $0x8F2B, s0  }
0xbe: {  	[sflag:s0] =	ssyncadd.remote.s32 $0x1  }
0xbf: {  	_ =	sfence.sel $0xFFFF  }
0xc0: {  	[dreg:$0x0] =	wrdreg $0xFFFFFFFF;
	(pc) =	sbr.abs _section_cstart, $3  }
0xc1: {  	[dreg:$0x1] =	wrdreg $0xFFFFFFFF  }
0xc2: {  	_ =	task.clear_ibuf [dreg:s7], $0x2FFFF;
	_ =	strace $0x9FFFFFFF  }
0xc3: {  	(tm) =	ssettm $0x7FFFFFFF  }
tec
execute0_lowered:
.L_overlay_start_1:
0x0: {  	(tag) =	ssettag $0x1  }
0x1: {  	s0 =	srdreg.scid  }
0x2: {  	s14 =	stileid.u32;
	s1 =	rddreg [dreg:$0x0]  }
0x3: {  	s7 =	rddreg [dreg:$0x1];
	s3 =	simm.s32 $0x0;
	s16 =	simm.s32 $0x12400  }
0x4: {  	s17 =	simm.s32 $0x80;
	s15 =	simm.s32 $0x1;
	s18 =	simm.s32 $0x2  }
0x5: {  	s19 =	simm.s32 $0x0;
	s0 =	sand.u32 $0x1, s0;
	s2 =	sshll.u32 s14, $0x1  }
0x6: {  	[smem:$0x7FF] =	sst s3;
	s6 =	smul.u32 $0x1880, s14;
	p0 =	slt.u32 s14, $0x5  }
0x7: {  	s11 =	smul.u32 $0x31000, s14;
	p1 =	sgt.u32 s14, $0x4;
	s14 =	simm.s32 $0x3  }
0x8: {  	s4 =	sor.u32 s0, s2;
	s2 =	rddreg [dreg:$0x2];
	s30 =	ssub.s32 $0x2, s0  }
0x9: {  	_ =	strace $0x8000004A;
	s5 =	smul.u32 $0xC3, s4;
	s10 =	sshrl.u32 s30, $0x1  }
0xa: {  	s4 =	smin.u32 s4, $0xA;
	s31 =	sshrl.u32 s11, $0x2;
	s10 =	ssub.s32 s30, s10  }
0xb: {  	s11 =	sadd.s32 s31, s2;
	s5 =	sadd.s32 s4, s5;
	s4 =	sadd.s32 $0x34E00, s1  }
.Ltmp0:
0xc: {  	s10 =	smax.u32 s10, $0x1;
	s8 =	sshll.u32 s5, $0x4;
	(pc) =	sbr.rel .LBB2_1-.Ltmp0, $4  }
0xd: {  	s5 =	simm.s32 $0xC4;
	s9 =	sadd.s32 s8, s1;
	s1 =	sadd.s32 s6, s1  }
0xe: {  	s5 =	simm.s32 @!p0 $0xC3;
	s7 =	sadd.s32 s7, s8;
	p0 =	seq.s32 s0, $0x1  }
0xf: {  	s0 =	simm.s32 $0x10400;
	s6 =	sadd.s32 $0x1C6A0, s9;
	s8 =	sadd.s32 $0x1D2D0, s9  }
0x10: {  	v0 =	vimm.f32 $0.0e+00;
	s9 =	sadd.s32 $0xC30, s7;
	s12 =	sadd.s32 $0x4D600, s1;
	s13 =	sadd.s32 $0x65E00, s1  }
.LBB2_10:
0x11: {  	[sflag:s14] =	ssyncadd.s32 $0xFFFFF900  }
.LBB2_14:
0x12: {  	s19 =	sadd.s32 $0x1, s19  }
0x13: {  	p2 =	sne.s32 s19, s10  }
.Ltmp1:
0x14: {  	_ = 	snop;
	(pc) =	sbr.rel @!p2 .LBB2_15-.Ltmp1, $1  }
0x15: {  	_ =	sdelay $0x3  }
.LBB2_1:
0x16: {  	[tilespmem:s3], [sflag:$0x3] =	stream.linear.gather [hbm4b:s6+s3], $0x6180, $0x38;
	[tilespmem:$0x1EF00] =	vst v63  }
0x17: {  	_ =	swait.ge [sflag:s14], $0x6180  }
0x18: {  	[sflag:s14] =	ssyncset.done $0x0  }
0x19: {  	s1 =	simm.s32 $0x6200;
	[sflag:s14] =	ssyncadd.s32 $0xFFFF9E80  }
0x1a: {  	[tilespmem:s1], [sflag:$0x3] =	stream.linear.gather [hbm4b:s7+s3], $0x6180, $0x38;
	[tilespmem:$0x1EF00] =	vst v63  }
0x1b: {  	_ =	swait.ge [sflag:s14], $0x6180  }
0x1c: {  	[sflag:s14] =	ssyncset.done $0x0  }
0x1d: {  	s20 =	simm.s32 @!p1 $0x0;
	s21 =	simm.s32 @!p1 $0x6180;
	[sflag:s14] =	ssyncadd.s32 $0xFFFF9E80  }
0x1e: {  	[tilespmem:s21], [sflag:$0x3] =	stream.linear.gather @!p1 [hbm4b:s8+s20], $0x80, $0x38;
	[tilespmem:$0x1EF00] =	vst v63  }
0x1f: {  	s21 =	simm.s32 @!p1 $0x3  }
0x20: {  	_ =	swait.ge @!p1 [sflag:s21], $0x80  }
0x21: {  	[sflag:s21] =	ssyncset.done @!p1 $0x0  }
0x22: {  	s22 =	simm.s32 @!p1 $0xC380;
	[sflag:s21] =	ssyncadd.s32 @!p1 $0xFFFFFF80  }
0x23: {  	[tilespmem:s22], [sflag:$0x3] =	stream.linear.gather @!p1 [hbm4b:s9+s20], $0x80, $0x38;
	[tilespmem:$0x1EF00] =	vst v63  }
0x24: {  	_ =	swait.ge @!p1 [sflag:s21], $0x80  }
0x25: {  	[sflag:s21] =	ssyncset.done @!p1 $0x0  }
0x26: {  	s20 =	simm.s32 $0x0;
	[sflag:s21] =	ssyncadd.s32 @!p1 $0xFFFFFF80  }
.LBB2_2:
0x27: {  	p2 =	sne.s32 s20, $0x1BC0  }
.Ltmp2:
0x28: {  	_ = 	snop;
	(pc) =	sbr.rel @p2 .LBB2_2-.Ltmp2, $3  }
0x29: {  	_ =	sdelay $0x1  }
0x2a: {  	s21 =	sshra.s32 s20, $0x2  }
0x2b: {  	s20 =	sadd.s32 $0x40, s20;
	[tilespmem:s21+$0x12400] =	vst v0  }
0x2c: {  	s20 =	sadd.s32 $0x0, s11  }
0x2d: {  	[spmem:s20] =	stream.linear.scatter [tilespmem:s16], [sflag:$0x3], $0x700, $0x38;
	[tilespmem:$0x1EF00] =	vst v63  }
0x2e: {  	s20 =	simm.s32 $0x1C00;
	_ =	swait.ge [sflag:s14], $0x700  }
.LBB2_4:
0x2f: {  	s21 =	sshra.s32 s20, $0x2;
	[sflag:s14] =	ssyncset.done $0x0;
	p2 =	sne.s32 s20, $0x2F400  }
.Ltmp3:
0x30: {  	s21 =	sadd.s32 s21, s11;
	[sflag:s14] =	ssyncadd.s32 $0xFFFFF900;
	(pc) =	sbr.rel @p2 .LBB2_4-.Ltmp3, $3  }
0x31: {  	[spmem:s21] =	stream.linear.scatter [tilespmem:s16], [sflag:$0x3], $0x700, $0x38;
	[tilespmem:$0x1EF00] =	vst v63  }
0x32: {  	s20 =	sadd.s32 $0x1C00, s20;
	_ =	sdelay $0x1  }
0x33: {  	_ =	swait.ge [sflag:s14], $0x700  }
0x34: {  	[sflag:s14] =	ssyncset.done $0x0  }
0x35: {  	[sflag:s14] =	ssyncadd.s32 $0xFFFFF900  }
0x36: {  	s22 =	simm.s32 $0x0;
	s20 =	simm.s32 $0xC400;
	[bflag:$0x0] =	sbarrier.arrive $0xFFFF  }
0x37: {  	[tilespmem:s20], [sflag:$0x1] =	stream.indirect.gather [hbm4b:s4+s17], $0x10, s22, s17, $0xb8;
	[tilespmem:$0x1EF00] =	vst v63  }
0x38: {  	s1 =	simm.s32 $0xCC00  }
0x39: {  	[tilespmem:s1], [sflag:$0x1] =	stream.indirect.gather [hbm4b:s4+s17], $0x10, s17, s17, $0xb8;
	[tilespmem:$0x1EF00] =	vst v63  }
0x3a: {  	s24 =	simm.s32 $0x100;
	s25 =	simm.s32 $0xD400  }
0x3b: {  	[tilespmem:s25], [sflag:$0x1] =	stream.indirect.gather [hbm4b:s4+s17], $0x10, s24, s17, $0xb8;
	[tilespmem:$0x1EF00] =	vst v63  }
0x3c: {  	s26 =	simm.s32 $0x180;
	s29 =	simm.s32 $0xDC00  }
0x3d: {  	[tilespmem:s29], [sflag:$0x1] =	stream.indirect.gather [hbm4b:s4+s17], $0x10, s26, s17, $0xb8;
	[tilespmem:$0x1EF00] =	vst v63  }
0x3e: {  	s30 =	simm.s32 $0x200;
	s31 =	simm.s32 $0xE400;
	s21 =	simm.s32 $0xEC00  }
0x3f: {  	[tilespmem:s31], [sflag:$0x1] =	stream.indirect.gather [hbm4b:s4+s17], $0x10, s30, s17, $0xb8;
	[tilespmem:$0x1EF00] =	vst v63  }
0x40: {  	s23 =	simm.s32 $0x300;
	s20 =	simm.s32 $0x280;
	s29 =	simm.s32 $0x9  }
0x41: {  	[tilespmem:s21], [sflag:$0x1] =	stream.indirect.gather [hbm4b:s4+s17], $0x10, s20, s17, $0xb8;
	[tilespmem:$0x1EF00] =	vst v63  }
0x42: {  	p2 =	por $0x1, $0x1;
	s24 =	simm.s32 $0xF400;
	s21 =	smulhi.u32 $0xAAAAAAAB, s29  }
0x43: {  	[tilespmem:s24], [sflag:$0x1] =	stream.indirect.gather [hbm4b:s4+s17], $0x10, s23, s17, $0xb8;
	[tilespmem:$0x1EF00] =	vst v63  }
0x44: {  	p3 =	sle.u32 s5, $0x9;
	s25 =	simm.s32 $0x380;
	s23 =	sshrl.u32 s21, $0x3  }
0x45: {  	s26 =	simm.s32 $0xFC00;
	s30 =	simm.s32 $0x400;
	s23 =	smul.u32 $0xFFFE8000, s23  }
0x46: {  	[tilespmem:s26], [sflag:$0x1] =	stream.indirect.gather [hbm4b:s4+s17], $0x10, s25, s17, $0xb8;
	[tilespmem:$0x1EF00] =	vst v63  }
0x47: {  	s20 =	simm.s32 $0x6200;
	s24 =	simm.s32 @!p2 $0x2;
	s26 =	smulhi.u32 $0xAAAAAAAB, s22  }
0x48: {  	[tilespmem:s0], [sflag:$0x1] =	stream.indirect.gather [hbm4b:s4+s17], $0x10, s30, s17, $0xb8;
	[tilespmem:$0x1EF00] =	vst v63  }
0x49: {  	s21 =	simm.s32 $0x10C00;
	s25 =	simm.s32 $0x480;
	_ =	swait.ge @!p2 [sflag:s24], $0x800  }
0x4a: {  	s23 =	sshra.s32 s23, $0x2;
	s26 =	sshrl.u32 s26, $0x3;
	[sflag:s24] =	ssyncset.done @!p2 $0x0  }
0x4b: {  	s31 =	smul.u32 $0xFFFE8000, s26;
	[sflag:s24] =	ssyncadd.s32 @!p2 $0xFFFFF800;
	p2 =	sne.s32 s5, $0x1  }
.Ltmp4:
0x4c: {  	s23 =	sadd.s32 $0x10C00, s23;
	s26 =	simm.s32 @!p3 $0x80;
	(pc) =	sbr.rel @!p2 .LBB2_7-.Ltmp4, $4  }
0x4d: {  	[tilespmem:s23], [sflag:$0x1] =	stream.indirect.gather @!p3 [hbm4b:s4+s26], $0x10, s25, s26, $0xb8;
	[tilespmem:$0x1EF00] =	vst v63  }
0x4e: {  	s22 =	simm.s32 $0xCC00;
	s24 =	sshra.s32 s31, $0x2;
	s23 =	simm.s32 $0x500  }
0x4f: {  	s26 =	simm.s32 $0x1;
	s28 =	sadd.s32 $0xC400, s24;
	_ =	swait.ge [sflag:s15], $0x800  }
0x50: {  	s24 =	simm.s32 $0xA;
	s25 =	simm.s32 $0x6200;
	[sflag:s15] =	ssyncset.done $0x0  }
.LBB2_6:
0x51: {  	[sflag:s15] =	ssyncadd.s32 $0xFFFFF800;
	s25 =	sadd.s32 $0x80, s25;
	s21 =	sadd.s32 $0x800, s21  }
0x52: {  	[spmem:s2] =	stream.indirect.scatter.add.f32 [tilespmem:s28], [sflag:$0x2], $0x10, s20, s17, $0xb8;
	[tilespmem:$0x1EF00] =	vst v63  }
0x53: {  	s29 =	smov.u32 s22;
	s28 =	smulhi.u32 $0xAAAAAAAB, s24;
	s20 =	smov.u32 s25  }
0x54: {  	s30 =	smov.u32 s23;
	p2 =	slt.u32 s26, $0x3;
	s22 =	sadd.s32 $0x800, s22  }
0x55: {  	s23 =	sadd.s32 $0x80, s23;
	s1 =	smulhi.u32 $0xAAAAAAAB, s26;
	s28 =	sshrl.u32 s28, $0x3  }
0x56: {  	s26 =	sadd.s32 $0x9, s26;
	s31 =	simm.s32 @!p2 $0x2;
	s28 =	smul.u32 $0xFFFE8000, s28  }
0x57: {  	p3 =	sge.u32 s26, s5;
	_ =	swait.ge @!p2 [sflag:s31], $0x800  }
0x58: {  	s26 =	sadd.s32 $0xFFFFFFF8, s26;
	s28 =	sshra.s32 s28, $0x2;
	[sflag:s31] =	ssyncset.done @!p2 $0x0  }
0x59: {  	[sflag:s31] =	ssyncadd.s32 @!p2 $0xFFFFF800;
	p2 =	sne.s32 s26, s5  }
.Ltmp5:
0x5a: {  	s1 =	sshrl.u32 s1, $0x3;
	s28 =	sadd.s32 s28, s21;
	(pc) =	sbr.rel @p2 .LBB2_6-.Ltmp5, $4  }
0x5b: {  	s1 =	smul.u32 $0xFFFE8000, s1;
	s31 =	simm.s32 @!p3 $0x80  }
0x5c: {  	[tilespmem:s28], [sflag:$0x1] =	stream.indirect.gather @!p3 [hbm4b:s4+s31], $0x10, s30, s31, $0xb8;
	[tilespmem:$0x1EF00] =	vst v63  }
0x5d: {  	s1 =	sshra.s32 s1, $0x2;
	_ =	swait.ge [sflag:s15], $0x800  }
0x5e: {  	s24 =	sadd.s32 $0x1, s24;
	s28 =	sadd.s32 s1, s29;
	[sflag:s15] =	ssyncset.done $0x0  }
.LBB2_7:
0x5f: {  	[sflag:s15] =	ssyncadd.s32 $0xFFFFF800  }
0x60: {  	[spmem:s2] =	stream.indirect.scatter.add.f32 [tilespmem:s28], [sflag:$0x2], $0x10, s20, s17, $0xb8;
	[tilespmem:$0x1EF00] =	vst v63  }
0x61: {  	_ =	swait.ge [sflag:s18], $0x800  }
0x62: {  	[sflag:s18] =	ssyncset.done $0x0  }
0x63: {  	[sflag:s18] =	ssyncadd.s32 $0xFFFFF800  }
0x64: {  	_ =	swait.ge [sflag:s18], $0x800  }
0x65: {  	[sflag:s18] =	ssyncset.done $0x0  }
0x66: {  	[sflag:s18] =	ssyncadd.s32 $0xFFFFF800  }
.Ltmp6:
0x67: {  	_ =	swait.ge [sflag:s18], $0x800;
	(pc) =	sbr.rel @!p0 .LBB2_8-.Ltmp6, $3  }
0x68: {  	[sflag:s18] =	ssyncset.done $0x0  }
0x69: {  	[sflag:s18] =	ssyncadd.s32 $0xFFFFF800  }
0x6a: {  	[bflag:$0x0] =	sbarrier.arrive $0xFFFF;
	_ =	sdelay $0x1  }
0x6b: {  	[tilespmem:s16], [sflag:$0x3] =	stream.linear.gather [spmem:s11], $0x700, $0x38;
	[tilespmem:$0x1EF00] =	vst v63  }
0x6c: {  	_ =	swait.ge [sflag:s14], $0x700  }
0x6d: {  	[sflag:s14] =	ssyncset.done $0x0  }
0x6e: {  	s1 =	sadd.s32 $0x0, s13;
	[sflag:s14] =	ssyncadd.s32 $0xFFFFF900  }
0x6f: {  	[hbm4b:s1+s3] =	stream.linear.scatter [tilespmem:s16], [sflag:$0x3], $0x700, $0x38;
	[tilespmem:$0x1EF00] =	vst v63  }
0x70: {  	_ =	swait.ge [sflag:s14], $0x700  }
0x71: {  	s20 =	simm.s32 $0xE0;
	s21 =	smov.u32 s11;
	[sflag:s14] =	ssyncset.done $0x0  }
.LBB2_12:
0x72: {  	p2 =	sne.s32 s20, $0x17A0;
	[sflag:s14] =	ssyncadd.s32 $0xFFFFF900;
	s21 =	sadd.s32 $0x700, s21  }
0x73: {  	[tilespmem:s16], [sflag:$0x3] =	stream.linear.gather [spmem:s21], $0x700, $0x38;
	[tilespmem:$0x1EF00] =	vst v63  }
0x74: {  	s1 =	smov.u32 s20;
	s20 =	sadd.s32 $0xE0, s20;
	_ =	swait.ge [sflag:s14], $0x700  }
.Ltmp7:
0x75: {  	[sflag:s14] =	ssyncset.done $0x0;
	(pc) =	sbr.rel @p2 .LBB2_12-.Ltmp7, $4  }
0x76: {  	s1 =	sadd.s32 s1, s13;
	[sflag:s14] =	ssyncadd.s32 $0xFFFFF900  }
0x77: {  	[hbm4b:s1+s3] =	stream.linear.scatter [tilespmem:s16], [sflag:$0x3], $0x700, $0x38;
	[tilespmem:$0x1EF00] =	vst v63  }
0x78: {  	_ =	swait.ge [sflag:s14], $0x700  }
0x79: {  	[sflag:s14] =	ssyncset.done $0x0  }
.Ltmp8:
0x7a: {  	(pc) =	sbr.rel .LBB2_14-.Ltmp8, $2  }
0x7b: {  	_ =	sdelay $0x2  }
0x7c: {  	[sflag:s14] =	ssyncadd.s32 $0xFFFFF900  }
.LBB2_8:
0x7d: {  	[tilespmem:s16], [sflag:$0x3] =	stream.linear.gather [spmem:s11], $0x700, $0x38;
	[tilespmem:$0x1EF00] =	vst v63  }
0x7e: {  	_ =	swait.ge [sflag:s14], $0x700  }
0x7f: {  	[sflag:s14] =	ssyncset.done $0x0  }
0x80: {  	s1 =	sadd.s32 $0x0, s12;
	[sflag:s14] =	ssyncadd.s32 $0xFFFFF900  }
0x81: {  	[hbm4b:s1+s3] =	stream.linear.scatter [tilespmem:s16], [sflag:$0x3], $0x700, $0x38;
	[tilespmem:$0x1EF00] =	vst v63  }
0x82: {  	_ =	swait.ge [sflag:s14], $0x700  }
0x83: {  	s20 =	simm.s32 $0xE0;
	s21 =	smov.u32 s11;
	[sflag:s14] =	ssyncset.done $0x0  }
.LBB2_9:
0x84: {  	p2 =	seq.s32 s20, $0x17A0;
	[sflag:s14] =	ssyncadd.s32 $0xFFFFF900;
	s21 =	sadd.s32 $0x700, s21  }
0x85: {  	[tilespmem:s16], [sflag:$0x3] =	stream.linear.gather [spmem:s21], $0x700, $0x38;
	[tilespmem:$0x1EF00] =	vst v63  }
0x86: {  	s1 =	smov.u32 s20;
	s20 =	sadd.s32 $0xE0, s20;
	_ =	swait.ge [sflag:s14], $0x700  }
.Ltmp9:
0x87: {  	[sflag:s14] =	ssyncset.done $0x0;
	(pc) =	sbr.rel @!p2 .LBB2_9-.Ltmp9, $4  }
0x88: {  	s1 =	sadd.s32 s1, s12;
	[sflag:s14] =	ssyncadd.s32 $0xFFFFF900  }
0x89: {  	[hbm4b:s1+s3] =	stream.linear.scatter [tilespmem:s16], [sflag:$0x3], $0x700, $0x38;
	[tilespmem:$0x1EF00] =	vst v63  }
0x8a: {  	_ =	swait.ge [sflag:s14], $0x700  }
0x8b: {  	[sflag:s14] =	ssyncset.done $0x0  }
.Ltmp10:
0x8c: {  	_ = 	snop;
	(pc) =	sbr.rel .LBB2_10-.Ltmp10, $1  }
0x8d: {  	_ =	sdelay $0x3  }
.LBB2_15:
0x8e: {  	_ =	sfence.sel $0x180000  }
0x8f: {  	[bflag:$0x0] =	sbarrier.arrive $0xFFFF  }
0x90: {  	_ =	strace $0x9000004A  }
0x91: {  	s0 =	stileid.u32;
	[bflag:$0x2] =	sbarrier.arrive $0xFFFF  }
0x92: {  	p0 =	sne.s32 s0, $0x0;
	s0 =	rddreg [dreg:$0x3]  }
0x93: {  	s0 =	sadd.s32 @!p0 $0x100000, s0  }
0x94: {  	[sflag:s0] =	ssyncadd.tile.s32 @!p0 $0x1;
	_ =	shalt  }
.Lfunc_end2:
_tile_overlayer_lowered:
.L_overlay_start_2:
0x95: {  	(tag) =	ssettag $0x2  }
0x96: {  	s0 =	rddreg [dreg:$0x0];
	s2 =	stileid.u32  }
0x97: {  	s1 =	rddreg [dreg:$0x1];
	p0 =	sne.s32 s2, $0x0  }
0x98: {  	s3 =	rddreg [dreg:$0x2];
	[bflag:$0x3] =	sbarrier.arrive $0xFFFF;
	s2 =	simm.s32 @!p0 $0x1C03  }
0x99: {  	[timem:s3], [sflag:s2] =	dma.local @!p0 [hbm:s0], s1  }
0x9a: {  	s0 =	simm.s32 @!p0 $0x3  }
0x9b: {  	_ =	swait.ge @!p0 [sflag:s0], s1  }
0x9c: {  	s1 =	ssub.s32 @!p0 $0x0, s1;
	[sflag:s0] =	ssyncset.done @!p0 $0x0  }
0x9d: {  	[sflag:s0] =	ssyncadd.s32 @!p0 s1  }
0x9e: {  	[bflag:$0x3] =	sbarrier.arrive $0xFFFF  }
0x9f: {  	_ =	shalt  }

// kernel: kernel.15.cloned.1.call-start
scs
__scs_entry_jumppad:
0x0: {  	(pc) =	sbr.rel $0x88, $3  }
0x1: {  	(tag) =	ssettag $0x0;
	lr =	simm.s32 $0x1  }
0x2: {  	[smem:$0x3F9D] =	sst lr;
	_ =	strace $0xD0000000  }
0x3: {  	_ = 	snop  }
0x4: {  	_ = 	snop  }
0x5: {  	_ = 	snop  }
0x6: {  	_ = 	snop  }
0x7: {  	_ = 	snop  }
__scs_overlays_trampoline_lowered:
0x8: {  	[smem:$0x3FAC] =	sst s0  }
0x9: {  	[smem:$0x3FAD] =	sst s1  }
0xa: {  	[smem:$0x3FAE] =	sst s2  }
0xb: {  	[smem:$0x3FAF] =	sst s3  }
0xc: {  	[smem:$0x3FB0] =	sst s4  }
0xd: {  	[smem:$0x3FB1] =	sst s5  }
0xe: {  	[smem:$0x3FB2] =	sst s6  }
0xf: {  	[smem:$0x3FB3] =	sst s7  }
0x10: {  	[smem:$0x3FB4] =	sst s8  }
0x11: {  	[smem:$0x3FB5] =	sst s9;
	s0 =	simm.s32 @!p0 $0x0  }
0x12: {  	s1 =	sld [smem:$0x3F9B];
	s0 =	simm.s32 @p0 $0x1  }
0x13: {  	[smem:$0x3FB6] =	sst s0;
	s0 =	simm.s32 @!p1 $0x0  }
0x14: {  	s2 =	sld [smem:$0x3F9A];
	s0 =	simm.s32 @p1 $0x1  }
0x15: {  	[smem:$0x3FB7] =	sst s0;
	s0 =	simm.s32 @!p2 $0x0  }
0x16: {  	s3 =	sld [smem:$0x3FDB];
	s0 =	simm.s32 @p2 $0x1  }
0x17: {  	s4 =	simm.s32 $0x1BF5;
	[smem:$0x3FB9] =	sst s0  }
0x18: {  	s0 =	sld [smem:$0x3F9C];
	_ =	swait.ge [sflag:s4], $0x0  }
0x19: {  	s7 =	sld [smem:$0x3F9D]  }
0x1a: {  	s8 =	sadd.s32 $0xFFFFE003, lr  }
0x1b: {  	s9 =	sadd.s32 $0xFFFFFEF7, lr;
	s5 =	simm.s32 $0xFFFFFFFF;
	p2 =	slt.u32 s8, $0xFFFFF086  }
0x1c: {  	p1 =	slt.u32 s9, $0xF7A;
	s5 =	simm.s32 @!p2 $0x0  }
0x1d: {  	s5 =	simm.s32 @p1 $0x1;
	p0 =	seq.s32 s7, s2  }
0x1e: {  	s7 =	smul.u32 @!p0 $0xF7A, s2;
	p2 =	seq.s32 @!p0 s5, $0x0  }
0x1f: {  	s9 =	smul.u32 $0xF7A, s1;
	s8 =	simm.s32 @!p0 $0x1BF5;
	p2 =	por !p2, p0  }
0x20: {  	[sflag:s8] =	ssyncset.s32 @!p0 $0xFFFFF086;
	s6 =	sadd.s32 @!p0 s3, s7;
	s7 =	simm.s32 @!p0 $0x108  }
0x21: {  	s3 =	sadd.s32 s3, s9;
	s6 =	sadd.s32 @!p0 $0x88, s6;
	s7 =	simm.s32 @p2 $0x1082  }
0x22: {  	[simem:s7], [sflag:s8] =	dma.local @!p0 [hbm:s6], $0xF7A  }
0x23: {  	s9 =	sor.u32 $0xD0000000, s2;
	s6 =	simm.s32 $0x108;
	_ =	swait.ge @!p0 [sflag:s8], $0x0  }
0x24: {  	s3 =	sadd.s32 $0x88, s3;
	s6 =	simm.s32 @!p1 $0x1082;
	[sflag:s4] =	ssyncset.s32 $0xFFFFF086  }
0x25: {  	[simem:s6], [sflag:s4] =	dma.local [hbm:s3], $0xF7A  }
0x26: {  	[smem:$0x3F9D] =	sst s1;
	(tag) =	ssettag s2;
	_ =	strace s9  }
0x27: {  	s1 =	sld [smem:$0x3FAD]  }
0x28: {  	s2 =	sld [smem:$0x3FAE]  }
0x29: {  	s4 =	sld [smem:$0x3FB0]  }
0x2a: {  	p0 =	seq.s32 s5, $0x0;
	s5 =	sld [smem:$0x3FB1]  }
0x2b: {  	s6 =	sld [smem:$0x3FB2]  }
0x2c: {  	s7 =	sld [smem:$0x3FB3]  }
0x2d: {  	s3 =	simm.s32 $0x108;
	s8 =	sld [smem:$0x3FB4]  }
0x2e: {  	s3 =	simm.s32 @!p0 $0x1082;
	s9 =	sld [smem:$0x3FB5]  }
0x2f: {  	lr =	sadd.s32 s0, s3;
	s0 =	sld [smem:$0x3FAC]  }
0x30: {  	s3 =	sld [smem:$0x3FAF]  }
0x31: {  	[smem:$0x3FB8] =	sst s10  }
0x32: {  	s10 =	sld [smem:$0x3FB6];
	_ =	sdelay $0x3  }
0x33: {  	p0 =	seq.s32 s10, $0x1;
	s10 =	sld [smem:$0x3FB8];
	_ =	sdelay $0x3  }
0x34: {  	[smem:$0x3FB8] =	sst s10  }
0x35: {  	s10 =	sld [smem:$0x3FB7];
	_ =	sdelay $0x3  }
0x36: {  	p1 =	seq.s32 s10, $0x1;
	s10 =	sld [smem:$0x3FB8];
	_ =	sdelay $0x3  }
0x37: {  	[smem:$0x3FB8] =	sst s10  }
0x38: {  	s10 =	sld [smem:$0x3FB9]  }
0x39: {  	_ = 	snop;
	(pc) =	sbr.ind lr, $3  }
0x3a: {  	_ = 	snop  }
0x3b: {  	_ = 	snop  }
0x3c: {  	p2 =	seq.s32 s10, $0x1;
	s10 =	sld [smem:$0x3FB8]  }
0x3d: {  	_ =	shalt  }
0x3e: {  	_ =	shalt  }
0x3f: {  	_ =	shalt  }
0x40: {  	_ =	shalt  }
0x41: {  	_ =	shalt  }
0x42: {  	_ =	shalt  }
0x43: {  	_ =	shalt  }
0x44: {  	_ =	shalt  }
0x45: {  	_ =	shalt  }
0x46: {  	_ =	shalt  }
0x47: {  	_ =	shalt  }
0x48: {  	_ =	shalt  }
0x49: {  	_ =	shalt  }
0x4a: {  	_ =	shalt  }
0x4b: {  	_ =	shalt  }
0x4c: {  	_ =	shalt  }
0x4d: {  	_ =	shalt  }
0x4e: {  	_ =	shalt  }
0x4f: {  	_ =	shalt  }
0x50: {  	_ =	shalt  }
0x51: {  	_ =	shalt  }
0x52: {  	_ =	shalt  }
0x53: {  	_ =	shalt  }
0x54: {  	_ =	shalt  }
0x55: {  	_ =	shalt  }
0x56: {  	_ =	shalt  }
0x57: {  	_ =	shalt  }
0x58: {  	_ =	shalt  }
0x59: {  	_ =	shalt  }
0x5a: {  	_ =	shalt  }
0x5b: {  	_ =	shalt  }
0x5c: {  	_ =	shalt  }
0x5d: {  	_ =	shalt  }
0x5e: {  	_ =	shalt  }
0x5f: {  	_ =	shalt  }
0x60: {  	_ =	shalt  }
0x61: {  	_ =	shalt  }
0x62: {  	_ =	shalt  }
0x63: {  	_ =	shalt  }
0x64: {  	_ =	shalt  }
0x65: {  	_ =	shalt  }
0x66: {  	_ =	shalt  }
0x67: {  	_ =	shalt  }
0x68: {  	_ =	shalt  }
0x69: {  	_ =	shalt  }
0x6a: {  	_ =	shalt  }
0x6b: {  	_ =	shalt  }
0x6c: {  	_ =	shalt  }
0x6d: {  	_ =	shalt  }
0x6e: {  	_ =	shalt  }
0x6f: {  	_ =	shalt  }
0x70: {  	_ =	shalt  }
0x71: {  	_ =	shalt  }
0x72: {  	_ =	shalt  }
0x73: {  	_ =	shalt  }
0x74: {  	_ =	shalt  }
0x75: {  	_ =	shalt  }
0x76: {  	_ =	shalt  }
0x77: {  	_ =	shalt  }
0x78: {  	_ =	shalt  }
0x79: {  	_ =	shalt  }
0x7a: {  	_ =	shalt  }
0x7b: {  	_ =	shalt  }
0x7c: {  	_ =	shalt  }
0x7d: {  	_ =	shalt  }
0x7e: {  	_ =	shalt  }
0x7f: {  	_ =	shalt  }
0x80: {  	_ =	shalt  }
0x81: {  	_ =	shalt  }
0x82: {  	_ =	shalt  }
0x83: {  	_ =	shalt  }
0x84: {  	_ =	shalt  }
0x85: {  	_ =	shalt  }
0x86: {  	_ =	shalt  }
0x87: {  	_ =	shalt  }
.Lfunc_end0:
.L_simem_size_0:
called_computation.2_lowered:
.L_overlay_start_0:
0x88: {  	s2 =	sld [smem:$0x3FD9]  }
0x89: {  	s3 =	sld [smem:$0x3FFE];
	_ =	sdelay $0x1  }
0x8a: {  	s1 =	srdreg.scid  }
0x8b: {  	s0 =	sand.u32 $0x1, s1  }
0x8c: {  	s17 =	sshll.u32 s0, $0xA;
	s2 =	sadd.s32 s3, s2  }
0x8d: {  	s2 =	sadd.s32 s2, s17  }
0x8e: {  	[smem:$0x3FC4] =	sst s2  }
0x8f: {  	_ = 	snop  }
0x90: {  	s2 =	sld [smem:$0x3FD0];
	(tm) =	ssettm $0x1  }
0x91: {  	s18 =	sld [smem:$0x3FFB];
	_ =	sdelay $0x3  }
0x92: {  	_ =	strace s18  }
0x93: {  	s3 =	sld [smem:$0x3FFC];
	_ =	sdelay $0x3  }
0x94: {  	_ =	strace s3  }
0x95: {  	s3 =	sld [smem:$0x3FFD];
	_ =	sdelay $0x3  }
0x96: {  	_ =	strace s3  }
0x97: {  	_ =	strace $0x8FFFFFFF  }
0x98: {  	s19 =	sld [smem:$0x3FDB];
	_ =	sdelay $0x1  }
0x99: {  	s4 =	simm.s32 $_scs_section_size  }
0x9a: {  	s5 =	simm.s32 $_size__tile_overlayer_lowered;
	s6 =	simm.s32 $_tile_overlayer_lowered  }
0x9b: {  	s22 =	simm.s32 $0x1BFF;
	s21 =	sshll.u32 s6, $0x1;
	s3 =	sadd.s32 s4, s19  }
0x9c: {  	s7 =	simm.s32 $0x0;
	s20 =	sshll.u32 s5, $0x1;
	s5 =	sadd.s32 s21, s3  }
0x9d: {  	[timem:s7], [sflag:s22] =	dma.local [hbm:s5], s20  }
0x9e: {  	_ =	swait.ge [sflag:s22], s20  }
0x9f: {  	s4 =	ssub.s32 $0x0, s20;
	[sflag:s22] =	ssyncset.done $0x0  }
0xa0: {  	[sflag:s22] =	ssyncadd.s32 s4;
	_ =	sdelay $0x1  }
0xa1: {  	s23 =	simm.s32 $0x1B8B  }
0xa2: {  	_ =	swait.ge [sflag:s23], $0x1  }
0xa3: {  	[sflag:s23] =	ssyncset.done $0x0  }
0xa4: {  	s25 =	simm.s32 $0x1B8E;
	s24 =	sld [smem:$0x3FFE];
	[sflag:s23] =	ssyncadd.s32 $0xFFFFFFFF  }
0xa5: {  	s26 =	simm.s32 $execute0_lowered;
	[smem:$0x3FD2] =	sst s25  }
0xa6: {  	s5 =	sshll.u32 s26, $0x1;
	_ =	strace $0x8000004C;
	[dreg:$0x1] =	wrdreg $0xFFFFFFFF  }
0xa7: {  	s28 =	simm.s32 $_size_execute0_lowered;
	s3 =	sadd.s32 s3, s5;
	[dreg:$0x0] =	wrdreg $0x0  }
0xa8: {  	s5 =	sshll.u32 s28, $0x1;
	[dreg:$0x2] =	wrdreg s3  }
0xa9: {  	[dreg:$0x3] =	wrdreg s5  }
0xaa: {  	[dreg:$0x4] =	wrdreg $0xC0  }
0xab: {  	_ =	task [dreg:s7], $0x5FFFF  }
0xac: {  	[dreg:$0x1] =	wrdreg $0xFFFFFFFF  }
0xad: {  	[dreg:$0x0] =	wrdreg $0x60  }
0xae: {  	[dreg:$0x2] =	wrdreg s24  }
0xaf: {  	[dreg:$0x3] =	wrdreg s2  }
0xb0: {  	[dreg:$0x4] =	wrdreg $0x12B000  }
0xb1: {  	[dreg:$0x5] =	wrdreg $0x9  }
0xb2: {  	_ =	task.clear_ibuf [dreg:s7], $0x6FFFF;
	_ =	strace $0x9000004C  }
0xb3: {  	s29 =	simm.s32 $0x9;
	_ =	strace $0x8000004E  }
0xb4: {  	_ =	swait.ge [sflag:s29], $0x1  }
0xb5: {  	[sflag:s29] =	ssyncadd.s32 $0xFFFFFFFF  }
0xb6: {  	_ =	strace $0x9000004E  }
0xb7: {  	_ =	sfence  }
0xb8: {  	s30 =	sld [smem:$0x0];
	_ =	sdelay $0x2  }
0xb9: {  	s31 =	sshll.u32 s1, $0xD;
	s1 =	sshrl.u32 s1, $0x2  }
0xba: {  	s3 =	sand.u32 $0x4000, s31;
	s1 =	sadd.s32 s1, s30  }
0xbb: {  	s0 =	sor.u32 s3, s0;
	s1 =	sshll.u32 s1, $0x11  }
0xbc: {  	s0 =	sor.u32 s1, s0  }
0xbd: {  	s0 =	sadd.s32 $0x8F2B, s0  }
0xbe: {  	[sflag:s0] =	ssyncadd.remote.s32 $0x1  }
0xbf: {  	_ =	sfence.sel $0xFFFF  }
0xc0: {  	[dreg:$0x0] =	wrdreg $0xFFFFFFFF;
	(pc) =	sbr.abs _section_cstart, $3  }
0xc1: {  	[dreg:$0x1] =	wrdreg $0xFFFFFFFF  }
0xc2: {  	_ =	task.clear_ibuf [dreg:s7], $0x2FFFF;
	_ =	strace $0x9FFFFFFF  }
0xc3: {  	(tm) =	ssettm $0x7FFFFFFF  }
tec
execute0_lowered:
.L_overlay_start_1:
0x0: {  	(tag) =	ssettag $0x1  }
0x1: {  	s0 =	srdreg.scid  }
0x2: {  	s14 =	stileid.u32;
	s1 =	rddreg [dreg:$0x0]  }
0x3: {  	s7 =	rddreg [dreg:$0x1];
	s3 =	simm.s32 $0x0;
	s16 =	simm.s32 $0x12400  }
0x4: {  	s17 =	simm.s32 $0x80;
	s15 =	simm.s32 $0x1;
	s18 =	simm.s32 $0x2  }
0x5: {  	s19 =	simm.s32 $0x0;
	s0 =	sand.u32 $0x1, s0;
	s2 =	sshll.u32 s14, $0x1  }
0x6: {  	[smem:$0x7FF] =	sst s3;
	s6 =	smul.u32 $0x1880, s14;
	p0 =	slt.u32 s14, $0x5  }
0x7: {  	s11 =	smul.u32 $0x31000, s14;
	p1 =	sgt.u32 s14, $0x4;
	s14 =	simm.s32 $0x3  }
0x8: {  	s4 =	sor.u32 s0, s2;
	s2 =	rddreg [dreg:$0x2];
	s30 =	ssub.s32 $0x2, s0  }
0x9: {  	_ =	strace $0x8000004D;
	s5 =	smul.u32 $0xC3, s4;
	s10 =	sshrl.u32 s30, $0x1  }
0xa: {  	s4 =	smin.u32 s4, $0xA;
	s31 =	sshrl.u32 s11, $0x2;
	s10 =	ssub.s32 s30, s10  }
0xb: {  	s11 =	sadd.s32 s31, s2;
	s5 =	sadd.s32 s4, s5;
	s4 =	sadd.s32 $0x34E00, s1  }
.Ltmp0:
0xc: {  	s10 =	smax.u32 s10, $0x1;
	s8 =	sshll.u32 s5, $0x4;
	(pc) =	sbr.rel .LBB2_1-.Ltmp0, $4  }
0xd: {  	s5 =	simm.s32 $0xC4;
	s9 =	sadd.s32 s8, s1;
	s1 =	sadd.s32 s6, s1  }
0xe: {  	s5 =	simm.s32 @!p0 $0xC3;
	s7 =	sadd.s32 s7, s8;
	p0 =	seq.s32 s0, $0x1  }
0xf: {  	s0 =	simm.s32 $0x10400;
	s6 =	sadd.s32 $0x1C6A0, s9;
	s8 =	sadd.s32 $0x1D2D0, s9  }
0x10: {  	v0 =	vimm.f32 $0.0e+00;
	s9 =	sadd.s32 $0xC30, s7;
	s12 =	sadd.s32 $0x4D600, s1;
	s13 =	sadd.s32 $0x65E00, s1  }
.LBB2_10:
0x11: {  	[sflag:s14] =	ssyncadd.s32 $0xFFFFF900  }
.LBB2_14:
0x12: {  	s19 =	sadd.s32 $0x1, s19  }
0x13: {  	p2 =	sne.s32 s19, s10  }
.Ltmp1:
0x14: {  	_ = 	snop;
	(pc) =	sbr.rel @!p2 .LBB2_15-.Ltmp1, $1  }
0x15: {  	_ =	sdelay $0x3  }
.LBB2_1:
0x16: {  	[tilespmem:s3], [sflag:$0x3] =	stream.linear.gather [hbm4b:s6+s3], $0x6180, $0x38;
	[tilespmem:$0x1EF00] =	vst v63  }
0x17: {  	_ =	swait.ge [sflag:s14], $0x6180  }
0x18: {  	[sflag:s14] =	ssyncset.done $0x0  }
0x19: {  	s1 =	simm.s32 $0x6200;
	[sflag:s14] =	ssyncadd.s32 $0xFFFF9E80  }
0x1a: {  	[tilespmem:s1], [sflag:$0x3] =	stream.linear.gather [hbm4b:s7+s3], $0x6180, $0x38;
	[tilespmem:$0x1EF00] =	vst v63  }
0x1b: {  	_ =	swait.ge [sflag:s14], $0x6180  }
0x1c: {  	[sflag:s14] =	ssyncset.done $0x0  }
0x1d: {  	s20 =	simm.s32 @!p1 $0x0;
	s21 =	simm.s32 @!p1 $0x6180;
	[sflag:s14] =	ssyncadd.s32 $0xFFFF9E80  }
0x1e: {  	[tilespmem:s21], [sflag:$0x3] =	stream.linear.gather @!p1 [hbm4b:s8+s20], $0x80, $0x38;
	[tilespmem:$0x1EF00] =	vst v63  }
0x1f: {  	s21 =	simm.s32 @!p1 $0x3  }
0x20: {  	_ =	swait.ge @!p1 [sflag:s21], $0x80  }
0x21: {  	[sflag:s21] =	ssyncset.done @!p1 $0x0  }
0x22: {  	s22 =	simm.s32 @!p1 $0xC380;
	[sflag:s21] =	ssyncadd.s32 @!p1 $0xFFFFFF80  }
0x23: {  	[tilespmem:s22], [sflag:$0x3] =	stream.linear.gather @!p1 [hbm4b:s9+s20], $0x80, $0x38;
	[tilespmem:$0x1EF00] =	vst v63  }
0x24: {  	_ =	swait.ge @!p1 [sflag:s21], $0x80  }
0x25: {  	[sflag:s21] =	ssyncset.done @!p1 $0x0  }
0x26: {  	s20 =	simm.s32 $0x0;
	[sflag:s21] =	ssyncadd.s32 @!p1 $0xFFFFFF80  }
.LBB2_2:
0x27: {  	p2 =	sne.s32 s20, $0x1BC0  }
.Ltmp2:
0x28: {  	_ = 	snop;
	(pc) =	sbr.rel @p2 .LBB2_2-.Ltmp2, $3  }
0x29: {  	_ =	sdelay $0x1  }
0x2a: {  	s21 =	sshra.s32 s20, $0x2  }
0x2b: {  	s20 =	sadd.s32 $0x40, s20;
	[tilespmem:s21+$0x12400] =	vst v0  }
0x2c: {  	s20 =	sadd.s32 $0x0, s11  }
0x2d: {  	[spmem:s20] =	stream.linear.scatter [tilespmem:s16], [sflag:$0x3], $0x700, $0x38;
	[tilespmem:$0x1EF00] =	vst v63  }
0x2e: {  	s20 =	simm.s32 $0x1C00;
	_ =	swait.ge [sflag:s14], $0x700  }
.LBB2_4:
0x2f: {  	s21 =	sshra.s32 s20, $0x2;
	[sflag:s14] =	ssyncset.done $0x0;
	p2 =	sne.s32 s20, $0x2F400  }
.Ltmp3:
0x30: {  	s21 =	sadd.s32 s21, s11;
	[sflag:s14] =	ssyncadd.s32 $0xFFFFF900;
	(pc) =	sbr.rel @p2 .LBB2_4-.Ltmp3, $3  }
0x31: {  	[spmem:s21] =	stream.linear.scatter [tilespmem:s16], [sflag:$0x3], $0x700, $0x38;
	[tilespmem:$0x1EF00] =	vst v63  }
0x32: {  	s20 =	sadd.s32 $0x1C00, s20;
	_ =	sdelay $0x1  }
0x33: {  	_ =	swait.ge [sflag:s14], $0x700  }
0x34: {  	[sflag:s14] =	ssyncset.done $0x0  }
0x35: {  	[sflag:s14] =	ssyncadd.s32 $0xFFFFF900  }
0x36: {  	s22 =	simm.s32 $0x0;
	s20 =	simm.s32 $0xC400;
	[bflag:$0x0] =	sbarrier.arrive $0xFFFF  }
0x37: {  	[tilespmem:s20], [sflag:$0x1] =	stream.indirect.gather [hbm4b:s4+s17], $0x10, s22, s17, $0xb8;
	[tilespmem:$0x1EF00] =	vst v63  }
0x38: {  	s1 =	simm.s32 $0xCC00  }
0x39: {  	[tilespmem:s1], [sflag:$0x1] =	stream.indirect.gather [hbm4b:s4+s17], $0x10, s17, s17, $0xb8;
	[tilespmem:$0x1EF00] =	vst v63  }
0x3a: {  	s24 =	simm.s32 $0x100;
	s25 =	simm.s32 $0xD400  }
0x3b: {  	[tilespmem:s25], [sflag:$0x1] =	stream.indirect.gather [hbm4b:s4+s17], $0x10, s24, s17, $0xb8;
	[tilespmem:$0x1EF00] =	vst v63  }
0x3c: {  	s26 =	simm.s32 $0x180;
	s29 =	simm.s32 $0xDC00  }
0x3d: {  	[tilespmem:s29], [sflag:$0x1] =	stream.indirect.gather [hbm4b:s4+s17], $0x10, s26, s17, $0xb8;
	[tilespmem:$0x1EF00] =	vst v63  }
0x3e: {  	s30 =	simm.s32 $0x200;
	s31 =	simm.s32 $0xE400;
	s21 =	simm.s32 $0xEC00  }
0x3f: {  	[tilespmem:s31], [sflag:$0x1] =	stream.indirect.gather [hbm4b:s4+s17], $0x10, s30, s17, $0xb8;
	[tilespmem:$0x1EF00] =	vst v63  }
0x40: {  	s23 =	simm.s32 $0x300;
	s20 =	simm.s32 $0x280;
	s29 =	simm.s32 $0x9  }
0x41: {  	[tilespmem:s21], [sflag:$0x1] =	stream.indirect.gather [hbm4b:s4+s17], $0x10, s20, s17, $0xb8;
	[tilespmem:$0x1EF00] =	vst v63  }
0x42: {  	p2 =	por $0x1, $0x1;
	s24 =	simm.s32 $0xF400;
	s21 =	smulhi.u32 $0xAAAAAAAB, s29  }
0x43: {  	[tilespmem:s24], [sflag:$0x1] =	stream.indirect.gather [hbm4b:s4+s17], $0x10, s23, s17, $0xb8;
	[tilespmem:$0x1EF00] =	vst v63  }
0x44: {  	p3 =	sle.u32 s5, $0x9;
	s25 =	simm.s32 $0x380;
	s23 =	sshrl.u32 s21, $0x3  }
0x45: {  	s26 =	simm.s32 $0xFC00;
	s30 =	simm.s32 $0x400;
	s23 =	smul.u32 $0xFFFE8000, s23  }
0x46: {  	[tilespmem:s26], [sflag:$0x1] =	stream.indirect.gather [hbm4b:s4+s17], $0x10, s25, s17, $0xb8;
	[tilespmem:$0x1EF00] =	vst v63  }
0x47: {  	s20 =	simm.s32 $0x6200;
	s24 =	simm.s32 @!p2 $0x2;
	s26 =	smulhi.u32 $0xAAAAAAAB, s22  }
0x48: {  	[tilespmem:s0], [sflag:$0x1] =	stream.indirect.gather [hbm4b:s4+s17], $0x10, s30, s17, $0xb8;
	[tilespmem:$0x1EF00] =	vst v63  }
0x49: {  	s21 =	simm.s32 $0x10C00;
	s25 =	simm.s32 $0x480;
	_ =	swait.ge @!p2 [sflag:s24], $0x800  }
0x4a: {  	s23 =	sshra.s32 s23, $0x2;
	s26 =	sshrl.u32 s26, $0x3;
	[sflag:s24] =	ssyncset.done @!p2 $0x0  }
0x4b: {  	s31 =	smul.u32 $0xFFFE8000, s26;
	[sflag:s24] =	ssyncadd.s32 @!p2 $0xFFFFF800;
	p2 =	sne.s32 s5, $0x1  }
.Ltmp4:
0x4c: {  	s23 =	sadd.s32 $0x10C00, s23;
	s26 =	simm.s32 @!p3 $0x80;
	(pc) =	sbr.rel @!p2 .LBB2_7-.Ltmp4, $4  }
0x4d: {  	[tilespmem:s23], [sflag:$0x1] =	stream.indirect.gather @!p3 [hbm4b:s4+s26], $0x10, s25, s26, $0xb8;
	[tilespmem:$0x1EF00] =	vst v63  }
0x4e: {  	s22 =	simm.s32 $0xCC00;
	s24 =	sshra.s32 s31, $0x2;
	s23 =	simm.s32 $0x500  }
0x4f: {  	s26 =	simm.s32 $0x1;
	s28 =	sadd.s32 $0xC400, s24;
	_ =	swait.ge [sflag:s15], $0x800  }
0x50: {  	s24 =	simm.s32 $0xA;
	s25 =	simm.s32 $0x6200;
	[sflag:s15] =	ssyncset.done $0x0  }
.LBB2_6:
0x51: {  	[sflag:s15] =	ssyncadd.s32 $0xFFFFF800;
	s25 =	sadd.s32 $0x80, s25;
	s21 =	sadd.s32 $0x800, s21  }
0x52: {  	[spmem:s2] =	stream.indirect.scatter.add.f32 [tilespmem:s28], [sflag:$0x2], $0x10, s20, s17, $0xb8;
	[tilespmem:$0x1EF00] =	vst v63  }
0x53: {  	s29 =	smov.u32 s22;
	s28 =	smulhi.u32 $0xAAAAAAAB, s24;
	s20 =	smov.u32 s25  }
0x54: {  	s30 =	smov.u32 s23;
	p2 =	slt.u32 s26, $0x3;
	s22 =	sadd.s32 $0x800, s22  }
0x55: {  	s23 =	sadd.s32 $0x80, s23;
	s1 =	smulhi.u32 $0xAAAAAAAB, s26;
	s28 =	sshrl.u32 s28, $0x3  }
0x56: {  	s26 =	sadd.s32 $0x9, s26;
	s31 =	simm.s32 @!p2 $0x2;
	s28 =	smul.u32 $0xFFFE8000, s28  }
0x57: {  	p3 =	sge.u32 s26, s5;
	_ =	swait.ge @!p2 [sflag:s31], $0x800  }
0x58: {  	s26 =	sadd.s32 $0xFFFFFFF8, s26;
	s28 =	sshra.s32 s28, $0x2;
	[sflag:s31] =	ssyncset.done @!p2 $0x0  }
0x59: {  	[sflag:s31] =	ssyncadd.s32 @!p2 $0xFFFFF800;
	p2 =	sne.s32 s26, s5  }
.Ltmp5:
0x5a: {  	s1 =	sshrl.u32 s1, $0x3;
	s28 =	sadd.s32 s28, s21;
	(pc) =	sbr.rel @p2 .LBB2_6-.Ltmp5, $4  }
0x5b: {  	s1 =	smul.u32 $0xFFFE8000, s1;
	s31 =	simm.s32 @!p3 $0x80  }
0x5c: {  	[tilespmem:s28], [sflag:$0x1] =	stream.indirect.gather @!p3 [hbm4b:s4+s31], $0x10, s30, s31, $0xb8;
	[tilespmem:$0x1EF00] =	vst v63  }
0x5d: {  	s1 =	sshra.s32 s1, $0x2;
	_ =	swait.ge [sflag:s15], $0x800  }
0x5e: {  	s24 =	sadd.s32 $0x1, s24;
	s28 =	sadd.s32 s1, s29;
	[sflag:s15] =	ssyncset.done $0x0  }
.LBB2_7:
0x5f: {  	[sflag:s15] =	ssyncadd.s32 $0xFFFFF800  }
0x60: {  	[spmem:s2] =	stream.indirect.scatter.add.f32 [tilespmem:s28], [sflag:$0x2], $0x10, s20, s17, $0xb8;
	[tilespmem:$0x1EF00] =	vst v63  }
0x61: {  	_ =	swait.ge [sflag:s18], $0x800  }
0x62: {  	[sflag:s18] =	ssyncset.done $0x0  }
0x63: {  	[sflag:s18] =	ssyncadd.s32 $0xFFFFF800  }
0x64: {  	_ =	swait.ge [sflag:s18], $0x800  }
0x65: {  	[sflag:s18] =	ssyncset.done $0x0  }
0x66: {  	[sflag:s18] =	ssyncadd.s32 $0xFFFFF800  }
.Ltmp6:
0x67: {  	_ =	swait.ge [sflag:s18], $0x800;
	(pc) =	sbr.rel @!p0 .LBB2_8-.Ltmp6, $3  }
0x68: {  	[sflag:s18] =	ssyncset.done $0x0  }
0x69: {  	[sflag:s18] =	ssyncadd.s32 $0xFFFFF800  }
0x6a: {  	[bflag:$0x0] =	sbarrier.arrive $0xFFFF;
	_ =	sdelay $0x1  }
0x6b: {  	[tilespmem:s16], [sflag:$0x3] =	stream.linear.gather [spmem:s11], $0x700, $0x38;
	[tilespmem:$0x1EF00] =	vst v63  }
0x6c: {  	_ =	swait.ge [sflag:s14], $0x700  }
0x6d: {  	[sflag:s14] =	ssyncset.done $0x0  }
0x6e: {  	s1 =	sadd.s32 $0x0, s13;
	[sflag:s14] =	ssyncadd.s32 $0xFFFFF900  }
0x6f: {  	[hbm4b:s1+s3] =	stream.linear.scatter [tilespmem:s16], [sflag:$0x3], $0x700, $0x38;
	[tilespmem:$0x1EF00] =	vst v63  }
0x70: {  	_ =	swait.ge [sflag:s14], $0x700  }
0x71: {  	s20 =	simm.s32 $0xE0;
	s21 =	smov.u32 s11;
	[sflag:s14] =	ssyncset.done $0x0  }
.LBB2_12:
0x72: {  	p2 =	sne.s32 s20, $0x17A0;
	[sflag:s14] =	ssyncadd.s32 $0xFFFFF900;
	s21 =	sadd.s32 $0x700, s21  }
0x73: {  	[tilespmem:s16], [sflag:$0x3] =	stream.linear.gather [spmem:s21], $0x700, $0x38;
	[tilespmem:$0x1EF00] =	vst v63  }
0x74: {  	s1 =	smov.u32 s20;
	s20 =	sadd.s32 $0xE0, s20;
	_ =	swait.ge [sflag:s14], $0x700  }
.Ltmp7:
0x75: {  	[sflag:s14] =	ssyncset.done $0x0;
	(pc) =	sbr.rel @p2 .LBB2_12-.Ltmp7, $4  }
0x76: {  	s1 =	sadd.s32 s1, s13;
	[sflag:s14] =	ssyncadd.s32 $0xFFFFF900  }
0x77: {  	[hbm4b:s1+s3] =	stream.linear.scatter [tilespmem:s16], [sflag:$0x3], $0x700, $0x38;
	[tilespmem:$0x1EF00] =	vst v63  }
0x78: {  	_ =	swait.ge [sflag:s14], $0x700  }
0x79: {  	[sflag:s14] =	ssyncset.done $0x0  }
.Ltmp8:
0x7a: {  	(pc) =	sbr.rel .LBB2_14-.Ltmp8, $2  }
0x7b: {  	_ =	sdelay $0x2  }
0x7c: {  	[sflag:s14] =	ssyncadd.s32 $0xFFFFF900  }
.LBB2_8:
0x7d: {  	[tilespmem:s16], [sflag:$0x3] =	stream.linear.gather [spmem:s11], $0x700, $0x38;
	[tilespmem:$0x1EF00] =	vst v63  }
0x7e: {  	_ =	swait.ge [sflag:s14], $0x700  }
0x7f: {  	[sflag:s14] =	ssyncset.done $0x0  }
0x80: {  	s1 =	sadd.s32 $0x0, s12;
	[sflag:s14] =	ssyncadd.s32 $0xFFFFF900  }
0x81: {  	[hbm4b:s1+s3] =	stream.linear.scatter [tilespmem:s16], [sflag:$0x3], $0x700, $0x38;
	[tilespmem:$0x1EF00] =	vst v63  }
0x82: {  	_ =	swait.ge [sflag:s14], $0x700  }
0x83: {  	s20 =	simm.s32 $0xE0;
	s21 =	smov.u32 s11;
	[sflag:s14] =	ssyncset.done $0x0  }
.LBB2_9:
0x84: {  	p2 =	seq.s32 s20, $0x17A0;
	[sflag:s14] =	ssyncadd.s32 $0xFFFFF900;
	s21 =	sadd.s32 $0x700, s21  }
0x85: {  	[tilespmem:s16], [sflag:$0x3] =	stream.linear.gather [spmem:s21], $0x700, $0x38;
	[tilespmem:$0x1EF00] =	vst v63  }
0x86: {  	s1 =	smov.u32 s20;
	s20 =	sadd.s32 $0xE0, s20;
	_ =	swait.ge [sflag:s14], $0x700  }
.Ltmp9:
0x87: {  	[sflag:s14] =	ssyncset.done $0x0;
	(pc) =	sbr.rel @!p2 .LBB2_9-.Ltmp9, $4  }
0x88: {  	s1 =	sadd.s32 s1, s12;
	[sflag:s14] =	ssyncadd.s32 $0xFFFFF900  }
0x89: {  	[hbm4b:s1+s3] =	stream.linear.scatter [tilespmem:s16], [sflag:$0x3], $0x700, $0x38;
	[tilespmem:$0x1EF00] =	vst v63  }
0x8a: {  	_ =	swait.ge [sflag:s14], $0x700  }
0x8b: {  	[sflag:s14] =	ssyncset.done $0x0  }
.Ltmp10:
0x8c: {  	_ = 	snop;
	(pc) =	sbr.rel .LBB2_10-.Ltmp10, $1  }
0x8d: {  	_ =	sdelay $0x3  }
.LBB2_15:
0x8e: {  	_ =	sfence.sel $0x180000  }
0x8f: {  	[bflag:$0x0] =	sbarrier.arrive $0xFFFF  }
0x90: {  	_ =	strace $0x9000004D  }
0x91: {  	s0 =	stileid.u32;
	[bflag:$0x2] =	sbarrier.arrive $0xFFFF  }
0x92: {  	p0 =	sne.s32 s0, $0x0;
	s0 =	rddreg [dreg:$0x3]  }
0x93: {  	s0 =	sadd.s32 @!p0 $0x100000, s0  }
0x94: {  	[sflag:s0] =	ssyncadd.tile.s32 @!p0 $0x1;
	_ =	shalt  }
.Lfunc_end2:
_tile_overlayer_lowered:
.L_overlay_start_2:
0x95: {  	(tag) =	ssettag $0x2  }
0x96: {  	s0 =	rddreg [dreg:$0x0];
	s2 =	stileid.u32  }
0x97: {  	s1 =	rddreg [dreg:$0x1];
	p0 =	sne.s32 s2, $0x0  }
0x98: {  	s3 =	rddreg [dreg:$0x2];
	[bflag:$0x3] =	sbarrier.arrive $0xFFFF;
	s2 =	simm.s32 @!p0 $0x1C03  }
0x99: {  	[timem:s3], [sflag:s2] =	dma.local @!p0 [hbm:s0], s1  }
0x9a: {  	s0 =	simm.s32 @!p0 $0x3  }
0x9b: {  	_ =	swait.ge @!p0 [sflag:s0], s1  }
0x9c: {  	s1 =	ssub.s32 @!p0 $0x0, s1;
	[sflag:s0] =	ssyncset.done @!p0 $0x0  }
0x9d: {  	[sflag:s0] =	ssyncadd.s32 @!p0 s1  }
0x9e: {  	[bflag:$0x3] =	sbarrier.arrive $0xFFFF  }
0x9f: {  	_ =	shalt  }

// kernel: kernel.9.cloned.1.call-start
scs
__scs_entry_jumppad:
0x0: {  	(pc) =	sbr.rel $0x88, $3  }
0x1: {  	(tag) =	ssettag $0x0;
	lr =	simm.s32 $0x1  }
0x2: {  	[smem:$0x3F9D] =	sst lr;
	_ =	strace $0xD0000000  }
0x3: {  	_ = 	snop  }
0x4: {  	_ = 	snop  }
0x5: {  	_ = 	snop  }
0x6: {  	_ = 	snop  }
0x7: {  	_ = 	snop  }
__scs_overlays_trampoline_lowered:
0x8: {  	[smem:$0x3FAC] =	sst s0  }
0x9: {  	[smem:$0x3FAD] =	sst s1  }
0xa: {  	[smem:$0x3FAE] =	sst s2  }
0xb: {  	[smem:$0x3FAF] =	sst s3  }
0xc: {  	[smem:$0x3FB0] =	sst s4  }
0xd: {  	[smem:$0x3FB1] =	sst s5  }
0xe: {  	[smem:$0x3FB2] =	sst s6  }
0xf: {  	[smem:$0x3FB3] =	sst s7  }
0x10: {  	[smem:$0x3FB4] =	sst s8  }
0x11: {  	[smem:$0x3FB5] =	sst s9;
	s0 =	simm.s32 @!p0 $0x0  }
0x12: {  	s1 =	sld [smem:$0x3F9B];
	s0 =	simm.s32 @p0 $0x1  }
0x13: {  	[smem:$0x3FB6] =	sst s0;
	s0 =	simm.s32 @!p1 $0x0  }
0x14: {  	s2 =	sld [smem:$0x3F9A];
	s0 =	simm.s32 @p1 $0x1  }
0x15: {  	[smem:$0x3FB7] =	sst s0;
	s0 =	simm.s32 @!p2 $0x0  }
0x16: {  	s3 =	sld [smem:$0x3FDB];
	s0 =	simm.s32 @p2 $0x1  }
0x17: {  	s4 =	simm.s32 $0x1BF5;
	[smem:$0x3FB9] =	sst s0  }
0x18: {  	s0 =	sld [smem:$0x3F9C];
	_ =	swait.ge [sflag:s4], $0x0  }
0x19: {  	s7 =	sld [smem:$0x3F9D]  }
0x1a: {  	s8 =	sadd.s32 $0xFFFFE003, lr  }
0x1b: {  	s9 =	sadd.s32 $0xFFFFFEF7, lr;
	s5 =	simm.s32 $0xFFFFFFFF;
	p2 =	slt.u32 s8, $0xFFFFF086  }
0x1c: {  	p1 =	slt.u32 s9, $0xF7A;
	s5 =	simm.s32 @!p2 $0x0  }
0x1d: {  	s5 =	simm.s32 @p1 $0x1;
	p0 =	seq.s32 s7, s2  }
0x1e: {  	s7 =	smul.u32 @!p0 $0xF7A, s2;
	p2 =	seq.s32 @!p0 s5, $0x0  }
0x1f: {  	s9 =	smul.u32 $0xF7A, s1;
	s8 =	simm.s32 @!p0 $0x1BF5;
	p2 =	por !p2, p0  }
0x20: {  	[sflag:s8] =	ssyncset.s32 @!p0 $0xFFFFF086;
	s6 =	sadd.s32 @!p0 s3, s7;
	s7 =	simm.s32 @!p0 $0x108  }
0x21: {  	s3 =	sadd.s32 s3, s9;
	s6 =	sadd.s32 @!p0 $0x88, s6;
	s7 =	simm.s32 @p2 $0x1082  }
0x22: {  	[simem:s7], [sflag:s8] =	dma.local @!p0 [hbm:s6], $0xF7A  }
0x23: {  	s9 =	sor.u32 $0xD0000000, s2;
	s6 =	simm.s32 $0x108;
	_ =	swait.ge @!p0 [sflag:s8], $0x0  }
0x24: {  	s3 =	sadd.s32 $0x88, s3;
	s6 =	simm.s32 @!p1 $0x1082;
	[sflag:s4] =	ssyncset.s32 $0xFFFFF086  }
0x25: {  	[simem:s6], [sflag:s4] =	dma.local [hbm:s3], $0xF7A  }
0x26: {  	[smem:$0x3F9D] =	sst s1;
	(tag) =	ssettag s2;
	_ =	strace s9  }
0x27: {  	s1 =	sld [smem:$0x3FAD]  }
0x28: {  	s2 =	sld [smem:$0x3FAE]  }
0x29: {  	s4 =	sld [smem:$0x3FB0]  }
0x2a: {  	p0 =	seq.s32 s5, $0x0;
	s5 =	sld [smem:$0x3FB1]  }
0x2b: {  	s6 =	sld [smem:$0x3FB2]  }
0x2c: {  	s7 =	sld [smem:$0x3FB3]  }
0x2d: {  	s3 =	simm.s32 $0x108;
	s8 =	sld [smem:$0x3FB4]  }
0x2e: {  	s3 =	simm.s32 @!p0 $0x1082;
	s9 =	sld [smem:$0x3FB5]  }
0x2f: {  	lr =	sadd.s32 s0, s3;
	s0 =	sld [smem:$0x3FAC]  }
0x30: {  	s3 =	sld [smem:$0x3FAF]  }
0x31: {  	[smem:$0x3FB8] =	sst s10  }
0x32: {  	s10 =	sld [smem:$0x3FB6];
	_ =	sdelay $0x3  }
0x33: {  	p0 =	seq.s32 s10, $0x1;
	s10 =	sld [smem:$0x3FB8];
	_ =	sdelay $0x3  }
0x34: {  	[smem:$0x3FB8] =	sst s10  }
0x35: {  	s10 =	sld [smem:$0x3FB7];
	_ =	sdelay $0x3  }
0x36: {  	p1 =	seq.s32 s10, $0x1;
	s10 =	sld [smem:$0x3FB8];
	_ =	sdelay $0x3  }
0x37: {  	[smem:$0x3FB8] =	sst s10  }
0x38: {  	s10 =	sld [smem:$0x3FB9]  }
0x39: {  	_ = 	snop;
	(pc) =	sbr.ind lr, $3  }
0x3a: {  	_ = 	snop  }
0x3b: {  	_ = 	snop  }
0x3c: {  	p2 =	seq.s32 s10, $0x1;
	s10 =	sld [smem:$0x3FB8]  }
0x3d: {  	_ =	shalt  }
0x3e: {  	_ =	shalt  }
0x3f: {  	_ =	shalt  }
0x40: {  	_ =	shalt  }
0x41: {  	_ =	shalt  }
0x42: {  	_ =	shalt  }
0x43: {  	_ =	shalt  }
0x44: {  	_ =	shalt  }
0x45: {  	_ =	shalt  }
0x46: {  	_ =	shalt  }
0x47: {  	_ =	shalt  }
0x48: {  	_ =	shalt  }
0x49: {  	_ =	shalt  }
0x4a: {  	_ =	shalt  }
0x4b: {  	_ =	shalt  }
0x4c: {  	_ =	shalt  }
0x4d: {  	_ =	shalt  }
0x4e: {  	_ =	shalt  }
0x4f: {  	_ =	shalt  }
0x50: {  	_ =	shalt  }
0x51: {  	_ =	shalt  }
0x52: {  	_ =	shalt  }
0x53: {  	_ =	shalt  }
0x54: {  	_ =	shalt  }
0x55: {  	_ =	shalt  }
0x56: {  	_ =	shalt  }
0x57: {  	_ =	shalt  }
0x58: {  	_ =	shalt  }
0x59: {  	_ =	shalt  }
0x5a: {  	_ =	shalt  }
0x5b: {  	_ =	shalt  }
0x5c: {  	_ =	shalt  }
0x5d: {  	_ =	shalt  }
0x5e: {  	_ =	shalt  }
0x5f: {  	_ =	shalt  }
0x60: {  	_ =	shalt  }
0x61: {  	_ =	shalt  }
0x62: {  	_ =	shalt  }
0x63: {  	_ =	shalt  }
0x64: {  	_ =	shalt  }
0x65: {  	_ =	shalt  }
0x66: {  	_ =	shalt  }
0x67: {  	_ =	shalt  }
0x68: {  	_ =	shalt  }
0x69: {  	_ =	shalt  }
0x6a: {  	_ =	shalt  }
0x6b: {  	_ =	shalt  }
0x6c: {  	_ =	shalt  }
0x6d: {  	_ =	shalt  }
0x6e: {  	_ =	shalt  }
0x6f: {  	_ =	shalt  }
0x70: {  	_ =	shalt  }
0x71: {  	_ =	shalt  }
0x72: {  	_ =	shalt  }
0x73: {  	_ =	shalt  }
0x74: {  	_ =	shalt  }
0x75: {  	_ =	shalt  }
0x76: {  	_ =	shalt  }
0x77: {  	_ =	shalt  }
0x78: {  	_ =	shalt  }
0x79: {  	_ =	shalt  }
0x7a: {  	_ =	shalt  }
0x7b: {  	_ =	shalt  }
0x7c: {  	_ =	shalt  }
0x7d: {  	_ =	shalt  }
0x7e: {  	_ =	shalt  }
0x7f: {  	_ =	shalt  }
0x80: {  	_ =	shalt  }
0x81: {  	_ =	shalt  }
0x82: {  	_ =	shalt  }
0x83: {  	_ =	shalt  }
0x84: {  	_ =	shalt  }
0x85: {  	_ =	shalt  }
0x86: {  	_ =	shalt  }
0x87: {  	_ =	shalt  }
.Lfunc_end0:
.L_simem_size_0:
called_computation_lowered:
.L_overlay_start_0:
0x88: {  	s2 =	sld [smem:$0x3FD9]  }
0x89: {  	s3 =	sld [smem:$0x3FFE];
	_ =	sdelay $0x1  }
0x8a: {  	s1 =	srdreg.scid  }
0x8b: {  	s0 =	sand.u32 $0x1, s1  }
0x8c: {  	s17 =	sshll.u32 s0, $0xA;
	s2 =	sadd.s32 s3, s2  }
0x8d: {  	s2 =	sadd.s32 s2, s17  }
0x8e: {  	[smem:$0x3FC4] =	sst s2  }
0x8f: {  	_ = 	snop  }
0x90: {  	s2 =	sld [smem:$0x3FD0];
	(tm) =	ssettm $0x1  }
0x91: {  	s18 =	sld [smem:$0x3FFB];
	_ =	sdelay $0x3  }
0x92: {  	_ =	strace s18  }
0x93: {  	s3 =	sld [smem:$0x3FFC];
	_ =	sdelay $0x3  }
0x94: {  	_ =	strace s3  }
0x95: {  	s3 =	sld [smem:$0x3FFD];
	_ =	sdelay $0x3  }
0x96: {  	_ =	strace s3  }
0x97: {  	_ =	strace $0x8FFFFFFF  }
0x98: {  	s19 =	sld [smem:$0x3FDB];
	_ =	sdelay $0x1  }
0x99: {  	s4 =	simm.s32 $_scs_section_size  }
0x9a: {  	s5 =	simm.s32 $_size__tile_overlayer_lowered;
	s6 =	simm.s32 $_tile_overlayer_lowered  }
0x9b: {  	s22 =	simm.s32 $0x1BFF;
	s21 =	sshll.u32 s6, $0x1;
	s3 =	sadd.s32 s4, s19  }
0x9c: {  	s7 =	simm.s32 $0x0;
	s20 =	sshll.u32 s5, $0x1;
	s5 =	sadd.s32 s21, s3  }
0x9d: {  	[timem:s7], [sflag:s22] =	dma.local [hbm:s5], s20  }
0x9e: {  	_ =	swait.ge [sflag:s22], s20  }
0x9f: {  	s4 =	ssub.s32 $0x0, s20;
	[sflag:s22] =	ssyncset.done $0x0  }
0xa0: {  	[sflag:s22] =	ssyncadd.s32 s4;
	_ =	sdelay $0x1  }
0xa1: {  	s23 =	simm.s32 $0x1B8B  }
0xa2: {  	_ =	swait.ge [sflag:s23], $0x1  }
0xa3: {  	[sflag:s23] =	ssyncset.done $0x0  }
0xa4: {  	s25 =	simm.s32 $0x1B8E;
	s24 =	sld [smem:$0x3FFE];
	[sflag:s23] =	ssyncadd.s32 $0xFFFFFFFF  }
0xa5: {  	s26 =	simm.s32 $execute0_lowered;
	[smem:$0x3FD2] =	sst s25  }
0xa6: {  	s5 =	sshll.u32 s26, $0x1;
	_ =	strace $0x80000046;
	[dreg:$0x1] =	wrdreg $0xFFFFFFFF  }
0xa7: {  	s28 =	simm.s32 $_size_execute0_lowered;
	s3 =	sadd.s32 s3, s5;
	[dreg:$0x0] =	wrdreg $0x0  }
0xa8: {  	s5 =	sshll.u32 s28, $0x1;
	[dreg:$0x2] =	wrdreg s3  }
0xa9: {  	[dreg:$0x3] =	wrdreg s5  }
0xaa: {  	[dreg:$0x4] =	wrdreg $0xC0  }
0xab: {  	_ =	task [dreg:s7], $0x5FFFF  }
0xac: {  	[dreg:$0x1] =	wrdreg $0xFFFFFFFF  }
0xad: {  	[dreg:$0x0] =	wrdreg $0x60  }
0xae: {  	[dreg:$0x2] =	wrdreg s24  }
0xaf: {  	[dreg:$0x3] =	wrdreg s2  }
0xb0: {  	[dreg:$0x4] =	wrdreg $0x126F00  }
0xb1: {  	[dreg:$0x5] =	wrdreg $0x9  }
0xb2: {  	_ =	task.clear_ibuf [dreg:s7], $0x6FFFF;
	_ =	strace $0x90000046  }
0xb3: {  	s29 =	simm.s32 $0x9;
	_ =	strace $0x80000048  }
0xb4: {  	_ =	swait.ge [sflag:s29], $0x1  }
0xb5: {  	[sflag:s29] =	ssyncadd.s32 $0xFFFFFFFF  }
0xb6: {  	_ =	strace $0x90000048  }
0xb7: {  	_ =	sfence  }
0xb8: {  	s30 =	sld [smem:$0x0];
	_ =	sdelay $0x2  }
0xb9: {  	s31 =	sshll.u32 s1, $0xD;
	s1 =	sshrl.u32 s1, $0x2  }
0xba: {  	s3 =	sand.u32 $0x4000, s31;
	s1 =	sadd.s32 s1, s30  }
0xbb: {  	s0 =	sor.u32 s3, s0;
	s1 =	sshll.u32 s1, $0x11  }
0xbc: {  	s0 =	sor.u32 s1, s0  }
0xbd: {  	s0 =	sadd.s32 $0x8F2B, s0  }
0xbe: {  	[sflag:s0] =	ssyncadd.remote.s32 $0x1  }
0xbf: {  	_ =	sfence.sel $0xFFFF  }
0xc0: {  	[dreg:$0x0] =	wrdreg $0xFFFFFFFF;
	(pc) =	sbr.abs _section_cstart, $3  }
0xc1: {  	[dreg:$0x1] =	wrdreg $0xFFFFFFFF  }
0xc2: {  	_ =	task.clear_ibuf [dreg:s7], $0x2FFFF;
	_ =	strace $0x9FFFFFFF  }
0xc3: {  	(tm) =	ssettm $0x7FFFFFFF  }
tec
execute0_lowered:
.L_overlay_start_1:
0x0: {  	(tag) =	ssettag $0x1  }
0x1: {  	s4 =	rddreg [dreg:$0x0]  }
0x2: {  	s11 =	rddreg [dreg:$0x1]  }
0x3: {  	s2 =	rddreg [dreg:$0x2]  }
0x4: {  	s0 =	rddreg [dreg:$0x3]  }
0x5: {  	s1 =	stileid.u32;
	s5 =	srdreg.scid;
	s3 =	simm.s32 $0x0  }
0x6: {  	s16 =	simm.s32 $0x6200;
	s17 =	simm.s32 $0x12680;
	s18 =	simm.s32 $0x80  }
0x7: {  	s19 =	simm.s32 $0x12600;
	s20 =	simm.s32 $0x1;
	s21 =	simm.s32 $0xC400  }
0x8: {  	s22 =	simm.s32 $0x0;
	s12 =	sand.u32 $0x1, s5;
	s26 =	sshll.u32 s1, $0x1  }
0x9: {  	[smem:$0x7FF] =	sst s3;
	s6 =	smul.u32 $0x188, s1;
	s7 =	sadd.s32 $0x4000, s4  }
0xa: {  	p0 =	slt.u32 s1, $0x5;
	s31 =	smul.u32 $0x3100, s1;
	p1 =	sgt.u32 s1, $0x4  }
0xb: {  	s5 =	sor.u32 s12, s26;
	_ =	strace $0x80000047;
	s28 =	ssub.s32 $0x2, s12  }
0xc: {  	s8 =	smul.u32 $0xC3, s5;
	s14 =	sadd.s32 s6, s4;
	s29 =	smin.u32 s5, $0xA  }
0xd: {  	s30 =	sshrl.u32 s28, $0x1;
	s4 =	simm.s32 $0xC4;
	s9 =	sshrl.u32 s31, $0x2  }
0xe: {  	s13 =	ssub.s32 s28, s30;
	s4 =	simm.s32 @!p0 $0xC3;
	s9 =	sadd.s32 s9, s2  }
.Ltmp0:
0xf: {  	p0 =	seq.s32 s12, $0x1;
	s8 =	sadd.s32 s29, s8;
	(pc) =	sbr.rel .LBB2_1-.Ltmp0, $4  }
0x10: {  	s12 =	smax.u32 s13, $0x1;
	s13 =	sadd.s32 $0x34E00, s14;
	s10 =	sshll.u32 s8, $0x4  }
0x11: {  	s14 =	sadd.s32 $0x36800, s14;
	s5 =	sadd.s32 s7, s10;
	s15 =	sadd.s32 $0xC30, s10  }
0x12: {  	s10 =	sadd.s32 s11, s10;
	s6 =	sadd.s32 $0x186A0, s5;
	s7 =	sadd.s32 s7, s15  }
0x13: {  	v0 =	vimm.f32 $0.0e+00;
	v1 =	vimm.f32 $1.000000000e+00;
	s8 =	sadd.s32 $0x192D0, s5;
	s11 =	sadd.s32 s11, s15;
	s15 =	simm.s32 $0x2  }
.LBB2_10:
0x14: {  	[sflag:s15] =	ssyncadd.s32 $0xFFFFFF90  }
.LBB2_14:
0x15: {  	s22 =	sadd.s32 $0x1, s22  }
0x16: {  	p2 =	sne.s32 s22, s12  }
.Ltmp1:
0x17: {  	_ = 	snop;
	(pc) =	sbr.rel @!p2 .LBB2_15-.Ltmp1, $1  }
0x18: {  	_ =	sdelay $0x3  }
.LBB2_1:
0x19: {  	[tilespmem:s3], [sflag:$0x2] =	stream.linear.gather [hbm4b:s5+s3], $0x6180, $0x38;
	[tilespmem:$0x13330] =	vst v63  }
0x1a: {  	_ =	swait.ge [sflag:s15], $0x6180  }
0x1b: {  	[sflag:s15] =	ssyncset.done $0x0  }
0x1c: {  	[sflag:s15] =	ssyncadd.s32 $0xFFFF9E80  }
0x1d: {  	[tilespmem:s16], [sflag:$0x2] =	stream.linear.gather [hbm4b:s6+s3], $0x6180, $0x38;
	[tilespmem:$0x13330] =	vst v63  }
0x1e: {  	_ =	swait.ge [sflag:s15], $0x6180  }
0x1f: {  	[sflag:s15] =	ssyncset.done $0x0  }
0x20: {  	s23 =	simm.s32 @!p1 $0x0;
	s24 =	simm.s32 @!p1 $0x6180;
	[sflag:s15] =	ssyncadd.s32 $0xFFFF9E80  }
0x21: {  	[tilespmem:s24], [sflag:$0x2] =	stream.linear.gather @!p1 [hbm4b:s7+s23], $0x80, $0x38;
	[tilespmem:$0x13330] =	vst v63  }
0x22: {  	s24 =	simm.s32 @!p1 $0x2  }
0x23: {  	_ =	swait.ge @!p1 [sflag:s24], $0x80  }
0x24: {  	[sflag:s24] =	ssyncset.done @!p1 $0x0  }
0x25: {  	s25 =	simm.s32 @!p1 $0xC380;
	[sflag:s24] =	ssyncadd.s32 @!p1 $0xFFFFFF80  }
0x26: {  	[tilespmem:s25], [sflag:$0x2] =	stream.linear.gather @!p1 [hbm4b:s8+s23], $0x80, $0x38;
	[tilespmem:$0x13330] =	vst v63  }
0x27: {  	_ =	swait.ge @!p1 [sflag:s24], $0x80  }
0x28: {  	[sflag:s24] =	ssyncset.done @!p1 $0x0  }
0x29: {  	[sflag:s24] =	ssyncadd.s32 @!p1 $0xFFFFFF80  }
0x2a: {  	[tilespmem:$0x12680] =	vst v0  }
0x2b: {  	[tilespmem:$0x12690] =	vst v0  }
0x2c: {  	[tilespmem:$0x126A0] =	vst v0  }
0x2d: {  	[tilespmem:$0x126B0] =	vst v0  }
0x2e: {  	[tilespmem:$0x126C0] =	vst v0  }
0x2f: {  	[tilespmem:$0x126D0] =	vst v0  }
0x30: {  	s31 =	sadd.s32 $0x0, s9;
	[tilespmem:$0x126E0] =	vst v0  }
0x31: {  	[spmem:s31] =	stream.linear.scatter [tilespmem:s17], [sflag:$0x2], $0x70, $0x38;
	[tilespmem:$0x13330] =	vst v63  }
0x32: {  	s23 =	simm.s32 $0x1C0;
	_ =	swait.ge [sflag:s15], $0x70  }
.LBB2_2:
0x33: {  	s24 =	sshra.s32 s23, $0x2;
	[sflag:s15] =	ssyncset.done $0x0;
	p2 =	sne.s32 s23, $0x2F40  }
.Ltmp2:
0x34: {  	s24 =	sadd.s32 s24, s9;
	[sflag:s15] =	ssyncadd.s32 $0xFFFFFF90;
	(pc) =	sbr.rel @p2 .LBB2_2-.Ltmp2, $3  }
0x35: {  	[spmem:s24] =	stream.linear.scatter [tilespmem:s17], [sflag:$0x2], $0x70, $0x38;
	[tilespmem:$0x13330] =	vst v63  }
0x36: {  	s23 =	sadd.s32 $0x1C0, s23;
	_ =	sdelay $0x1  }
0x37: {  	_ =	swait.ge [sflag:s15], $0x70  }
0x38: {  	[sflag:s15] =	ssyncset.done $0x0  }
0x39: {  	[sflag:s15] =	ssyncadd.s32 $0xFFFFFF90  }
0x3a: {  	[tilespmem:$0x12600] =	vst v1  }
0x3b: {  	[tilespmem:$0x12610] =	vst v1  }
0x3c: {  	[tilespmem:$0x12620] =	vst v1  }
0x3d: {  	[tilespmem:$0x12630] =	vst v1  }
0x3e: {  	[tilespmem:$0x12640] =	vst v1  }
0x3f: {  	[tilespmem:$0x12650] =	vst v1  }
0x40: {  	[tilespmem:$0x12660] =	vst v1  }
0x41: {  	s24 =	simm.s32 $0x40;
	[tilespmem:$0x12670] =	vst v1  }
0x42: {  	s23 =	simm.s32 $0x6240;
	v2 =	vld [tilespmem:s24+$0xFFFFFFC0]  }
0x43: {  	v3 =	vld [tilespmem:s23+$0xFFFFFFC0];
	_ =	sdelay $0x4  }
0x44: {  	vm0 =	veq.s32 v2, v3  }
0x45: {  	s25 =	simm.s32 $0xC440;
	v2 =	vsel vm0, $0xC350, v2  }
0x46: {  	[tilespmem:s25+$0xFFFFFFC0] =	vst v2  }
0x47: {  	v2 =	vld [tilespmem:s24+$0xFFFFFFD0]  }
0x48: {  	v3 =	vld [tilespmem:s23+$0xFFFFFFD0];
	_ =	sdelay $0x4  }
0x49: {  	vm10 =	veq.s32 v2, v3  }
0x4a: {  	v2 =	vsel vm10, $0xC350, v2  }
0x4b: {  	[tilespmem:s25+$0xFFFFFFD0] =	vst v2  }
0x4c: {  	v2 =	vld [tilespmem:s24+$0xFFFFFFE0]  }
0x4d: {  	v3 =	vld [tilespmem:s23+$0xFFFFFFE0];
	_ =	sdelay $0x4  }
0x4e: {  	vm11 =	veq.s32 v2, v3  }
0x4f: {  	v2 =	vsel vm11, $0xC350, v2  }
0x50: {  	[tilespmem:s25+$0xFFFFFFE0] =	vst v2  }
0x51: {  	v2 =	vld [tilespmem:s24+$0xFFFFFFF0]  }
0x52: {  	v3 =	vld [tilespmem:s23+$0xFFFFFFF0];
	_ =	sdelay $0x4  }
0x53: {  	vm12 =	veq.s32 v2, v3  }
0x54: {  	v2 =	vsel vm12, $0xC350, v2  }
0x55: {  	[tilespmem:s25+$0xFFFFFFF0] =	vst v2  }
0x56: {  	v2 =	vld [tilespmem:s24+$0x0]  }
0x57: {  	v3 =	vld [tilespmem:s23+$0x0];
	_ =	sdelay $0x4  }
0x58: {  	vm13 =	veq.s32 v2, v3  }
0x59: {  	v2 =	vsel vm13, $0xC350, v2  }
0x5a: {  	[tilespmem:s25+$0x0] =	vst v2  }
0x5b: {  	v2 =	vld [tilespmem:s24+$0x10]  }
0x5c: {  	v3 =	vld [tilespmem:s23+$0x10];
	_ =	sdelay $0x4  }
0x5d: {  	vm14 =	veq.s32 v2, v3  }
0x5e: {  	v2 =	vsel vm14, $0xC350, v2  }
0x5f: {  	[tilespmem:s25+$0x10] =	vst v2  }
0x60: {  	v2 =	vld [tilespmem:s24+$0x20]  }
0x61: {  	v3 =	vld [tilespmem:s23+$0x20];
	_ =	sdelay $0x2  }
0x62: {  	p2 =	sne.s32 s4, $0x1  }
.Ltmp3:
0x63: {  	_ = 	snop;
	(pc) =	sbr.rel @!p2 .LBB2_5-.Ltmp3, $4  }
0x64: {  	vm15 =	veq.s32 v2, v3  }
0x65: {  	v2 =	vsel vm15, $0xC350, v2  }
0x66: {  	[tilespmem:s25+$0x20] =	vst v2  }
0x67: {  	s26 =	sadd.s32 $0xFFFFFFFF, s4;
	s28 =	simm.s32 $0xC440;
	v2 =	vld [tilespmem:s24+$0x30]  }
.LBB2_4:
0x68: {  	v3 =	vld [tilespmem:s23+$0x30];
	s24 =	sadd.s32 $0x80, s24;
	s23 =	sadd.s32 $0x80, s23;
	s28 =	sadd.s32 $0x80, s28  }
0x69: {  	p2 =	sne.s32 s26, $0x1;
	s26 =	sadd.s32 $0xFFFFFFFF, s26;
	_ =	sdelay $0x3  }
0x6a: {  	vm0 =	veq.s32 v2, v3  }
0x6b: {  	v2 =	vsel vm0, $0xC350, v2  }
0x6c: {  	[tilespmem:s25+$0x30] =	vst v2;
	s25 =	smov.u32 s28  }
0x6d: {  	v2 =	vld [tilespmem:s24+$0xFFFFFFC0]  }
0x6e: {  	v3 =	vld [tilespmem:s23+$0xFFFFFFC0];
	_ =	sdelay $0x4  }
0x6f: {  	vm0 =	veq.s32 v2, v3  }
0x70: {  	v2 =	vsel vm0, $0xC350, v2  }
0x71: {  	[tilespmem:s28+$0xFFFFFFC0] =	vst v2  }
0x72: {  	v2 =	vld [tilespmem:s24+$0xFFFFFFD0]  }
0x73: {  	v3 =	vld [tilespmem:s23+$0xFFFFFFD0];
	_ =	sdelay $0x4  }
0x74: {  	vm0 =	veq.s32 v2, v3  }
0x75: {  	v2 =	vsel vm0, $0xC350, v2  }
0x76: {  	[tilespmem:s28+$0xFFFFFFD0] =	vst v2  }
0x77: {  	v2 =	vld [tilespmem:s24+$0xFFFFFFE0]  }
0x78: {  	v3 =	vld [tilespmem:s23+$0xFFFFFFE0];
	_ =	sdelay $0x4  }
0x79: {  	vm0 =	veq.s32 v2, v3  }
0x7a: {  	v2 =	vsel vm0, $0xC350, v2  }
0x7b: {  	[tilespmem:s28+$0xFFFFFFE0] =	vst v2  }
0x7c: {  	v2 =	vld [tilespmem:s24+$0xFFFFFFF0]  }
0x7d: {  	v3 =	vld [tilespmem:s23+$0xFFFFFFF0];
	_ =	sdelay $0x4  }
0x7e: {  	vm0 =	veq.s32 v2, v3  }
0x7f: {  	v2 =	vsel vm0, $0xC350, v2  }
0x80: {  	[tilespmem:s28+$0xFFFFFFF0] =	vst v2  }
0x81: {  	v2 =	vld [tilespmem:s24+$0x0]  }
0x82: {  	v3 =	vld [tilespmem:s23+$0x0];
	_ =	sdelay $0x4  }
0x83: {  	vm0 =	veq.s32 v2, v3  }
0x84: {  	v2 =	vsel vm0, $0xC350, v2  }
0x85: {  	[tilespmem:s28+$0x0] =	vst v2  }
0x86: {  	v2 =	vld [tilespmem:s24+$0x10]  }
0x87: {  	v3 =	vld [tilespmem:s23+$0x10];
	_ =	sdelay $0x4  }
0x88: {  	vm0 =	veq.s32 v2, v3  }
0x89: {  	v2 =	vsel vm0, $0xC350, v2  }
0x8a: {  	[tilespmem:s28+$0x10] =	vst v2  }
0x8b: {  	v2 =	vld [tilespmem:s24+$0x20]  }
0x8c: {  	v3 =	vld [tilespmem:s23+$0x20];
	_ =	sdelay $0x3  }
.Ltmp4:
0x8d: {  	(pc) =	sbr.rel @p2 .LBB2_4-.Ltmp4, $4  }
0x8e: {  	vm0 =	veq.s32 v2, v3  }
0x8f: {  	v2 =	vsel vm0, $0xC350, v2  }
0x90: {  	[tilespmem:s28+$0x20] =	vst v2  }
0x91: {  	v2 =	vld [tilespmem:s24+$0x30]  }
.LBB2_5:
0x92: {  	v3 =	vld [tilespmem:s23+$0x30];
	_ =	sdelay $0x4  }
0x93: {  	vm0 =	veq.s32 v2, v3  }
0x94: {  	p3 =	sne.s32 s4, $0x1;
	v2 =	vsel vm0, $0xC350, v2  }
.Ltmp5:
0x95: {  	p2 =	por $0x1, $0x1;
	[tilespmem:s25+$0x30] =	vst v2;
	(pc) =	sbr.rel @!p3 .LBB2_7-.Ltmp5, $4  }
0x96: {  	s24 =	simm.s32 @!p2 $0x1;
	[bflag:$0x0] =	sbarrier.arrive $0xFFFF  }
0x97: {  	_ =	swait.ge @!p2 [sflag:s24], $0x80  }
0x98: {  	s23 =	simm.s32 $0x1;
	[sflag:s24] =	ssyncset.done @!p2 $0x0  }
0x99: {  	s25 =	simm.s32 $0xC400;
	[sflag:s24] =	ssyncadd.s32 @!p2 $0xFFFFFF80;
	s24 =	simm.s32 $0xC480  }
.LBB2_6:
0x9a: {  	[spmem:s2] =	stream.indirect.scatter.add.f32 [tilespmem:s19], [sflag:$0x1], $0x1, s25, s18, $0xb8;
	[tilespmem:$0x13330] =	vst v63  }
0x9b: {  	p2 =	slt.u32 s23, $0x8;
	s23 =	sadd.s32 $0x1, s23  }
0x9c: {  	p3 =	sne.s32 s4, s23  }
.Ltmp6:
0x9d: {  	(pc) =	sbr.rel @p3 .LBB2_6-.Ltmp6, $4  }
0x9e: {  	s25 =	smov.u32 s24;
	s26 =	simm.s32 @!p2 $0x1  }
0x9f: {  	_ =	swait.ge @!p2 [sflag:s26], $0x80  }
0xa0: {  	[sflag:s26] =	ssyncset.done @!p2 $0x0  }
0xa1: {  	s24 =	sadd.s32 $0x80, s24;
	[sflag:s26] =	ssyncadd.s32 @!p2 $0xFFFFFF80  }
.LBB2_7:
0xa2: {  	[spmem:s2] =	stream.indirect.scatter.add.f32 [tilespmem:s19], [sflag:$0x1], $0x1, s25, s18, $0xb8;
	[tilespmem:$0x13330] =	vst v63  }
0xa3: {  	_ =	swait.ge [sflag:s20], $0x80  }
0xa4: {  	[sflag:s20] =	ssyncset.done $0x0  }
0xa5: {  	[sflag:s20] =	ssyncadd.s32 $0xFFFFFF80  }
0xa6: {  	_ =	swait.ge [sflag:s20], $0x80  }
0xa7: {  	[sflag:s20] =	ssyncset.done $0x0  }
0xa8: {  	[sflag:s20] =	ssyncadd.s32 $0xFFFFFF80  }
0xa9: {  	_ =	swait.ge [sflag:s20], $0x80  }
0xaa: {  	[sflag:s20] =	ssyncset.done $0x0  }
0xab: {  	[sflag:s20] =	ssyncadd.s32 $0xFFFFFF80  }
0xac: {  	_ =	swait.ge [sflag:s20], $0x80  }
0xad: {  	[sflag:s20] =	ssyncset.done $0x0  }
0xae: {  	[sflag:s20] =	ssyncadd.s32 $0xFFFFFF80  }
0xaf: {  	_ =	swait.ge [sflag:s20], $0x80  }
0xb0: {  	[sflag:s20] =	ssyncset.done $0x0  }
0xb1: {  	[sflag:s20] =	ssyncadd.s32 $0xFFFFFF80  }
0xb2: {  	_ =	swait.ge [sflag:s20], $0x80  }
0xb3: {  	[sflag:s20] =	ssyncset.done $0x0  }
0xb4: {  	[sflag:s20] =	ssyncadd.s32 $0xFFFFFF80  }
0xb5: {  	_ =	swait.ge [sflag:s20], $0x80  }
0xb6: {  	[sflag:s20] =	ssyncset.done $0x0  }
0xb7: {  	[sflag:s20] =	ssyncadd.s32 $0xFFFFFF80  }
0xb8: {  	_ =	swait.ge [sflag:s20], $0x80  }
0xb9: {  	[sflag:s20] =	ssyncset.done $0x0  }
0xba: {  	[sflag:s20] =	ssyncadd.s32 $0xFFFFFF80  }
0xbb: {  	[hbm4b:s10+s3] =	stream.linear.scatter [tilespmem:s21], [sflag:$0x2], $0x6180, $0x38;
	[tilespmem:$0x13330] =	vst v63  }
0xbc: {  	_ =	swait.ge [sflag:s15], $0x6180  }
0xbd: {  	[sflag:s15] =	ssyncset.done $0x0  }
0xbe: {  	s23 =	simm.s32 @!p1 $0x0;
	s24 =	simm.s32 @!p1 $0x12580;
	[sflag:s15] =	ssyncadd.s32 $0xFFFF9E80  }
0xbf: {  	[hbm4b:s11+s23] =	stream.linear.scatter @!p1 [tilespmem:s24], [sflag:$0x2], $0x80, $0x38;
	[tilespmem:$0x13330] =	vst v63  }
0xc0: {  	s23 =	simm.s32 @!p1 $0x2  }
.Ltmp7:
0xc1: {  	_ =	swait.ge @!p1 [sflag:s23], $0x80;
	(pc) =	sbr.rel @!p0 .LBB2_8-.Ltmp7, $3  }
0xc2: {  	[sflag:s23] =	ssyncset.done @!p1 $0x0  }
0xc3: {  	[sflag:s23] =	ssyncadd.s32 @!p1 $0xFFFFFF80  }
0xc4: {  	[bflag:$0x0] =	sbarrier.arrive $0xFFFF;
	_ =	sdelay $0x1  }
0xc5: {  	[tilespmem:s17], [sflag:$0x2] =	stream.linear.gather [spmem:s9], $0x70, $0x38;
	[tilespmem:$0x13330] =	vst v63  }
0xc6: {  	_ =	swait.ge [sflag:s15], $0x70  }
0xc7: {  	[sflag:s15] =	ssyncset.done $0x0  }
0xc8: {  	s23 =	sadd.s32 $0x0, s14;
	[sflag:s15] =	ssyncadd.s32 $0xFFFFFF90  }
0xc9: {  	[hbm4b:s23+s3] =	stream.linear.scatter [tilespmem:s17], [sflag:$0x2], $0x70, $0x38;
	[tilespmem:$0x13330] =	vst v63  }
0xca: {  	_ =	swait.ge [sflag:s15], $0x70  }
0xcb: {  	s24 =	smov.u32 s9;
	s23 =	simm.s32 $0xE;
	[sflag:s15] =	ssyncset.done $0x0  }
.LBB2_12:
0xcc: {  	p2 =	sne.s32 s23, $0x17A;
	[sflag:s15] =	ssyncadd.s32 $0xFFFFFF90;
	s24 =	sadd.s32 $0x70, s24  }
0xcd: {  	[tilespmem:s17], [sflag:$0x2] =	stream.linear.gather [spmem:s24], $0x70, $0x38;
	[tilespmem:$0x13330] =	vst v63  }
0xce: {  	s25 =	smov.u32 s23;
	s23 =	sadd.s32 $0xE, s23;
	_ =	swait.ge [sflag:s15], $0x70  }
.Ltmp8:
0xcf: {  	[sflag:s15] =	ssyncset.done $0x0;
	(pc) =	sbr.rel @p2 .LBB2_12-.Ltmp8, $4  }
0xd0: {  	s25 =	sadd.s32 s25, s14;
	[sflag:s15] =	ssyncadd.s32 $0xFFFFFF90  }
0xd1: {  	[hbm4b:s25+s3] =	stream.linear.scatter [tilespmem:s17], [sflag:$0x2], $0x70, $0x38;
	[tilespmem:$0x13330] =	vst v63  }
0xd2: {  	_ =	swait.ge [sflag:s15], $0x70  }
0xd3: {  	[sflag:s15] =	ssyncset.done $0x0  }
.Ltmp9:
0xd4: {  	(pc) =	sbr.rel .LBB2_14-.Ltmp9, $2  }
0xd5: {  	_ =	sdelay $0x2  }
0xd6: {  	[sflag:s15] =	ssyncadd.s32 $0xFFFFFF90  }
.LBB2_8:
0xd7: {  	[tilespmem:s17], [sflag:$0x2] =	stream.linear.gather [spmem:s9], $0x70, $0x38;
	[tilespmem:$0x13330] =	vst v63  }
0xd8: {  	_ =	swait.ge [sflag:s15], $0x70  }
0xd9: {  	[sflag:s15] =	ssyncset.done $0x0  }
0xda: {  	s23 =	sadd.s32 $0x0, s13;
	[sflag:s15] =	ssyncadd.s32 $0xFFFFFF90  }
0xdb: {  	[hbm4b:s23+s3] =	stream.linear.scatter [tilespmem:s17], [sflag:$0x2], $0x70, $0x38;
	[tilespmem:$0x13330] =	vst v63  }
0xdc: {  	_ =	swait.ge [sflag:s15], $0x70  }
0xdd: {  	s24 =	smov.u32 s9;
	s23 =	simm.s32 $0xE;
	[sflag:s15] =	ssyncset.done $0x0  }
.LBB2_9:
0xde: {  	p2 =	seq.s32 s23, $0x17A;
	[sflag:s15] =	ssyncadd.s32 $0xFFFFFF90;
	s24 =	sadd.s32 $0x70, s24  }
0xdf: {  	[tilespmem:s17], [sflag:$0x2] =	stream.linear.gather [spmem:s24], $0x70, $0x38;
	[tilespmem:$0x13330] =	vst v63  }
0xe0: {  	s25 =	smov.u32 s23;
	s23 =	sadd.s32 $0xE, s23;
	_ =	swait.ge [sflag:s15], $0x70  }
.Ltmp10:
0xe1: {  	[sflag:s15] =	ssyncset.done $0x0;
	(pc) =	sbr.rel @!p2 .LBB2_9-.Ltmp10, $4  }
0xe2: {  	s25 =	sadd.s32 s25, s13;
	[sflag:s15] =	ssyncadd.s32 $0xFFFFFF90  }
0xe3: {  	[hbm4b:s25+s3] =	stream.linear.scatter [tilespmem:s17], [sflag:$0x2], $0x70, $0x38;
	[tilespmem:$0x13330] =	vst v63  }
0xe4: {  	_ =	swait.ge [sflag:s15], $0x70  }
0xe5: {  	[sflag:s15] =	ssyncset.done $0x0  }
.Ltmp11:
0xe6: {  	_ = 	snop;
	(pc) =	sbr.rel .LBB2_10-.Ltmp11, $1  }
0xe7: {  	_ =	sdelay $0x3  }
.LBB2_15:
0xe8: {  	_ =	sfence.sel $0x180000  }
0xe9: {  	[bflag:$0x0] =	sbarrier.arrive $0xFFFF  }
0xea: {  	p0 =	sne.s32 s1, $0x0;
	_ =	strace $0x90000047  }
0xeb: {  	s0 =	sadd.s32 @!p0 $0x100000, s0;
	[bflag:$0x2] =	sbarrier.arrive $0xFFFF  }
0xec: {  	[sflag:s0] =	ssyncadd.tile.s32 @!p0 $0x1;
	_ =	shalt  }
.Lfunc_end2:
_tile_overlayer_lowered:
.L_overlay_start_2:
0xed: {  	(tag) =	ssettag $0x2  }
0xee: {  	s0 =	rddreg [dreg:$0x0];
	s2 =	stileid.u32  }
0xef: {  	s1 =	rddreg [dreg:$0x1];
	p0 =	sne.s32 s2, $0x0  }
0xf0: {  	s3 =	rddreg [dreg:$0x2];
	[bflag:$0x3] =	sbarrier.arrive $0xFFFF;
	s2 =	simm.s32 @!p0 $0x1C02  }
0xf1: {  	[timem:s3], [sflag:s2] =	dma.local @!p0 [hbm:s0], s1  }
0xf2: {  	s0 =	simm.s32 @!p0 $0x2  }
0xf3: {  	_ =	swait.ge @!p0 [sflag:s0], s1  }
0xf4: {  	s1 =	ssub.s32 @!p0 $0x0, s1;
	[sflag:s0] =	ssyncset.done @!p0 $0x0  }
0xf5: {  	[sflag:s0] =	ssyncadd.s32 @!p0 s1  }
0xf6: {  	[bflag:$0x3] =	sbarrier.arrive $0xFFFF  }
0xf7: {  	_ =	shalt  }

</sc_bundles>
